<compile_context>
chip_gen: v7x
topology: tpu7x:2x2x1
jax: 0.10.2.dev20260603
libtpu: 0.0.44.dev20260713+nightly
codegen_flags: <defaults>
</compile_context>

<pallas_src>
import functools

import jax
import jax.numpy as jnp
from jax import lax
from jax.experimental import pallas as pl
from jax.experimental.pallas import tpu as pltpu
from jax.experimental.pallas import tpu_sc as plsc

NC = 2
NS = 16
NW = NC * NS
L = 16

B = 32
C = 5
HW = 256 * 256

_LN2 = 0.6931471805599453


_LOG_COEF = (-0.17527881874048135, 1.04415463971721, -2.5870129281192304,
             3.742640708592355,
             -2.0244418109730313 - 127.0 * _LN2)


def _vlog(x):
    bits = lax.bitcast_convert_type(x, jnp.int32)
    eb = jnp.right_shift(bits + 0x00400000, 23)
    m = lax.bitcast_convert_type(
        bits - jnp.left_shift(eb, 23) + (127 << 23), jnp.float32)
    p = _LOG_COEF[0]
    for c in _LOG_COEF[1:]:
        p = p * m + c
    return eb.astype(jnp.float32) * _LN2 + p


_mesh = plsc.VectorSubcoreMesh(core_axis_name="c", subcore_axis_name="s")


UNROLL = 4
IPR = 256 // (L * UNROLL)
IPR_SHIFT = IPR.bit_length() - 1


CROWS = 64
NCHUNK = 256 // CROWS


@functools.partial(
    pl.kernel,
    out_type=jax.ShapeDtypeStruct((NW, 4, L), jnp.float32),
    mesh=_mesh,
    compiler_params=pltpu.CompilerParams(needs_layout_passes=False),
    scratch_types=[
        pltpu.VMEM((CROWS, 256), jnp.float32),
        pltpu.VMEM((CROWS, 256), jnp.float32),
        pltpu.VMEM((CROWS, 256), jnp.float32),
        pltpu.VMEM((CROWS, 256), jnp.float32),
        pltpu.VMEM((4, L), jnp.float32),
        pltpu.SemaphoreType.DMA,
    ],
)
def _partials(o_hbm, t_hbm, out_hbm, o_v0, t_v0, o_v1, t_v1, acc_v, sem):
    wid = lax.axis_index("s") * NC + lax.axis_index("c")
    bufs = ((o_v0, t_v0), (o_v1, t_v1))

    def start(c, ob, tb):
        h1 = pltpu.async_copy(
            o_hbm.at[wid, 4, pl.ds(c * CROWS, CROWS), :], ob, sem)
        h2 = pltpu.async_copy(
            t_hbm.at[wid, 4, pl.ds(c * CROWS, CROWS), :], tb, sem)
        return h1, h2

    def compute_chunk(ob, tb, carry):
        def body(i, carry):
            accs = list(carry)
            r = jnp.right_shift(i, IPR_SHIFT)
            base = jnp.bitwise_and(i, IPR - 1) * (L * UNROLL)
            for u in range(UNROLL):
                o = ob[r, pl.ds(base + u * L, L)]
                y = tb[r, pl.ds(base + u * L, L)]
                l = _vlog(1.0 + jnp.exp(o)) - y * o
                negm = (y > 0.0) & (y < 0.8)
                posm = y >= 1.0
                g = 4 * (u % 2)
                accs[g + 0] = accs[g + 0] + jnp.where(negm, l, 0.0)
                accs[g + 1] = accs[g + 1] + plsc.all_reduce_population_count(negm)
                accs[g + 2] = accs[g + 2] + jnp.where(posm, l, 0.0)
                accs[g + 3] = accs[g + 3] + plsc.all_reduce_population_count(posm)
            return tuple(accs)

        return plsc.parallel_loop(
            0, CROWS * 256 // (L * UNROLL), 1, carry=tuple(carry))(body)

    h = start(0, *bufs[0])
    zf = jnp.zeros((L,), jnp.float32)
    zi = jnp.zeros((L,), jnp.int32)
    carry = (zf, zi, zf, zi, zf, zi, zf, zi)
    for c in range(NCHUNK):
        h[0].wait()
        h[1].wait()
        if c + 1 < NCHUNK:
            nxt = start(c + 1, *bufs[(c + 1) % 2])
        carry = compute_chunk(*bufs[c % 2], carry)
        if c + 1 < NCHUNK:
            h = nxt
    acc_v[0, :] = carry[0] + carry[4]
    acc_v[1, :] = (carry[1] + carry[5]).astype(jnp.float32) * (1.0 / L)
    acc_v[2, :] = carry[2] + carry[6]
    acc_v[3, :] = (carry[3] + carry[7]).astype(jnp.float32) * (1.0 / L)
    pltpu.sync_copy(acc_v, out_hbm.at[wid])


@functools.partial(
    pl.kernel,
    out_type=jax.ShapeDtypeStruct((1,), jnp.float32),
    mesh=_mesh,
    compiler_params=pltpu.CompilerParams(needs_layout_passes=False),
    scratch_types=[
        pltpu.VMEM((NW, 4, L), jnp.float32),
        pltpu.VMEM((L,), jnp.float32),
    ],
)
def _combine(parts_hbm, out_hbm, parts_v, res_v):
    wid = lax.axis_index("s") * NC + lax.axis_index("c")

    @pl.when(wid == 0)
    def _():
        pltpu.sync_copy(parts_hbm, parts_v)

        def body(w, carry):
            ns, nc, ps, pc = carry
            return (ns + parts_v[w, 0, :], nc + parts_v[w, 1, :],
                    ps + parts_v[w, 2, :], pc + parts_v[w, 3, :])

        zero = jnp.zeros((L,), jnp.float32)
        ns, nc, ps, pc = lax.fori_loop(0, NW, body, (zero, zero, zero, zero))
        ns_v = jnp.full((L,), jnp.sum(ns), jnp.float32)
        nc_v = jnp.full((L,), jnp.sum(nc), jnp.float32)
        ps_v = jnp.full((L,), jnp.sum(ps), jnp.float32)
        pc_v = jnp.full((L,), jnp.sum(pc), jnp.float32)
        loss = ns_v / jnp.maximum(nc_v, 1.0) + ps_v / jnp.maximum(pc_v, 1.0)
        res_v[...] = jnp.where(pc_v > 0.0, loss, jnp.zeros((L,), jnp.float32))
        pltpu.sync_copy(res_v.at[pl.ds(0, 1)], out_hbm)


def kernel(output, target, branch, step):
    parts = _partials(output, target)
    return _combine(parts).reshape(())

# --- scband reference (transcript-rebuilt; emitter-appended) ---
"""Pipeline reference for scband-branch-loss-45561013076270 (READ-ONLY COPY).

The authoritative reference and input builder live on the scoring server;
editing this copy changes nothing except your own understanding.
"""

import jax, jax.numpy as jnp
import numpy as np


def setup_inputs(seed: int = 0) -> dict:
    key = jax.random.key(seed)
    k1, k2 = jax.random.split(key)
    output = jax.random.normal(k1, (32, 5, 256, 256), dtype=jnp.float32)
    # target drawn from U[0,1): objectness channel never reaches 1, matching the
    # torch run with writer=None (pos_num == 0 branch, no writer.add_scalar call)
    target = jax.random.uniform(k2, (32, 5, 256, 256), dtype=jnp.float32)
    return {"output": output, "target": target, "branch": 0, "step": 1}


def reference(output, target, branch, step):
    C = target.shape[1]
    t = jnp.transpose(target, (0, 2, 3, 1)).reshape(-1, C)
    o = jnp.transpose(output, (0, 2, 3, 1)).reshape(-1, C)
    o = o.at[:, 4].set(jax.nn.sigmoid(o[:, 4]))
    t = t.at[:, 4].set(jnp.where(t[:, 4] <= 0.0, -1.0, t[:, 4]))
    pos_mask = t[:, 4] >= 1.0
    neg_mask = (t[:, 4] > 0.0) & (t[:, 4] < 0.8)
    t = t.at[:, 4].set(jnp.where((t[:, 4] < 1.0) & (t[:, 4] >= 0.8), -1.0, t[:, 4]))
    pos_num = jnp.sum(pos_mask)

    def masked_bce(p, y, mask):
        n = jnp.maximum(jnp.sum(mask), 1)
        l = -(y * jnp.log(p) + (1.0 - y) * jnp.log(1.0 - p))
        return jnp.sum(jnp.where(mask, l, 0.0)) / n

    def masked_mse(p, y, mask):
        n = jnp.maximum(jnp.sum(mask), 1) * p.shape[1]
        d = (p - y) ** 2
        return jnp.sum(jnp.where(mask[:, None], d, 0.0)) / n

    neg_pre_loss = masked_bce(o[:, 4], t[:, 4], neg_mask)
    pos_pre_loss = masked_bce(o[:, 4], t[:, 4], pos_mask)
    # pos_loc_loss is computed in the torch module but only logged, never added
    pos_loc_loss = masked_mse(o[:, :4], t[:, :4], pos_mask)
    sum_loss = neg_pre_loss + pos_pre_loss
    return jnp.where(pos_num != 0, sum_loss, 0.0)

if __name__ == "__main__":
    import jax
    _d = setup_inputs()
    print(jax.jit(kernel)(*tuple(_d.values())))

</pallas_src>

<mosaic_0001>
#map = affine_map<(d0, d1) -> (0, 0, 0, 0)>
#map1 = affine_map<(d0, d1) -> (0, 0, 0)>
module attributes {stable_mosaic.version = 14 : i64} {
  func.func @_partials(%arg0: i32, %arg1: i32, %arg2: memref<32x5x256x256xf32, #tpu.memory_space<hbm>>, %arg3: memref<32x5x256x256xf32, #tpu.memory_space<hbm>>, %arg4: memref<32x4x16xf32, #tpu.memory_space<hbm>>, %arg5: memref<64x256xf32, #tpu.memory_space<vmem>>, %arg6: memref<64x256xf32, #tpu.memory_space<vmem>>, %arg7: memref<64x256xf32, #tpu.memory_space<vmem>>, %arg8: memref<64x256xf32, #tpu.memory_space<vmem>>, %arg9: memref<4x16xf32, #tpu.memory_space<vmem>>, %arg10: memref<!tpu.dma_semaphore, #tpu.memory_space<semaphore_mem>>) attributes {dimension_semantics = [#tpu.dimension_semantics<core_parallel>, #tpu.dimension_semantics<subcore_parallel>], iteration_bounds = array<i64: 2, 16>, scalar_prefetch = 0 : i64, scratch_operands = 6 : i64, tpu.core_type = #tpu.core_type<sc_vector_subcore>, window_params = [{transform_indices = #map}, {transform_indices = #map}, {transform_indices = #map1}]} {
    %mul3A = arith.constant 2 : i32
    %mul3A_0 = arith.muli %arg1, %mul3A : i32
    %add3A = arith.addi %mul3A_0, %arg0 : i32
    %dma_start3A = arith.constant 4 : i32
    %dma_start3A_1 = arith.constant 0 : i32
    %dma_start3A_2 = arith.constant 0 : i32
    %dma_start3A_3 = tpu.memref_slice %arg2[%add3A, %dma_start3A, %dma_start3A_1, %dma_start3A_2] : memref<32x5x256x256xf32, #tpu.memory_space<hbm>> -> memref<1x1x64x256xf32, #tpu.memory_space<hbm>>
    %dma_start3A_4 = tpu.memref_squeeze %dma_start3A_3 : memref<1x1x64x256xf32, #tpu.memory_space<hbm>> -> memref<64x256xf32, #tpu.memory_space<hbm>>
    %dma_start3A_5 = arith.constant 0 : i32
    %dma_start3A_6 = arith.constant 0 : i32
    %dma_start3A_7 = tpu.memref_slice %arg2[%add3A, %dma_start3A, %dma_start3A_5, %dma_start3A_6] : memref<32x5x256x256xf32, #tpu.memory_space<hbm>> -> memref<1x1x64x256xf32, #tpu.memory_space<hbm>>
    %dma_start3A_8 = tpu.memref_squeeze %dma_start3A_7 : memref<1x1x64x256xf32, #tpu.memory_space<hbm>> -> memref<64x256xf32, #tpu.memory_space<hbm>>
    tpu.enqueue_dma source(%dma_start3A_8 : memref<64x256xf32, #tpu.memory_space<hbm>>) target(%arg5 : memref<64x256xf32, #tpu.memory_space<vmem>>) target_semaphore(%arg10 : memref<!tpu.dma_semaphore, #tpu.memory_space<semaphore_mem>>)
    %dma_start3A_9 = arith.constant 4 : i32
    %dma_start3A_10 = arith.constant 0 : i32
    %dma_start3A_11 = arith.constant 0 : i32
    %dma_start3A_12 = tpu.memref_slice %arg3[%add3A, %dma_start3A_9, %dma_start3A_10, %dma_start3A_11] : memref<32x5x256x256xf32, #tpu.memory_space<hbm>> -> memref<1x1x64x256xf32, #tpu.memory_space<hbm>>
    %dma_start3A_13 = tpu.memref_squeeze %dma_start3A_12 : memref<1x1x64x256xf32, #tpu.memory_space<hbm>> -> memref<64x256xf32, #tpu.memory_space<hbm>>
    %dma_start3A_14 = arith.constant 0 : i32
    %dma_start3A_15 = arith.constant 0 : i32
    %dma_start3A_16 = tpu.memref_slice %arg3[%add3A, %dma_start3A_9, %dma_start3A_14, %dma_start3A_15] : memref<32x5x256x256xf32, #tpu.memory_space<hbm>> -> memref<1x1x64x256xf32, #tpu.memory_space<hbm>>
    %dma_start3A_17 = tpu.memref_squeeze %dma_start3A_16 : memref<1x1x64x256xf32, #tpu.memory_space<hbm>> -> memref<64x256xf32, #tpu.memory_space<hbm>>
    tpu.enqueue_dma source(%dma_start3A_17 : memref<64x256xf32, #tpu.memory_space<hbm>>) target(%arg6 : memref<64x256xf32, #tpu.memory_space<vmem>>) target_semaphore(%arg10 : memref<!tpu.dma_semaphore, #tpu.memory_space<semaphore_mem>>)
    %broadcast_in_dim3A = arith.constant 0.000000e+00 : f32
    %broadcast_in_dim3A_18 = vector.broadcast %broadcast_in_dim3A : f32 to vector<16xf32>
    %broadcast_in_dim3A_19 = arith.constant 0 : i32
    %broadcast_in_dim3A_20 = vector.broadcast %broadcast_in_dim3A_19 : i32 to vector<16xi32>
    %dma_wait3A = arith.constant 4 : i32
    %dma_wait3A_21 = arith.constant 0 : i32
    %dma_wait3A_22 = arith.constant 0 : i32
    %dma_wait3A_23 = tpu.memref_slice %arg2[%add3A, %dma_wait3A, %dma_wait3A_21, %dma_wait3A_22] : memref<32x5x256x256xf32, #tpu.memory_space<hbm>> -> memref<1x1x64x256xf32, #tpu.memory_space<hbm>>
    %dma_wait3A_24 = tpu.memref_squeeze %dma_wait3A_23 : memref<1x1x64x256xf32, #tpu.memory_space<hbm>> -> memref<64x256xf32, #tpu.memory_space<hbm>>
    %dma_wait3A_25 = arith.constant 0 : i32
    %dma_wait3A_26 = arith.constant 0 : i32
    %dma_wait3A_27 = tpu.memref_slice %arg2[%add3A, %dma_wait3A, %dma_wait3A_25, %dma_wait3A_26] : memref<32x5x256x256xf32, #tpu.memory_space<hbm>> -> memref<1x1x64x256xf32, #tpu.memory_space<hbm>>
    %dma_wait3A_28 = tpu.memref_squeeze %dma_wait3A_27 : memref<1x1x64x256xf32, #tpu.memory_space<hbm>> -> memref<64x256xf32, #tpu.memory_space<hbm>>
    tpu.wait_dma2 semaphore(%arg10 : memref<!tpu.dma_semaphore, #tpu.memory_space<semaphore_mem>>) src(%dma_wait3A_28 : memref<64x256xf32, #tpu.memory_space<hbm>>) dst(%arg5 : memref<64x256xf32, #tpu.memory_space<vmem>>)
    %dma_wait3A_29 = arith.constant 4 : i32
    %dma_wait3A_30 = arith.constant 0 : i32
    %dma_wait3A_31 = arith.constant 0 : i32
    %dma_wait3A_32 = tpu.memref_slice %arg3[%add3A, %dma_wait3A_29, %dma_wait3A_30, %dma_wait3A_31] : memref<32x5x256x256xf32, #tpu.memory_space<hbm>> -> memref<1x1x64x256xf32, #tpu.memory_space<hbm>>
    %dma_wait3A_33 = tpu.memref_squeeze %dma_wait3A_32 : memref<1x1x64x256xf32, #tpu.memory_space<hbm>> -> memref<64x256xf32, #tpu.memory_space<hbm>>
    %dma_wait3A_34 = arith.constant 0 : i32
    %dma_wait3A_35 = arith.constant 0 : i32
    %dma_wait3A_36 = tpu.memref_slice %arg3[%add3A, %dma_wait3A_29, %dma_wait3A_34, %dma_wait3A_35] : memref<32x5x256x256xf32, #tpu.memory_space<hbm>> -> memref<1x1x64x256xf32, #tpu.memory_space<hbm>>
    %dma_wait3A_37 = tpu.memref_squeeze %dma_wait3A_36 : memref<1x1x64x256xf32, #tpu.memory_space<hbm>> -> memref<64x256xf32, #tpu.memory_space<hbm>>
    tpu.wait_dma2 semaphore(%arg10 : memref<!tpu.dma_semaphore, #tpu.memory_space<semaphore_mem>>) src(%dma_wait3A_37 : memref<64x256xf32, #tpu.memory_space<hbm>>) dst(%arg6 : memref<64x256xf32, #tpu.memory_space<vmem>>)
    %dma_start3A_38 = arith.constant 4 : i32
    %dma_start3A_39 = arith.constant 64 : i32
    %dma_start3A_40 = arith.constant 0 : i32
    %dma_start3A_41 = tpu.memref_slice %arg2[%add3A, %dma_start3A_38, %dma_start3A_39, %dma_start3A_40] : memref<32x5x256x256xf32, #tpu.memory_space<hbm>> -> memref<1x1x64x256xf32, #tpu.memory_space<hbm>>
    %dma_start3A_42 = tpu.memref_squeeze %dma_start3A_41 : memref<1x1x64x256xf32, #tpu.memory_space<hbm>> -> memref<64x256xf32, #tpu.memory_space<hbm>>
    %dma_start3A_43 = arith.constant 64 : i32
    %dma_start3A_44 = arith.constant 0 : i32
    %dma_start3A_45 = tpu.memref_slice %arg2[%add3A, %dma_start3A_38, %dma_start3A_43, %dma_start3A_44] : memref<32x5x256x256xf32, #tpu.memory_space<hbm>> -> memref<1x1x64x256xf32, #tpu.memory_space<hbm>>
    %dma_start3A_46 = tpu.memref_squeeze %dma_start3A_45 : memref<1x1x64x256xf32, #tpu.memory_space<hbm>> -> memref<64x256xf32, #tpu.memory_space<hbm>>
    tpu.enqueue_dma source(%dma_start3A_46 : memref<64x256xf32, #tpu.memory_space<hbm>>) target(%arg7 : memref<64x256xf32, #tpu.memory_space<vmem>>) target_semaphore(%arg10 : memref<!tpu.dma_semaphore, #tpu.memory_space<semaphore_mem>>)
    %dma_start3A_47 = arith.constant 4 : i32
    %dma_start3A_48 = arith.constant 64 : i32
    %dma_start3A_49 = arith.constant 0 : i32
    %dma_start3A_50 = tpu.memref_slice %arg3[%add3A, %dma_start3A_47, %dma_start3A_48, %dma_start3A_49] : memref<32x5x256x256xf32, #tpu.memory_space<hbm>> -> memref<1x1x64x256xf32, #tpu.memory_space<hbm>>
    %dma_start3A_51 = tpu.memref_squeeze %dma_start3A_50 : memref<1x1x64x256xf32, #tpu.memory_space<hbm>> -> memref<64x256xf32, #tpu.memory_space<hbm>>
    %dma_start3A_52 = arith.constant 64 : i32
    %dma_start3A_53 = arith.constant 0 : i32
    %dma_start3A_54 = tpu.memref_slice %arg3[%add3A, %dma_start3A_47, %dma_start3A_52, %dma_start3A_53] : memref<32x5x256x256xf32, #tpu.memory_space<hbm>> -> memref<1x1x64x256xf32, #tpu.memory_space<hbm>>
    %dma_start3A_55 = tpu.memref_squeeze %dma_start3A_54 : memref<1x1x64x256xf32, #tpu.memory_space<hbm>> -> memref<64x256xf32, #tpu.memory_space<hbm>>
    tpu.enqueue_dma source(%dma_start3A_55 : memref<64x256xf32, #tpu.memory_space<hbm>>) target(%arg8 : memref<64x256xf32, #tpu.memory_space<vmem>>) target_semaphore(%arg10 : memref<!tpu.dma_semaphore, #tpu.memory_space<semaphore_mem>>)
    %parallel_loop3A = arith.constant 0 : i32
    %parallel_loop3A_56 = arith.constant 256 : i32
    %parallel_loop3A_57 = arith.constant 1 : i32
    %parallel_loop3A_58:8 = scf.for %parallel_loop3A_187 = %parallel_loop3A to %parallel_loop3A_56 step %parallel_loop3A_57 iter_args(%parallel_loop3A_188 = %broadcast_in_dim3A_18, %parallel_loop3A_189 = %broadcast_in_dim3A_20, %parallel_loop3A_190 = %broadcast_in_dim3A_18, %parallel_loop3A_191 = %broadcast_in_dim3A_20, %parallel_loop3A_192 = %broadcast_in_dim3A_18, %parallel_loop3A_193 = %broadcast_in_dim3A_20, %parallel_loop3A_194 = %broadcast_in_dim3A_18, %parallel_loop3A_195 = %broadcast_in_dim3A_20) -> (vector<16xf32>, vector<16xi32>, vector<16xf32>, vector<16xi32>, vector<16xf32>, vector<16xi32>, vector<16xf32>, vector<16xi32>)  : i32 {
      %parallel_loop3A_196 = arith.constant 2 : i32
      %parallel_loop3A_197 = arith.shrsi %parallel_loop3A_187, %parallel_loop3A_196 : i32
      %parallel_loop3A_198 = arith.constant 3 : i32
      %parallel_loop3A_199 = arith.andi %parallel_loop3A_187, %parallel_loop3A_198 : i32
      %parallel_loop3A_200 = arith.constant 64 : i32
      %parallel_loop3A_201 = arith.muli %parallel_loop3A_199, %parallel_loop3A_200 : i32
      %parallel_loop3A_202 = arith.constant 0 : i32
      %parallel_loop3A_203 = arith.addi %parallel_loop3A_201, %parallel_loop3A_202 : i32
      %parallel_loop3A_204 = arith.index_cast %parallel_loop3A_197 : i32 to index
      %parallel_loop3A_205 = arith.index_cast %parallel_loop3A_203 : i32 to index
      %parallel_loop3A_206 = tpu.vector_load %arg5[%parallel_loop3A_204, %parallel_loop3A_205] {strides = array<i32>} : memref<64x256xf32, #tpu.memory_space<vmem>>, vector<16xf32>,
      %parallel_loop3A_207 = arith.constant 0 : i32
      %parallel_loop3A_208 = arith.addi %parallel_loop3A_201, %parallel_loop3A_207 : i32
      %parallel_loop3A_209 = arith.index_cast %parallel_loop3A_197 : i32 to index
      %parallel_loop3A_210 = arith.index_cast %parallel_loop3A_208 : i32 to index
      %parallel_loop3A_211 = tpu.vector_load %arg6[%parallel_loop3A_209, %parallel_loop3A_210] {strides = array<i32>} : memref<64x256xf32, #tpu.memory_space<vmem>>, vector<16xf32>,
      %parallel_loop3A_212 = math.exp %parallel_loop3A_206 : vector<16xf32>
      %parallel_loop3A_213 = arith.constant 1.000000e+00 : f32
      %parallel_loop3A_214 = vector.broadcast %parallel_loop3A_213 : f32 to vector<16xf32>
      %parallel_loop3A_215 = arith.addf %parallel_loop3A_214, %parallel_loop3A_212 : vector<16xf32>
      %parallel_loop3A_216 = tpu.bitcast %parallel_loop3A_215 : vector<16xf32> -> vector<16xi32>
      %parallel_loop3A_217 = arith.constant 4194304 : i32
      %parallel_loop3A_218 = vector.broadcast %parallel_loop3A_217 : i32 to vector<16xi32>
      %parallel_loop3A_219 = arith.addi %parallel_loop3A_216, %parallel_loop3A_218 : vector<16xi32>
      %parallel_loop3A_220 = arith.constant 23 : i32
      %parallel_loop3A_221 = vector.broadcast %parallel_loop3A_220 : i32 to vector<16xi32>
      %parallel_loop3A_222 = arith.shrsi %parallel_loop3A_219, %parallel_loop3A_221 : vector<16xi32>
      %parallel_loop3A_223 = arith.constant 23 : i32
      %parallel_loop3A_224 = vector.broadcast %parallel_loop3A_223 : i32 to vector<16xi32>
      %parallel_loop3A_225 = arith.shli %parallel_loop3A_222, %parallel_loop3A_224 : vector<16xi32>
      %parallel_loop3A_226 = arith.subi %parallel_loop3A_216, %parallel_loop3A_225 : vector<16xi32>
      %parallel_loop3A_227 = arith.constant 1065353216 : i32
      %parallel_loop3A_228 = vector.broadcast %parallel_loop3A_227 : i32 to vector<16xi32>
      %parallel_loop3A_229 = arith.addi %parallel_loop3A_226, %parallel_loop3A_228 : vector<16xi32>
      %parallel_loop3A_230 = tpu.bitcast %parallel_loop3A_229 : vector<16xi32> -> vector<16xf32>
      %parallel_loop3A_231 = arith.constant -0.175278813 : f32
      %parallel_loop3A_232 = vector.broadcast %parallel_loop3A_231 : f32 to vector<16xf32>
      %parallel_loop3A_233 = arith.mulf %parallel_loop3A_232, %parallel_loop3A_230 : vector<16xf32>
      %parallel_loop3A_234 = arith.constant 1.04415464 : f32
      %parallel_loop3A_235 = vector.broadcast %parallel_loop3A_234 : f32 to vector<16xf32>
      %parallel_loop3A_236 = arith.addf %parallel_loop3A_233, %parallel_loop3A_235 : vector<16xf32>
      %parallel_loop3A_237 = arith.mulf %parallel_loop3A_236, %parallel_loop3A_230 : vector<16xf32>
      %parallel_loop3A_238 = arith.constant -2.58701301 : f32
      %parallel_loop3A_239 = vector.broadcast %parallel_loop3A_238 : f32 to vector<16xf32>
      %parallel_loop3A_240 = arith.addf %parallel_loop3A_237, %parallel_loop3A_239 : vector<16xf32>
      %parallel_loop3A_241 = arith.mulf %parallel_loop3A_240, %parallel_loop3A_230 : vector<16xf32>
      %parallel_loop3A_242 = arith.constant 3.74264073 : f32
      %parallel_loop3A_243 = vector.broadcast %parallel_loop3A_242 : f32 to vector<16xf32>
      %parallel_loop3A_244 = arith.addf %parallel_loop3A_241, %parallel_loop3A_243 : vector<16xf32>
      %parallel_loop3A_245 = arith.mulf %parallel_loop3A_244, %parallel_loop3A_230 : vector<16xf32>
      %parallel_loop3A_246 = arith.constant -90.0541306 : f32
      %parallel_loop3A_247 = vector.broadcast %parallel_loop3A_246 : f32 to vector<16xf32>
      %parallel_loop3A_248 = arith.addf %parallel_loop3A_245, %parallel_loop3A_247 : vector<16xf32>
      %parallel_loop3A_249 = arith.sitofp %parallel_loop3A_222 : vector<16xi32> to vector<16xf32>
      %parallel_loop3A_250 = arith.constant 0.693147182 : f32
      %parallel_loop3A_251 = vector.broadcast %parallel_loop3A_250 : f32 to vector<16xf32>
      %parallel_loop3A_252 = arith.mulf %parallel_loop3A_249, %parallel_loop3A_251 : vector<16xf32>
      %parallel_loop3A_253 = arith.addf %parallel_loop3A_252, %parallel_loop3A_248 : vector<16xf32>
      %parallel_loop3A_254 = arith.mulf %parallel_loop3A_211, %parallel_loop3A_206 : vector<16xf32>
      %parallel_loop3A_255 = arith.subf %parallel_loop3A_253, %parallel_loop3A_254 : vector<16xf32>
      %parallel_loop3A_256 = arith.constant 0.000000e+00 : f32
      %parallel_loop3A_257 = vector.broadcast %parallel_loop3A_256 : f32 to vector<16xf32>
      %parallel_loop3A_258 = arith.cmpf ogt, %parallel_loop3A_211, %parallel_loop3A_257 : vector<16xf32>
      %parallel_loop3A_259 = arith.constant 8.000000e-01 : f32
      %parallel_loop3A_260 = vector.broadcast %parallel_loop3A_259 : f32 to vector<16xf32>
      %parallel_loop3A_261 = arith.cmpf olt, %parallel_loop3A_211, %parallel_loop3A_260 : vector<16xf32>
      %parallel_loop3A_262 = arith.andi %parallel_loop3A_258, %parallel_loop3A_261 : vector<16xi1>
      %parallel_loop3A_263 = arith.constant 1.000000e+00 : f32
      %parallel_loop3A_264 = vector.broadcast %parallel_loop3A_263 : f32 to vector<16xf32>
      %parallel_loop3A_265 = arith.cmpf oge, %parallel_loop3A_211, %parallel_loop3A_264 : vector<16xf32>
      %parallel_loop3A_266 = arith.constant 0.000000e+00 : f32
      %parallel_loop3A_267 = vector.broadcast %parallel_loop3A_266 : f32 to vector<16xf32>
      %parallel_loop3A_268 = arith.select %parallel_loop3A_262, %parallel_loop3A_255, %parallel_loop3A_267 : vector<16xi1>, vector<16xf32>
      %parallel_loop3A_269 = arith.addf %parallel_loop3A_188, %parallel_loop3A_268 : vector<16xf32>
      %parallel_loop3A_270 = tpu.all_reduce %parallel_loop3A_262 {dim = 0 : i64, kind = #tpu.reduction_kind<sum>} : vector<16xi1> -> vector<16xi32>
      %parallel_loop3A_271 = arith.addi %parallel_loop3A_189, %parallel_loop3A_270 : vector<16xi32>
      %parallel_loop3A_272 = arith.constant 0.000000e+00 : f32
      %parallel_loop3A_273 = vector.broadcast %parallel_loop3A_272 : f32 to vector<16xf32>
      %parallel_loop3A_274 = arith.select %parallel_loop3A_265, %parallel_loop3A_255, %parallel_loop3A_273 : vector<16xi1>, vector<16xf32>
      %parallel_loop3A_275 = arith.addf %parallel_loop3A_190, %parallel_loop3A_274 : vector<16xf32>
      %parallel_loop3A_276 = tpu.all_reduce %parallel_loop3A_265 {dim = 0 : i64, kind = #tpu.reduction_kind<sum>} : vector<16xi1> -> vector<16xi32>
      %parallel_loop3A_277 = arith.addi %parallel_loop3A_191, %parallel_loop3A_276 : vector<16xi32>
      %parallel_loop3A_278 = arith.constant 16 : i32
      %parallel_loop3A_279 = arith.addi %parallel_loop3A_201, %parallel_loop3A_278 : i32
      %parallel_loop3A_280 = arith.index_cast %parallel_loop3A_197 : i32 to index
      %parallel_loop3A_281 = arith.index_cast %parallel_loop3A_279 : i32 to index
      %parallel_loop3A_282 = tpu.vector_load %arg5[%parallel_loop3A_280, %parallel_loop3A_281] {strides = array<i32>} : memref<64x256xf32, #tpu.memory_space<vmem>>, vector<16xf32>,
      %parallel_loop3A_283 = arith.constant 16 : i32
      %parallel_loop3A_284 = arith.addi %parallel_loop3A_201, %parallel_loop3A_283 : i32
      %parallel_loop3A_285 = arith.index_cast %parallel_loop3A_197 : i32 to index
      %parallel_loop3A_286 = arith.index_cast %parallel_loop3A_284 : i32 to index
      %parallel_loop3A_287 = tpu.vector_load %arg6[%parallel_loop3A_285, %parallel_loop3A_286] {strides = array<i32>} : memref<64x256xf32, #tpu.memory_space<vmem>>, vector<16xf32>,
      %parallel_loop3A_288 = math.exp %parallel_loop3A_282 : vector<16xf32>
      %parallel_loop3A_289 = arith.constant 1.000000e+00 : f32
      %parallel_loop3A_290 = vector.broadcast %parallel_loop3A_289 : f32 to vector<16xf32>
      %parallel_loop3A_291 = arith.addf %parallel_loop3A_290, %parallel_loop3A_288 : vector<16xf32>
      %parallel_loop3A_292 = tpu.bitcast %parallel_loop3A_291 : vector<16xf32> -> vector<16xi32>
      %parallel_loop3A_293 = arith.constant 4194304 : i32
      %parallel_loop3A_294 = vector.broadcast %parallel_loop3A_293 : i32 to vector<16xi32>
      %parallel_loop3A_295 = arith.addi %parallel_loop3A_292, %parallel_loop3A_294 : vector<16xi32>
      %parallel_loop3A_296 = arith.constant 23 : i32
      %parallel_loop3A_297 = vector.broadcast %parallel_loop3A_296 : i32 to vector<16xi32>
      %parallel_loop3A_298 = arith.shrsi %parallel_loop3A_295, %parallel_loop3A_297 : vector<16xi32>
      %parallel_loop3A_299 = arith.constant 23 : i32
      %parallel_loop3A_300 = vector.broadcast %parallel_loop3A_299 : i32 to vector<16xi32>
      %parallel_loop3A_301 = arith.shli %parallel_loop3A_298, %parallel_loop3A_300 : vector<16xi32>
      %parallel_loop3A_302 = arith.subi %parallel_loop3A_292, %parallel_loop3A_301 : vector<16xi32>
      %parallel_loop3A_303 = arith.constant 1065353216 : i32
      %parallel_loop3A_304 = vector.broadcast %parallel_loop3A_303 : i32 to vector<16xi32>
      %parallel_loop3A_305 = arith.addi %parallel_loop3A_302, %parallel_loop3A_304 : vector<16xi32>
      %parallel_loop3A_306 = tpu.bitcast %parallel_loop3A_305 : vector<16xi32> -> vector<16xf32>
      %parallel_loop3A_307 = arith.constant -0.175278813 : f32
      %parallel_loop3A_308 = vector.broadcast %parallel_loop3A_307 : f32 to vector<16xf32>
      %parallel_loop3A_309 = arith.mulf %parallel_loop3A_308, %parallel_loop3A_306 : vector<16xf32>
      %parallel_loop3A_310 = arith.constant 1.04415464 : f32
      %parallel_loop3A_311 = vector.broadcast %parallel_loop3A_310 : f32 to vector<16xf32>
      %parallel_loop3A_312 = arith.addf %parallel_loop3A_309, %parallel_loop3A_311 : vector<16xf32>
      %parallel_loop3A_313 = arith.mulf %parallel_loop3A_312, %parallel_loop3A_306 : vector<16xf32>
      %parallel_loop3A_314 = arith.constant -2.58701301 : f32
      %parallel_loop3A_315 = vector.broadcast %parallel_loop3A_314 : f32 to vector<16xf32>
      %parallel_loop3A_316 = arith.addf %parallel_loop3A_313, %parallel_loop3A_315 : vector<16xf32>
      %parallel_loop3A_317 = arith.mulf %parallel_loop3A_316, %parallel_loop3A_306 : vector<16xf32>
      %parallel_loop3A_318 = arith.constant 3.74264073 : f32
      %parallel_loop3A_319 = vector.broadcast %parallel_loop3A_318 : f32 to vector<16xf32>
      %parallel_loop3A_320 = arith.addf %parallel_loop3A_317, %parallel_loop3A_319 : vector<16xf32>
      %parallel_loop3A_321 = arith.mulf %parallel_loop3A_320, %parallel_loop3A_306 : vector<16xf32>
      %parallel_loop3A_322 = arith.constant -90.0541306 : f32
      %parallel_loop3A_323 = vector.broadcast %parallel_loop3A_322 : f32 to vector<16xf32>
      %parallel_loop3A_324 = arith.addf %parallel_loop3A_321, %parallel_loop3A_323 : vector<16xf32>
      %parallel_loop3A_325 = arith.sitofp %parallel_loop3A_298 : vector<16xi32> to vector<16xf32>
      %parallel_loop3A_326 = arith.constant 0.693147182 : f32
      %parallel_loop3A_327 = vector.broadcast %parallel_loop3A_326 : f32 to vector<16xf32>
      %parallel_loop3A_328 = arith.mulf %parallel_loop3A_325, %parallel_loop3A_327 : vector<16xf32>
      %parallel_loop3A_329 = arith.addf %parallel_loop3A_328, %parallel_loop3A_324 : vector<16xf32>
      %parallel_loop3A_330 = arith.mulf %parallel_loop3A_287, %parallel_loop3A_282 : vector<16xf32>
      %parallel_loop3A_331 = arith.subf %parallel_loop3A_329, %parallel_loop3A_330 : vector<16xf32>
      %parallel_loop3A_332 = arith.constant 0.000000e+00 : f32
      %parallel_loop3A_333 = vector.broadcast %parallel_loop3A_332 : f32 to vector<16xf32>
      %parallel_loop3A_334 = arith.cmpf ogt, %parallel_loop3A_287, %parallel_loop3A_333 : vector<16xf32>
      %parallel_loop3A_335 = arith.constant 8.000000e-01 : f32
      %parallel_loop3A_336 = vector.broadcast %parallel_loop3A_335 : f32 to vector<16xf32>
      %parallel_loop3A_337 = arith.cmpf olt, %parallel_loop3A_287, %parallel_loop3A_336 : vector<16xf32>
      %parallel_loop3A_338 = arith.andi %parallel_loop3A_334, %parallel_loop3A_337 : vector<16xi1>
      %parallel_loop3A_339 = arith.constant 1.000000e+00 : f32
      %parallel_loop3A_340 = vector.broadcast %parallel_loop3A_339 : f32 to vector<16xf32>
      %parallel_loop3A_341 = arith.cmpf oge, %parallel_loop3A_287, %parallel_loop3A_340 : vector<16xf32>
      %parallel_loop3A_342 = arith.constant 0.000000e+00 : f32
      %parallel_loop3A_343 = vector.broadcast %parallel_loop3A_342 : f32 to vector<16xf32>
      %parallel_loop3A_344 = arith.select %parallel_loop3A_338, %parallel_loop3A_331, %parallel_loop3A_343 : vector<16xi1>, vector<16xf32>
      %parallel_loop3A_345 = arith.addf %parallel_loop3A_192, %parallel_loop3A_344 : vector<16xf32>
      %parallel_loop3A_346 = tpu.all_reduce %parallel_loop3A_338 {dim = 0 : i64, kind = #tpu.reduction_kind<sum>} : vector<16xi1> -> vector<16xi32>
      %parallel_loop3A_347 = arith.addi %parallel_loop3A_193, %parallel_loop3A_346 : vector<16xi32>
      %parallel_loop3A_348 = arith.constant 0.000000e+00 : f32
      %parallel_loop3A_349 = vector.broadcast %parallel_loop3A_348 : f32 to vector<16xf32>
      %parallel_loop3A_350 = arith.select %parallel_loop3A_341, %parallel_loop3A_331, %parallel_loop3A_349 : vector<16xi1>, vector<16xf32>
      %parallel_loop3A_351 = arith.addf %parallel_loop3A_194, %parallel_loop3A_350 : vector<16xf32>
      %parallel_loop3A_352 = tpu.all_reduce %parallel_loop3A_341 {dim = 0 : i64, kind = #tpu.reduction_kind<sum>} : vector<16xi1> -> vector<16xi32>
      %parallel_loop3A_353 = arith.addi %parallel_loop3A_195, %parallel_loop3A_352 : vector<16xi32>
      %parallel_loop3A_354 = arith.constant 32 : i32
      %parallel_loop3A_355 = arith.addi %parallel_loop3A_201, %parallel_loop3A_354 : i32
      %parallel_loop3A_356 = arith.index_cast %parallel_loop3A_197 : i32 to index
      %parallel_loop3A_357 = arith.index_cast %parallel_loop3A_355 : i32 to index
      %parallel_loop3A_358 = tpu.vector_load %arg5[%parallel_loop3A_356, %parallel_loop3A_357] {strides = array<i32>} : memref<64x256xf32, #tpu.memory_space<vmem>>, vector<16xf32>,
      %parallel_loop3A_359 = arith.constant 32 : i32
      %parallel_loop3A_360 = arith.addi %parallel_loop3A_201, %parallel_loop3A_359 : i32
      %parallel_loop3A_361 = arith.index_cast %parallel_loop3A_197 : i32 to index
      %parallel_loop3A_362 = arith.index_cast %parallel_loop3A_360 : i32 to index
      %parallel_loop3A_363 = tpu.vector_load %arg6[%parallel_loop3A_361, %parallel_loop3A_362] {strides = array<i32>} : memref<64x256xf32, #tpu.memory_space<vmem>>, vector<16xf32>,
      %parallel_loop3A_364 = math.exp %parallel_loop3A_358 : vector<16xf32>
      %parallel_loop3A_365 = arith.constant 1.000000e+00 : f32
      %parallel_loop3A_366 = vector.broadcast %parallel_loop3A_365 : f32 to vector<16xf32>
      %parallel_loop3A_367 = arith.addf %parallel_loop3A_366, %parallel_loop3A_364 : vector<16xf32>
      %parallel_loop3A_368 = tpu.bitcast %parallel_loop3A_367 : vector<16xf32> -> vector<16xi32>
      %parallel_loop3A_369 = arith.constant 4194304 : i32
      %parallel_loop3A_370 = vector.broadcast %parallel_loop3A_369 : i32 to vector<16xi32>
      %parallel_loop3A_371 = arith.addi %parallel_loop3A_368, %parallel_loop3A_370 : vector<16xi32>
      %parallel_loop3A_372 = arith.constant 23 : i32
      %parallel_loop3A_373 = vector.broadcast %parallel_loop3A_372 : i32 to vector<16xi32>
      %parallel_loop3A_374 = arith.shrsi %parallel_loop3A_371, %parallel_loop3A_373 : vector<16xi32>
      %parallel_loop3A_375 = arith.constant 23 : i32
      %parallel_loop3A_376 = vector.broadcast %parallel_loop3A_375 : i32 to vector<16xi32>
      %parallel_loop3A_377 = arith.shli %parallel_loop3A_374, %parallel_loop3A_376 : vector<16xi32>
      %parallel_loop3A_378 = arith.subi %parallel_loop3A_368, %parallel_loop3A_377 : vector<16xi32>
      %parallel_loop3A_379 = arith.constant 1065353216 : i32
      %parallel_loop3A_380 = vector.broadcast %parallel_loop3A_379 : i32 to vector<16xi32>
      %parallel_loop3A_381 = arith.addi %parallel_loop3A_378, %parallel_loop3A_380 : vector<16xi32>
      %parallel_loop3A_382 = tpu.bitcast %parallel_loop3A_381 : vector<16xi32> -> vector<16xf32>
      %parallel_loop3A_383 = arith.constant -0.175278813 : f32
      %parallel_loop3A_384 = vector.broadcast %parallel_loop3A_383 : f32 to vector<16xf32>
      %parallel_loop3A_385 = arith.mulf %parallel_loop3A_384, %parallel_loop3A_382 : vector<16xf32>
      %parallel_loop3A_386 = arith.constant 1.04415464 : f32
      %parallel_loop3A_387 = vector.broadcast %parallel_loop3A_386 : f32 to vector<16xf32>
      %parallel_loop3A_388 = arith.addf %parallel_loop3A_385, %parallel_loop3A_387 : vector<16xf32>
      %parallel_loop3A_389 = arith.mulf %parallel_loop3A_388, %parallel_loop3A_382 : vector<16xf32>
      %parallel_loop3A_390 = arith.constant -2.58701301 : f32
      %parallel_loop3A_391 = vector.broadcast %parallel_loop3A_390 : f32 to vector<16xf32>
      %parallel_loop3A_392 = arith.addf %parallel_loop3A_389, %parallel_loop3A_391 : vector<16xf32>
      %parallel_loop3A_393 = arith.mulf %parallel_loop3A_392, %parallel_loop3A_382 : vector<16xf32>
      %parallel_loop3A_394 = arith.constant 3.74264073 : f32
      %parallel_loop3A_395 = vector.broadcast %parallel_loop3A_394 : f32 to vector<16xf32>
      %parallel_loop3A_396 = arith.addf %parallel_loop3A_393, %parallel_loop3A_395 : vector<16xf32>
      %parallel_loop3A_397 = arith.mulf %parallel_loop3A_396, %parallel_loop3A_382 : vector<16xf32>
      %parallel_loop3A_398 = arith.constant -90.0541306 : f32
      %parallel_loop3A_399 = vector.broadcast %parallel_loop3A_398 : f32 to vector<16xf32>
      %parallel_loop3A_400 = arith.addf %parallel_loop3A_397, %parallel_loop3A_399 : vector<16xf32>
      %parallel_loop3A_401 = arith.sitofp %parallel_loop3A_374 : vector<16xi32> to vector<16xf32>
      %parallel_loop3A_402 = arith.constant 0.693147182 : f32
      %parallel_loop3A_403 = vector.broadcast %parallel_loop3A_402 : f32 to vector<16xf32>
      %parallel_loop3A_404 = arith.mulf %parallel_loop3A_401, %parallel_loop3A_403 : vector<16xf32>
      %parallel_loop3A_405 = arith.addf %parallel_loop3A_404, %parallel_loop3A_400 : vector<16xf32>
      %parallel_loop3A_406 = arith.mulf %parallel_loop3A_363, %parallel_loop3A_358 : vector<16xf32>
      %parallel_loop3A_407 = arith.subf %parallel_loop3A_405, %parallel_loop3A_406 : vector<16xf32>
      %parallel_loop3A_408 = arith.constant 0.000000e+00 : f32
      %parallel_loop3A_409 = vector.broadcast %parallel_loop3A_408 : f32 to vector<16xf32>
      %parallel_loop3A_410 = arith.cmpf ogt, %parallel_loop3A_363, %parallel_loop3A_409 : vector<16xf32>
      %parallel_loop3A_411 = arith.constant 8.000000e-01 : f32
      %parallel_loop3A_412 = vector.broadcast %parallel_loop3A_411 : f32 to vector<16xf32>
      %parallel_loop3A_413 = arith.cmpf olt, %parallel_loop3A_363, %parallel_loop3A_412 : vector<16xf32>
      %parallel_loop3A_414 = arith.andi %parallel_loop3A_410, %parallel_loop3A_413 : vector<16xi1>
      %parallel_loop3A_415 = arith.constant 1.000000e+00 : f32
      %parallel_loop3A_416 = vector.broadcast %parallel_loop3A_415 : f32 to vector<16xf32>
      %parallel_loop3A_417 = arith.cmpf oge, %parallel_loop3A_363, %parallel_loop3A_416 : vector<16xf32>
      %parallel_loop3A_418 = arith.constant 0.000000e+00 : f32
      %parallel_loop3A_419 = vector.broadcast %parallel_loop3A_418 : f32 to vector<16xf32>
      %parallel_loop3A_420 = arith.select %parallel_loop3A_414, %parallel_loop3A_407, %parallel_loop3A_419 : vector<16xi1>, vector<16xf32>
      %parallel_loop3A_421 = arith.addf %parallel_loop3A_269, %parallel_loop3A_420 : vector<16xf32>
      %parallel_loop3A_422 = tpu.all_reduce %parallel_loop3A_414 {dim = 0 : i64, kind = #tpu.reduction_kind<sum>} : vector<16xi1> -> vector<16xi32>
      %parallel_loop3A_423 = arith.addi %parallel_loop3A_271, %parallel_loop3A_422 : vector<16xi32>
      %parallel_loop3A_424 = arith.constant 0.000000e+00 : f32
      %parallel_loop3A_425 = vector.broadcast %parallel_loop3A_424 : f32 to vector<16xf32>
      %parallel_loop3A_426 = arith.select %parallel_loop3A_417, %parallel_loop3A_407, %parallel_loop3A_425 : vector<16xi1>, vector<16xf32>
      %parallel_loop3A_427 = arith.addf %parallel_loop3A_275, %parallel_loop3A_426 : vector<16xf32>
      %parallel_loop3A_428 = tpu.all_reduce %parallel_loop3A_417 {dim = 0 : i64, kind = #tpu.reduction_kind<sum>} : vector<16xi1> -> vector<16xi32>
      %parallel_loop3A_429 = arith.addi %parallel_loop3A_277, %parallel_loop3A_428 : vector<16xi32>
      %parallel_loop3A_430 = arith.constant 48 : i32
      %parallel_loop3A_431 = arith.addi %parallel_loop3A_201, %parallel_loop3A_430 : i32
      %parallel_loop3A_432 = arith.index_cast %parallel_loop3A_197 : i32 to index
      %parallel_loop3A_433 = arith.index_cast %parallel_loop3A_431 : i32 to index
      %parallel_loop3A_434 = tpu.vector_load %arg5[%parallel_loop3A_432, %parallel_loop3A_433] {strides = array<i32>} : memref<64x256xf32, #tpu.memory_space<vmem>>, vector<16xf32>,
      %parallel_loop3A_435 = arith.constant 48 : i32
      %parallel_loop3A_436 = arith.addi %parallel_loop3A_201, %parallel_loop3A_435 : i32
      %parallel_loop3A_437 = arith.index_cast %parallel_loop3A_197 : i32 to index
      %parallel_loop3A_438 = arith.index_cast %parallel_loop3A_436 : i32 to index
      %parallel_loop3A_439 = tpu.vector_load %arg6[%parallel_loop3A_437, %parallel_loop3A_438] {strides = array<i32>} : memref<64x256xf32, #tpu.memory_space<vmem>>, vector<16xf32>,
      %parallel_loop3A_440 = math.exp %parallel_loop3A_434 : vector<16xf32>
      %parallel_loop3A_441 = arith.constant 1.000000e+00 : f32
      %parallel_loop3A_442 = vector.broadcast %parallel_loop3A_441 : f32 to vector<16xf32>
      %parallel_loop3A_443 = arith.addf %parallel_loop3A_442, %parallel_loop3A_440 : vector<16xf32>
      %parallel_loop3A_444 = tpu.bitcast %parallel_loop3A_443 : vector<16xf32> -> vector<16xi32>
      %parallel_loop3A_445 = arith.constant 4194304 : i32
      %parallel_loop3A_446 = vector.broadcast %parallel_loop3A_445 : i32 to vector<16xi32>
      %parallel_loop3A_447 = arith.addi %parallel_loop3A_444, %parallel_loop3A_446 : vector<16xi32>
      %parallel_loop3A_448 = arith.constant 23 : i32
      %parallel_loop3A_449 = vector.broadcast %parallel_loop3A_448 : i32 to vector<16xi32>
      %parallel_loop3A_450 = arith.shrsi %parallel_loop3A_447, %parallel_loop3A_449 : vector<16xi32>
      %parallel_loop3A_451 = arith.constant 23 : i32
      %parallel_loop3A_452 = vector.broadcast %parallel_loop3A_451 : i32 to vector<16xi32>
      %parallel_loop3A_453 = arith.shli %parallel_loop3A_450, %parallel_loop3A_452 : vector<16xi32>
      %parallel_loop3A_454 = arith.subi %parallel_loop3A_444, %parallel_loop3A_453 : vector<16xi32>
      %parallel_loop3A_455 = arith.constant 1065353216 : i32
      %parallel_loop3A_456 = vector.broadcast %parallel_loop3A_455 : i32 to vector<16xi32>
      %parallel_loop3A_457 = arith.addi %parallel_loop3A_454, %parallel_loop3A_456 : vector<16xi32>
      %parallel_loop3A_458 = tpu.bitcast %parallel_loop3A_457 : vector<16xi32> -> vector<16xf32>
      %parallel_loop3A_459 = arith.constant -0.175278813 : f32
      %parallel_loop3A_460 = vector.broadcast %parallel_loop3A_459 : f32 to vector<16xf32>
      %parallel_loop3A_461 = arith.mulf %parallel_loop3A_460, %parallel_loop3A_458 : vector<16xf32>
      %parallel_loop3A_462 = arith.constant 1.04415464 : f32
      %parallel_loop3A_463 = vector.broadcast %parallel_loop3A_462 : f32 to vector<16xf32>
      %parallel_loop3A_464 = arith.addf %parallel_loop3A_461, %parallel_loop3A_463 : vector<16xf32>
      %parallel_loop3A_465 = arith.mulf %parallel_loop3A_464, %parallel_loop3A_458 : vector<16xf32>
      %parallel_loop3A_466 = arith.constant -2.58701301 : f32
      %parallel_loop3A_467 = vector.broadcast %parallel_loop3A_466 : f32 to vector<16xf32>
      %parallel_loop3A_468 = arith.addf %parallel_loop3A_465, %parallel_loop3A_467 : vector<16xf32>
      %parallel_loop3A_469 = arith.mulf %parallel_loop3A_468, %parallel_loop3A_458 : vector<16xf32>
      %parallel_loop3A_470 = arith.constant 3.74264073 : f32
      %parallel_loop3A_471 = vector.broadcast %parallel_loop3A_470 : f32 to vector<16xf32>
      %parallel_loop3A_472 = arith.addf %parallel_loop3A_469, %parallel_loop3A_471 : vector<16xf32>
      %parallel_loop3A_473 = arith.mulf %parallel_loop3A_472, %parallel_loop3A_458 : vector<16xf32>
      %parallel_loop3A_474 = arith.constant -90.0541306 : f32
      %parallel_loop3A_475 = vector.broadcast %parallel_loop3A_474 : f32 to vector<16xf32>
      %parallel_loop3A_476 = arith.addf %parallel_loop3A_473, %parallel_loop3A_475 : vector<16xf32>
      %parallel_loop3A_477 = arith.sitofp %parallel_loop3A_450 : vector<16xi32> to vector<16xf32>
      %parallel_loop3A_478 = arith.constant 0.693147182 : f32
      %parallel_loop3A_479 = vector.broadcast %parallel_loop3A_478 : f32 to vector<16xf32>
      %parallel_loop3A_480 = arith.mulf %parallel_loop3A_477, %parallel_loop3A_479 : vector<16xf32>
      %parallel_loop3A_481 = arith.addf %parallel_loop3A_480, %parallel_loop3A_476 : vector<16xf32>
      %parallel_loop3A_482 = arith.mulf %parallel_loop3A_439, %parallel_loop3A_434 : vector<16xf32>
      %parallel_loop3A_483 = arith.subf %parallel_loop3A_481, %parallel_loop3A_482 : vector<16xf32>
      %parallel_loop3A_484 = arith.constant 0.000000e+00 : f32
      %parallel_loop3A_485 = vector.broadcast %parallel_loop3A_484 : f32 to vector<16xf32>
      %parallel_loop3A_486 = arith.cmpf ogt, %parallel_loop3A_439, %parallel_loop3A_485 : vector<16xf32>
      %parallel_loop3A_487 = arith.constant 8.000000e-01 : f32
      %parallel_loop3A_488 = vector.broadcast %parallel_loop3A_487 : f32 to vector<16xf32>
      %parallel_loop3A_489 = arith.cmpf olt, %parallel_loop3A_439, %parallel_loop3A_488 : vector<16xf32>
      %parallel_loop3A_490 = arith.andi %parallel_loop3A_486, %parallel_loop3A_489 : vector<16xi1>
      %parallel_loop3A_491 = arith.constant 1.000000e+00 : f32
      %parallel_loop3A_492 = vector.broadcast %parallel_loop3A_491 : f32 to vector<16xf32>
      %parallel_loop3A_493 = arith.cmpf oge, %parallel_loop3A_439, %parallel_loop3A_492 : vector<16xf32>
      %parallel_loop3A_494 = arith.constant 0.000000e+00 : f32
      %parallel_loop3A_495 = vector.broadcast %parallel_loop3A_494 : f32 to vector<16xf32>
      %parallel_loop3A_496 = arith.select %parallel_loop3A_490, %parallel_loop3A_483, %parallel_loop3A_495 : vector<16xi1>, vector<16xf32>
      %parallel_loop3A_497 = arith.addf %parallel_loop3A_345, %parallel_loop3A_496 : vector<16xf32>
      %parallel_loop3A_498 = tpu.all_reduce %parallel_loop3A_490 {dim = 0 : i64, kind = #tpu.reduction_kind<sum>} : vector<16xi1> -> vector<16xi32>
      %parallel_loop3A_499 = arith.addi %parallel_loop3A_347, %parallel_loop3A_498 : vector<16xi32>
      %parallel_loop3A_500 = arith.constant 0.000000e+00 : f32
      %parallel_loop3A_501 = vector.broadcast %parallel_loop3A_500 : f32 to vector<16xf32>
      %parallel_loop3A_502 = arith.select %parallel_loop3A_493, %parallel_loop3A_483, %parallel_loop3A_501 : vector<16xi1>, vector<16xf32>
      %parallel_loop3A_503 = arith.addf %parallel_loop3A_351, %parallel_loop3A_502 : vector<16xf32>
      %parallel_loop3A_504 = tpu.all_reduce %parallel_loop3A_493 {dim = 0 : i64, kind = #tpu.reduction_kind<sum>} : vector<16xi1> -> vector<16xi32>
      %parallel_loop3A_505 = arith.addi %parallel_loop3A_353, %parallel_loop3A_504 : vector<16xi32>
      scf.yield %parallel_loop3A_421, %parallel_loop3A_423, %parallel_loop3A_427, %parallel_loop3A_429, %parallel_loop3A_497, %parallel_loop3A_499, %parallel_loop3A_503, %parallel_loop3A_505 : vector<16xf32>, vector<16xi32>, vector<16xf32>, vector<16xi32>, vector<16xf32>, vector<16xi32>, vector<16xf32>, vector<16xi32>
    } {sc.loop_unroll_factor = 1 : i64, sc.parallel_access}
    %dma_wait3A_59 = arith.constant 4 : i32
    %dma_wait3A_60 = arith.constant 64 : i32
    %dma_wait3A_61 = arith.constant 0 : i32
    %dma_wait3A_62 = tpu.memref_slice %arg2[%add3A, %dma_wait3A_59, %dma_wait3A_60, %dma_wait3A_61] : memref<32x5x256x256xf32, #tpu.memory_space<hbm>> -> memref<1x1x64x256xf32, #tpu.memory_space<hbm>>
    %dma_wait3A_63 = tpu.memref_squeeze %dma_wait3A_62 : memref<1x1x64x256xf32, #tpu.memory_space<hbm>> -> memref<64x256xf32, #tpu.memory_space<hbm>>
    %dma_wait3A_64 = arith.constant 64 : i32
    %dma_wait3A_65 = arith.constant 0 : i32
    %dma_wait3A_66 = tpu.memref_slice %arg2[%add3A, %dma_wait3A_59, %dma_wait3A_64, %dma_wait3A_65] : memref<32x5x256x256xf32, #tpu.memory_space<hbm>> -> memref<1x1x64x256xf32, #tpu.memory_space<hbm>>
    %dma_wait3A_67 = tpu.memref_squeeze %dma_wait3A_66 : memref<1x1x64x256xf32, #tpu.memory_space<hbm>> -> memref<64x256xf32, #tpu.memory_space<hbm>>
    tpu.wait_dma2 semaphore(%arg10 : memref<!tpu.dma_semaphore, #tpu.memory_space<semaphore_mem>>) src(%dma_wait3A_67 : memref<64x256xf32, #tpu.memory_space<hbm>>) dst(%arg7 : memref<64x256xf32, #tpu.memory_space<vmem>>)
    %dma_wait3A_68 = arith.constant 4 : i32
    %dma_wait3A_69 = arith.constant 64 : i32
    %dma_wait3A_70 = arith.constant 0 : i32
    %dma_wait3A_71 = tpu.memref_slice %arg3[%add3A, %dma_wait3A_68, %dma_wait3A_69, %dma_wait3A_70] : memref<32x5x256x256xf32, #tpu.memory_space<hbm>> -> memref<1x1x64x256xf32, #tpu.memory_space<hbm>>
    %dma_wait3A_72 = tpu.memref_squeeze %dma_wait3A_71 : memref<1x1x64x256xf32, #tpu.memory_space<hbm>> -> memref<64x256xf32, #tpu.memory_space<hbm>>
    %dma_wait3A_73 = arith.constant 64 : i32
    %dma_wait3A_74 = arith.constant 0 : i32
    %dma_wait3A_75 = tpu.memref_slice %arg3[%add3A, %dma_wait3A_68, %dma_wait3A_73, %dma_wait3A_74] : memref<32x5x256x256xf32, #tpu.memory_space<hbm>> -> memref<1x1x64x256xf32, #tpu.memory_space<hbm>>
    %dma_wait3A_76 = tpu.memref_squeeze %dma_wait3A_75 : memref<1x1x64x256xf32, #tpu.memory_space<hbm>> -> memref<64x256xf32, #tpu.memory_space<hbm>>
    tpu.wait_dma2 semaphore(%arg10 : memref<!tpu.dma_semaphore, #tpu.memory_space<semaphore_mem>>) src(%dma_wait3A_76 : memref<64x256xf32, #tpu.memory_space<hbm>>) dst(%arg8 : memref<64x256xf32, #tpu.memory_space<vmem>>)
    %dma_start3A_77 = arith.constant 4 : i32
    %dma_start3A_78 = arith.constant 128 : i32
    %dma_start3A_79 = arith.constant 0 : i32
    %dma_start3A_80 = tpu.memref_slice %arg2[%add3A, %dma_start3A_77, %dma_start3A_78, %dma_start3A_79] : memref<32x5x256x256xf32, #tpu.memory_space<hbm>> -> memref<1x1x64x256xf32, #tpu.memory_space<hbm>>
    %dma_start3A_81 = tpu.memref_squeeze %dma_start3A_80 : memref<1x1x64x256xf32, #tpu.memory_space<hbm>> -> memref<64x256xf32, #tpu.memory_space<hbm>>
    %dma_start3A_82 = arith.constant 128 : i32
    %dma_start3A_83 = arith.constant 0 : i32
    %dma_start3A_84 = tpu.memref_slice %arg2[%add3A, %dma_start3A_77, %dma_start3A_82, %dma_start3A_83] : memref<32x5x256x256xf32, #tpu.memory_space<hbm>> -> memref<1x1x64x256xf32, #tpu.memory_space<hbm>>
    %dma_start3A_85 = tpu.memref_squeeze %dma_start3A_84 : memref<1x1x64x256xf32, #tpu.memory_space<hbm>> -> memref<64x256xf32, #tpu.memory_space<hbm>>
    tpu.enqueue_dma source(%dma_start3A_85 : memref<64x256xf32, #tpu.memory_space<hbm>>) target(%arg5 : memref<64x256xf32, #tpu.memory_space<vmem>>) target_semaphore(%arg10 : memref<!tpu.dma_semaphore, #tpu.memory_space<semaphore_mem>>)
    %dma_start3A_86 = arith.constant 4 : i32
    %dma_start3A_87 = arith.constant 128 : i32
    %dma_start3A_88 = arith.constant 0 : i32
    %dma_start3A_89 = tpu.memref_slice %arg3[%add3A, %dma_start3A_86, %dma_start3A_87, %dma_start3A_88] : memref<32x5x256x256xf32, #tpu.memory_space<hbm>> -> memref<1x1x64x256xf32, #tpu.memory_space<hbm>>
    %dma_start3A_90 = tpu.memref_squeeze %dma_start3A_89 : memref<1x1x64x256xf32, #tpu.memory_space<hbm>> -> memref<64x256xf32, #tpu.memory_space<hbm>>
    %dma_start3A_91 = arith.constant 128 : i32
    %dma_start3A_92 = arith.constant 0 : i32
    %dma_start3A_93 = tpu.memref_slice %arg3[%add3A, %dma_start3A_86, %dma_start3A_91, %dma_start3A_92] : memref<32x5x256x256xf32, #tpu.memory_space<hbm>> -> memref<1x1x64x256xf32, #tpu.memory_space<hbm>>
    %dma_start3A_94 = tpu.memref_squeeze %dma_start3A_93 : memref<1x1x64x256xf32, #tpu.memory_space<hbm>> -> memref<64x256xf32, #tpu.memory_space<hbm>>
    tpu.enqueue_dma source(%dma_start3A_94 : memref<64x256xf32, #tpu.memory_space<hbm>>) target(%arg6 : memref<64x256xf32, #tpu.memory_space<vmem>>) target_semaphore(%arg10 : memref<!tpu.dma_semaphore, #tpu.memory_space<semaphore_mem>>)
    %parallel_loop3A_95 = arith.constant 0 : i32
    %parallel_loop3A_96 = arith.constant 256 : i32
    %parallel_loop3A_97 = arith.constant 1 : i32
    %parallel_loop3A_98:8 = scf.for %parallel_loop3A_187 = %parallel_loop3A_95 to %parallel_loop3A_96 step %parallel_loop3A_97 iter_args(%parallel_loop3A_188 = %parallel_loop3A_58#0, %parallel_loop3A_189 = %parallel_loop3A_58#1, %parallel_loop3A_190 = %parallel_loop3A_58#2, %parallel_loop3A_191 = %parallel_loop3A_58#3, %parallel_loop3A_192 = %parallel_loop3A_58#4, %parallel_loop3A_193 = %parallel_loop3A_58#5, %parallel_loop3A_194 = %parallel_loop3A_58#6, %parallel_loop3A_195 = %parallel_loop3A_58#7) -> (vector<16xf32>, vector<16xi32>, vector<16xf32>, vector<16xi32>, vector<16xf32>, vector<16xi32>, vector<16xf32>, vector<16xi32>)  : i32 {
      %parallel_loop3A_196 = arith.constant 2 : i32
      %parallel_loop3A_197 = arith.shrsi %parallel_loop3A_187, %parallel_loop3A_196 : i32
      %parallel_loop3A_198 = arith.constant 3 : i32
      %parallel_loop3A_199 = arith.andi %parallel_loop3A_187, %parallel_loop3A_198 : i32
      %parallel_loop3A_200 = arith.constant 64 : i32
      %parallel_loop3A_201 = arith.muli %parallel_loop3A_199, %parallel_loop3A_200 : i32
      %parallel_loop3A_202 = arith.constant 0 : i32
      %parallel_loop3A_203 = arith.addi %parallel_loop3A_201, %parallel_loop3A_202 : i32
      %parallel_loop3A_204 = arith.index_cast %parallel_loop3A_197 : i32 to index
      %parallel_loop3A_205 = arith.index_cast %parallel_loop3A_203 : i32 to index
      %parallel_loop3A_206 = tpu.vector_load %arg7[%parallel_loop3A_204, %parallel_loop3A_205] {strides = array<i32>} : memref<64x256xf32, #tpu.memory_space<vmem>>, vector<16xf32>,
      %parallel_loop3A_207 = arith.constant 0 : i32
      %parallel_loop3A_208 = arith.addi %parallel_loop3A_201, %parallel_loop3A_207 : i32
      %parallel_loop3A_209 = arith.index_cast %parallel_loop3A_197 : i32 to index
      %parallel_loop3A_210 = arith.index_cast %parallel_loop3A_208 : i32 to index
      %parallel_loop3A_211 = tpu.vector_load %arg8[%parallel_loop3A_209, %parallel_loop3A_210] {strides = array<i32>} : memref<64x256xf32, #tpu.memory_space<vmem>>, vector<16xf32>,
      %parallel_loop3A_212 = math.exp %parallel_loop3A_206 : vector<16xf32>
      %parallel_loop3A_213 = arith.constant 1.000000e+00 : f32
      %parallel_loop3A_214 = vector.broadcast %parallel_loop3A_213 : f32 to vector<16xf32>
      %parallel_loop3A_215 = arith.addf %parallel_loop3A_214, %parallel_loop3A_212 : vector<16xf32>
      %parallel_loop3A_216 = tpu.bitcast %parallel_loop3A_215 : vector<16xf32> -> vector<16xi32>
      %parallel_loop3A_217 = arith.constant 4194304 : i32
      %parallel_loop3A_218 = vector.broadcast %parallel_loop3A_217 : i32 to vector<16xi32>
      %parallel_loop3A_219 = arith.addi %parallel_loop3A_216, %parallel_loop3A_218 : vector<16xi32>
      %parallel_loop3A_220 = arith.constant 23 : i32
      %parallel_loop3A_221 = vector.broadcast %parallel_loop3A_220 : i32 to vector<16xi32>
      %parallel_loop3A_222 = arith.shrsi %parallel_loop3A_219, %parallel_loop3A_221 : vector<16xi32>
      %parallel_loop3A_223 = arith.constant 23 : i32
      %parallel_loop3A_224 = vector.broadcast %parallel_loop3A_223 : i32 to vector<16xi32>
      %parallel_loop3A_225 = arith.shli %parallel_loop3A_222, %parallel_loop3A_224 : vector<16xi32>
      %parallel_loop3A_226 = arith.subi %parallel_loop3A_216, %parallel_loop3A_225 : vector<16xi32>
      %parallel_loop3A_227 = arith.constant 1065353216 : i32
      %parallel_loop3A_228 = vector.broadcast %parallel_loop3A_227 : i32 to vector<16xi32>
      %parallel_loop3A_229 = arith.addi %parallel_loop3A_226, %parallel_loop3A_228 : vector<16xi32>
      %parallel_loop3A_230 = tpu.bitcast %parallel_loop3A_229 : vector<16xi32> -> vector<16xf32>
      %parallel_loop3A_231 = arith.constant -0.175278813 : f32
      %parallel_loop3A_232 = vector.broadcast %parallel_loop3A_231 : f32 to vector<16xf32>
      %parallel_loop3A_233 = arith.mulf %parallel_loop3A_232, %parallel_loop3A_230 : vector<16xf32>
      %parallel_loop3A_234 = arith.constant 1.04415464 : f32
      %parallel_loop3A_235 = vector.broadcast %parallel_loop3A_234 : f32 to vector<16xf32>
      %parallel_loop3A_236 = arith.addf %parallel_loop3A_233, %parallel_loop3A_235 : vector<16xf32>
      %parallel_loop3A_237 = arith.mulf %parallel_loop3A_236, %parallel_loop3A_230 : vector<16xf32>
      %parallel_loop3A_238 = arith.constant -2.58701301 : f32
      %parallel_loop3A_239 = vector.broadcast %parallel_loop3A_238 : f32 to vector<16xf32>
      %parallel_loop3A_240 = arith.addf %parallel_loop3A_237, %parallel_loop3A_239 : vector<16xf32>
      %parallel_loop3A_241 = arith.mulf %parallel_loop3A_240, %parallel_loop3A_230 : vector<16xf32>
      %parallel_loop3A_242 = arith.constant 3.74264073 : f32
      %parallel_loop3A_243 = vector.broadcast %parallel_loop3A_242 : f32 to vector<16xf32>
      %parallel_loop3A_244 = arith.addf %parallel_loop3A_241, %parallel_loop3A_243 : vector<16xf32>
      %parallel_loop3A_245 = arith.mulf %parallel_loop3A_244, %parallel_loop3A_230 : vector<16xf32>
      %parallel_loop3A_246 = arith.constant -90.0541306 : f32
      %parallel_loop3A_247 = vector.broadcast %parallel_loop3A_246 : f32 to vector<16xf32>
      %parallel_loop3A_248 = arith.addf %parallel_loop3A_245, %parallel_loop3A_247 : vector<16xf32>
      %parallel_loop3A_249 = arith.sitofp %parallel_loop3A_222 : vector<16xi32> to vector<16xf32>
      %parallel_loop3A_250 = arith.constant 0.693147182 : f32
      %parallel_loop3A_251 = vector.broadcast %parallel_loop3A_250 : f32 to vector<16xf32>
      %parallel_loop3A_252 = arith.mulf %parallel_loop3A_249, %parallel_loop3A_251 : vector<16xf32>
      %parallel_loop3A_253 = arith.addf %parallel_loop3A_252, %parallel_loop3A_248 : vector<16xf32>
      %parallel_loop3A_254 = arith.mulf %parallel_loop3A_211, %parallel_loop3A_206 : vector<16xf32>
      %parallel_loop3A_255 = arith.subf %parallel_loop3A_253, %parallel_loop3A_254 : vector<16xf32>
      %parallel_loop3A_256 = arith.constant 0.000000e+00 : f32
      %parallel_loop3A_257 = vector.broadcast %parallel_loop3A_256 : f32 to vector<16xf32>
      %parallel_loop3A_258 = arith.cmpf ogt, %parallel_loop3A_211, %parallel_loop3A_257 : vector<16xf32>
      %parallel_loop3A_259 = arith.constant 8.000000e-01 : f32
      %parallel_loop3A_260 = vector.broadcast %parallel_loop3A_259 : f32 to vector<16xf32>
      %parallel_loop3A_261 = arith.cmpf olt, %parallel_loop3A_211, %parallel_loop3A_260 : vector<16xf32>
      %parallel_loop3A_262 = arith.andi %parallel_loop3A_258, %parallel_loop3A_261 : vector<16xi1>
      %parallel_loop3A_263 = arith.constant 1.000000e+00 : f32
      %parallel_loop3A_264 = vector.broadcast %parallel_loop3A_263 : f32 to vector<16xf32>
      %parallel_loop3A_265 = arith.cmpf oge, %parallel_loop3A_211, %parallel_loop3A_264 : vector<16xf32>
      %parallel_loop3A_266 = arith.constant 0.000000e+00 : f32
      %parallel_loop3A_267 = vector.broadcast %parallel_loop3A_266 : f32 to vector<16xf32>
      %parallel_loop3A_268 = arith.select %parallel_loop3A_262, %parallel_loop3A_255, %parallel_loop3A_267 : vector<16xi1>, vector<16xf32>
      %parallel_loop3A_269 = arith.addf %parallel_loop3A_188, %parallel_loop3A_268 : vector<16xf32>
      %parallel_loop3A_270 = tpu.all_reduce %parallel_loop3A_262 {dim = 0 : i64, kind = #tpu.reduction_kind<sum>} : vector<16xi1> -> vector<16xi32>
      %parallel_loop3A_271 = arith.addi %parallel_loop3A_189, %parallel_loop3A_270 : vector<16xi32>
      %parallel_loop3A_272 = arith.constant 0.000000e+00 : f32
      %parallel_loop3A_273 = vector.broadcast %parallel_loop3A_272 : f32 to vector<16xf32>
      %parallel_loop3A_274 = arith.select %parallel_loop3A_265, %parallel_loop3A_255, %parallel_loop3A_273 : vector<16xi1>, vector<16xf32>
      %parallel_loop3A_275 = arith.addf %parallel_loop3A_190, %parallel_loop3A_274 : vector<16xf32>
      %parallel_loop3A_276 = tpu.all_reduce %parallel_loop3A_265 {dim = 0 : i64, kind = #tpu.reduction_kind<sum>} : vector<16xi1> -> vector<16xi32>
      %parallel_loop3A_277 = arith.addi %parallel_loop3A_191, %parallel_loop3A_276 : vector<16xi32>
      %parallel_loop3A_278 = arith.constant 16 : i32
      %parallel_loop3A_279 = arith.addi %parallel_loop3A_201, %parallel_loop3A_278 : i32
      %parallel_loop3A_280 = arith.index_cast %parallel_loop3A_197 : i32 to index
      %parallel_loop3A_281 = arith.index_cast %parallel_loop3A_279 : i32 to index
      %parallel_loop3A_282 = tpu.vector_load %arg7[%parallel_loop3A_280, %parallel_loop3A_281] {strides = array<i32>} : memref<64x256xf32, #tpu.memory_space<vmem>>, vector<16xf32>,
      %parallel_loop3A_283 = arith.constant 16 : i32
      %parallel_loop3A_284 = arith.addi %parallel_loop3A_201, %parallel_loop3A_283 : i32
      %parallel_loop3A_285 = arith.index_cast %parallel_loop3A_197 : i32 to index
      %parallel_loop3A_286 = arith.index_cast %parallel_loop3A_284 : i32 to index
      %parallel_loop3A_287 = tpu.vector_load %arg8[%parallel_loop3A_285, %parallel_loop3A_286] {strides = array<i32>} : memref<64x256xf32, #tpu.memory_space<vmem>>, vector<16xf32>,
      %parallel_loop3A_288 = math.exp %parallel_loop3A_282 : vector<16xf32>
      %parallel_loop3A_289 = arith.constant 1.000000e+00 : f32
      %parallel_loop3A_290 = vector.broadcast %parallel_loop3A_289 : f32 to vector<16xf32>
      %parallel_loop3A_291 = arith.addf %parallel_loop3A_290, %parallel_loop3A_288 : vector<16xf32>
      %parallel_loop3A_292 = tpu.bitcast %parallel_loop3A_291 : vector<16xf32> -> vector<16xi32>
      %parallel_loop3A_293 = arith.constant 4194304 : i32
      %parallel_loop3A_294 = vector.broadcast %parallel_loop3A_293 : i32 to vector<16xi32>
      %parallel_loop3A_295 = arith.addi %parallel_loop3A_292, %parallel_loop3A_294 : vector<16xi32>
      %parallel_loop3A_296 = arith.constant 23 : i32
      %parallel_loop3A_297 = vector.broadcast %parallel_loop3A_296 : i32 to vector<16xi32>
      %parallel_loop3A_298 = arith.shrsi %parallel_loop3A_295, %parallel_loop3A_297 : vector<16xi32>
      %parallel_loop3A_299 = arith.constant 23 : i32
      %parallel_loop3A_300 = vector.broadcast %parallel_loop3A_299 : i32 to vector<16xi32>
      %parallel_loop3A_301 = arith.shli %parallel_loop3A_298, %parallel_loop3A_300 : vector<16xi32>
      %parallel_loop3A_302 = arith.subi %parallel_loop3A_292, %parallel_loop3A_301 : vector<16xi32>
      %parallel_loop3A_303 = arith.constant 1065353216 : i32
      %parallel_loop3A_304 = vector.broadcast %parallel_loop3A_303 : i32 to vector<16xi32>
      %parallel_loop3A_305 = arith.addi %parallel_loop3A_302, %parallel_loop3A_304 : vector<16xi32>
      %parallel_loop3A_306 = tpu.bitcast %parallel_loop3A_305 : vector<16xi32> -> vector<16xf32>
      %parallel_loop3A_307 = arith.constant -0.175278813 : f32
      %parallel_loop3A_308 = vector.broadcast %parallel_loop3A_307 : f32 to vector<16xf32>
      %parallel_loop3A_309 = arith.mulf %parallel_loop3A_308, %parallel_loop3A_306 : vector<16xf32>
      %parallel_loop3A_310 = arith.constant 1.04415464 : f32
      %parallel_loop3A_311 = vector.broadcast %parallel_loop3A_310 : f32 to vector<16xf32>
      %parallel_loop3A_312 = arith.addf %parallel_loop3A_309, %parallel_loop3A_311 : vector<16xf32>
      %parallel_loop3A_313 = arith.mulf %parallel_loop3A_312, %parallel_loop3A_306 : vector<16xf32>
      %parallel_loop3A_314 = arith.constant -2.58701301 : f32
      %parallel_loop3A_315 = vector.broadcast %parallel_loop3A_314 : f32 to vector<16xf32>
      %parallel_loop3A_316 = arith.addf %parallel_loop3A_313, %parallel_loop3A_315 : vector<16xf32>
      %parallel_loop3A_317 = arith.mulf %parallel_loop3A_316, %parallel_loop3A_306 : vector<16xf32>
      %parallel_loop3A_318 = arith.constant 3.74264073 : f32
      %parallel_loop3A_319 = vector.broadcast %parallel_loop3A_318 : f32 to vector<16xf32>
      %parallel_loop3A_320 = arith.addf %parallel_loop3A_317, %parallel_loop3A_319 : vector<16xf32>
      %parallel_loop3A_321 = arith.mulf %parallel_loop3A_320, %parallel_loop3A_306 : vector<16xf32>
      %parallel_loop3A_322 = arith.constant -90.0541306 : f32
      %parallel_loop3A_323 = vector.broadcast %parallel_loop3A_322 : f32 to vector<16xf32>
      %parallel_loop3A_324 = arith.addf %parallel_loop3A_321, %parallel_loop3A_323 : vector<16xf32>
      %parallel_loop3A_325 = arith.sitofp %parallel_loop3A_298 : vector<16xi32> to vector<16xf32>
      %parallel_loop3A_326 = arith.constant 0.693147182 : f32
      %parallel_loop3A_327 = vector.broadcast %parallel_loop3A_326 : f32 to vector<16xf32>
      %parallel_loop3A_328 = arith.mulf %parallel_loop3A_325, %parallel_loop3A_327 : vector<16xf32>
      %parallel_loop3A_329 = arith.addf %parallel_loop3A_328, %parallel_loop3A_324 : vector<16xf32>
      %parallel_loop3A_330 = arith.mulf %parallel_loop3A_287, %parallel_loop3A_282 : vector<16xf32>
      %parallel_loop3A_331 = arith.subf %parallel_loop3A_329, %parallel_loop3A_330 : vector<16xf32>
      %parallel_loop3A_332 = arith.constant 0.000000e+00 : f32
      %parallel_loop3A_333 = vector.broadcast %parallel_loop3A_332 : f32 to vector<16xf32>
      %parallel_loop3A_334 = arith.cmpf ogt, %parallel_loop3A_287, %parallel_loop3A_333 : vector<16xf32>
      %parallel_loop3A_335 = arith.constant 8.000000e-01 : f32
      %parallel_loop3A_336 = vector.broadcast %parallel_loop3A_335 : f32 to vector<16xf32>
      %parallel_loop3A_337 = arith.cmpf olt, %parallel_loop3A_287, %parallel_loop3A_336 : vector<16xf32>
      %parallel_loop3A_338 = arith.andi %parallel_loop3A_334, %parallel_loop3A_337 : vector<16xi1>
      %parallel_loop3A_339 = arith.constant 1.000000e+00 : f32
      %parallel_loop3A_340 = vector.broadcast %parallel_loop3A_339 : f32 to vector<16xf32>
      %parallel_loop3A_341 = arith.cmpf oge, %parallel_loop3A_287, %parallel_loop3A_340 : vector<16xf32>
      %parallel_loop3A_342 = arith.constant 0.000000e+00 : f32
      %parallel_loop3A_343 = vector.broadcast %parallel_loop3A_342 : f32 to vector<16xf32>
      %parallel_loop3A_344 = arith.select %parallel_loop3A_338, %parallel_loop3A_331, %parallel_loop3A_343 : vector<16xi1>, vector<16xf32>
      %parallel_loop3A_345 = arith.addf %parallel_loop3A_192, %parallel_loop3A_344 : vector<16xf32>
      %parallel_loop3A_346 = tpu.all_reduce %parallel_loop3A_338 {dim = 0 : i64, kind = #tpu.reduction_kind<sum>} : vector<16xi1> -> vector<16xi32>
      %parallel_loop3A_347 = arith.addi %parallel_loop3A_193, %parallel_loop3A_346 : vector<16xi32>
      %parallel_loop3A_348 = arith.constant 0.000000e+00 : f32
      %parallel_loop3A_349 = vector.broadcast %parallel_loop3A_348 : f32 to vector<16xf32>
      %parallel_loop3A_350 = arith.select %parallel_loop3A_341, %parallel_loop3A_331, %parallel_loop3A_349 : vector<16xi1>, vector<16xf32>
      %parallel_loop3A_351 = arith.addf %parallel_loop3A_194, %parallel_loop3A_350 : vector<16xf32>
      %parallel_loop3A_352 = tpu.all_reduce %parallel_loop3A_341 {dim = 0 : i64, kind = #tpu.reduction_kind<sum>} : vector<16xi1> -> vector<16xi32>
      %parallel_loop3A_353 = arith.addi %parallel_loop3A_195, %parallel_loop3A_352 : vector<16xi32>
      %parallel_loop3A_354 = arith.constant 32 : i32
      %parallel_loop3A_355 = arith.addi %parallel_loop3A_201, %parallel_loop3A_354 : i32
      %parallel_loop3A_356 = arith.index_cast %parallel_loop3A_197 : i32 to index
      %parallel_loop3A_357 = arith.index_cast %parallel_loop3A_355 : i32 to index
      %parallel_loop3A_358 = tpu.vector_load %arg7[%parallel_loop3A_356, %parallel_loop3A_357] {strides = array<i32>} : memref<64x256xf32, #tpu.memory_space<vmem>>, vector<16xf32>,
      %parallel_loop3A_359 = arith.constant 32 : i32
      %parallel_loop3A_360 = arith.addi %parallel_loop3A_201, %parallel_loop3A_359 : i32
      %parallel_loop3A_361 = arith.index_cast %parallel_loop3A_197 : i32 to index
      %parallel_loop3A_362 = arith.index_cast %parallel_loop3A_360 : i32 to index
      %parallel_loop3A_363 = tpu.vector_load %arg8[%parallel_loop3A_361, %parallel_loop3A_362] {strides = array<i32>} : memref<64x256xf32, #tpu.memory_space<vmem>>, vector<16xf32>,
      %parallel_loop3A_364 = math.exp %parallel_loop3A_358 : vector<16xf32>
      %parallel_loop3A_365 = arith.constant 1.000000e+00 : f32
      %parallel_loop3A_366 = vector.broadcast %parallel_loop3A_365 : f32 to vector<16xf32>
      %parallel_loop3A_367 = arith.addf %parallel_loop3A_366, %parallel_loop3A_364 : vector<16xf32>
      %parallel_loop3A_368 = tpu.bitcast %parallel_loop3A_367 : vector<16xf32> -> vector<16xi32>
      %parallel_loop3A_369 = arith.constant 4194304 : i32
      %parallel_loop3A_370 = vector.broadcast %parallel_loop3A_369 : i32 to vector<16xi32>
      %parallel_loop3A_371 = arith.addi %parallel_loop3A_368, %parallel_loop3A_370 : vector<16xi32>
      %parallel_loop3A_372 = arith.constant 23 : i32
      %parallel_loop3A_373 = vector.broadcast %parallel_loop3A_372 : i32 to vector<16xi32>
      %parallel_loop3A_374 = arith.shrsi %parallel_loop3A_371, %parallel_loop3A_373 : vector<16xi32>
      %parallel_loop3A_375 = arith.constant 23 : i32
      %parallel_loop3A_376 = vector.broadcast %parallel_loop3A_375 : i32 to vector<16xi32>
      %parallel_loop3A_377 = arith.shli %parallel_loop3A_374, %parallel_loop3A_376 : vector<16xi32>
      %parallel_loop3A_378 = arith.subi %parallel_loop3A_368, %parallel_loop3A_377 : vector<16xi32>
      %parallel_loop3A_379 = arith.constant 1065353216 : i32
      %parallel_loop3A_380 = vector.broadcast %parallel_loop3A_379 : i32 to vector<16xi32>
      %parallel_loop3A_381 = arith.addi %parallel_loop3A_378, %parallel_loop3A_380 : vector<16xi32>
      %parallel_loop3A_382 = tpu.bitcast %parallel_loop3A_381 : vector<16xi32> -> vector<16xf32>
      %parallel_loop3A_383 = arith.constant -0.175278813 : f32
      %parallel_loop3A_384 = vector.broadcast %parallel_loop3A_383 : f32 to vector<16xf32>
      %parallel_loop3A_385 = arith.mulf %parallel_loop3A_384, %parallel_loop3A_382 : vector<16xf32>
      %parallel_loop3A_386 = arith.constant 1.04415464 : f32
      %parallel_loop3A_387 = vector.broadcast %parallel_loop3A_386 : f32 to vector<16xf32>
      %parallel_loop3A_388 = arith.addf %parallel_loop3A_385, %parallel_loop3A_387 : vector<16xf32>
      %parallel_loop3A_389 = arith.mulf %parallel_loop3A_388, %parallel_loop3A_382 : vector<16xf32>
      %parallel_loop3A_390 = arith.constant -2.58701301 : f32
      %parallel_loop3A_391 = vector.broadcast %parallel_loop3A_390 : f32 to vector<16xf32>
      %parallel_loop3A_392 = arith.addf %parallel_loop3A_389, %parallel_loop3A_391 : vector<16xf32>
      %parallel_loop3A_393 = arith.mulf %parallel_loop3A_392, %parallel_loop3A_382 : vector<16xf32>
      %parallel_loop3A_394 = arith.constant 3.74264073 : f32
      %parallel_loop3A_395 = vector.broadcast %parallel_loop3A_394 : f32 to vector<16xf32>
      %parallel_loop3A_396 = arith.addf %parallel_loop3A_393, %parallel_loop3A_395 : vector<16xf32>
      %parallel_loop3A_397 = arith.mulf %parallel_loop3A_396, %parallel_loop3A_382 : vector<16xf32>
      %parallel_loop3A_398 = arith.constant -90.0541306 : f32
      %parallel_loop3A_399 = vector.broadcast %parallel_loop3A_398 : f32 to vector<16xf32>
      %parallel_loop3A_400 = arith.addf %parallel_loop3A_397, %parallel_loop3A_399 : vector<16xf32>
      %parallel_loop3A_401 = arith.sitofp %parallel_loop3A_374 : vector<16xi32> to vector<16xf32>
      %parallel_loop3A_402 = arith.constant 0.693147182 : f32
      %parallel_loop3A_403 = vector.broadcast %parallel_loop3A_402 : f32 to vector<16xf32>
      %parallel_loop3A_404 = arith.mulf %parallel_loop3A_401, %parallel_loop3A_403 : vector<16xf32>
      %parallel_loop3A_405 = arith.addf %parallel_loop3A_404, %parallel_loop3A_400 : vector<16xf32>
      %parallel_loop3A_406 = arith.mulf %parallel_loop3A_363, %parallel_loop3A_358 : vector<16xf32>
      %parallel_loop3A_407 = arith.subf %parallel_loop3A_405, %parallel_loop3A_406 : vector<16xf32>
      %parallel_loop3A_408 = arith.constant 0.000000e+00 : f32
      %parallel_loop3A_409 = vector.broadcast %parallel_loop3A_408 : f32 to vector<16xf32>
      %parallel_loop3A_410 = arith.cmpf ogt, %parallel_loop3A_363, %parallel_loop3A_409 : vector<16xf32>
      %parallel_loop3A_411 = arith.constant 8.000000e-01 : f32
      %parallel_loop3A_412 = vector.broadcast %parallel_loop3A_411 : f32 to vector<16xf32>
      %parallel_loop3A_413 = arith.cmpf olt, %parallel_loop3A_363, %parallel_loop3A_412 : vector<16xf32>
      %parallel_loop3A_414 = arith.andi %parallel_loop3A_410, %parallel_loop3A_413 : vector<16xi1>
      %parallel_loop3A_415 = arith.constant 1.000000e+00 : f32
      %parallel_loop3A_416 = vector.broadcast %parallel_loop3A_415 : f32 to vector<16xf32>
      %parallel_loop3A_417 = arith.cmpf oge, %parallel_loop3A_363, %parallel_loop3A_416 : vector<16xf32>
      %parallel_loop3A_418 = arith.constant 0.000000e+00 : f32
      %parallel_loop3A_419 = vector.broadcast %parallel_loop3A_418 : f32 to vector<16xf32>
      %parallel_loop3A_420 = arith.select %parallel_loop3A_414, %parallel_loop3A_407, %parallel_loop3A_419 : vector<16xi1>, vector<16xf32>
      %parallel_loop3A_421 = arith.addf %parallel_loop3A_269, %parallel_loop3A_420 : vector<16xf32>
      %parallel_loop3A_422 = tpu.all_reduce %parallel_loop3A_414 {dim = 0 : i64, kind = #tpu.reduction_kind<sum>} : vector<16xi1> -> vector<16xi32>
      %parallel_loop3A_423 = arith.addi %parallel_loop3A_271, %parallel_loop3A_422 : vector<16xi32>
      %parallel_loop3A_424 = arith.constant 0.000000e+00 : f32
      %parallel_loop3A_425 = vector.broadcast %parallel_loop3A_424 : f32 to vector<16xf32>
      %parallel_loop3A_426 = arith.select %parallel_loop3A_417, %parallel_loop3A_407, %parallel_loop3A_425 : vector<16xi1>, vector<16xf32>
      %parallel_loop3A_427 = arith.addf %parallel_loop3A_275, %parallel_loop3A_426 : vector<16xf32>
      %parallel_loop3A_428 = tpu.all_reduce %parallel_loop3A_417 {dim = 0 : i64, kind = #tpu.reduction_kind<sum>} : vector<16xi1> -> vector<16xi32>
      %parallel_loop3A_429 = arith.addi %parallel_loop3A_277, %parallel_loop3A_428 : vector<16xi32>
      %parallel_loop3A_430 = arith.constant 48 : i32
      %parallel_loop3A_431 = arith.addi %parallel_loop3A_201, %parallel_loop3A_430 : i32
      %parallel_loop3A_432 = arith.index_cast %parallel_loop3A_197 : i32 to index
      %parallel_loop3A_433 = arith.index_cast %parallel_loop3A_431 : i32 to index
      %parallel_loop3A_434 = tpu.vector_load %arg7[%parallel_loop3A_432, %parallel_loop3A_433] {strides = array<i32>} : memref<64x256xf32, #tpu.memory_space<vmem>>, vector<16xf32>,
      %parallel_loop3A_435 = arith.constant 48 : i32
      %parallel_loop3A_436 = arith.addi %parallel_loop3A_201, %parallel_loop3A_435 : i32
      %parallel_loop3A_437 = arith.index_cast %parallel_loop3A_197 : i32 to index
      %parallel_loop3A_438 = arith.index_cast %parallel_loop3A_436 : i32 to index
      %parallel_loop3A_439 = tpu.vector_load %arg8[%parallel_loop3A_437, %parallel_loop3A_438] {strides = array<i32>} : memref<64x256xf32, #tpu.memory_space<vmem>>, vector<16xf32>,
      %parallel_loop3A_440 = math.exp %parallel_loop3A_434 : vector<16xf32>
      %parallel_loop3A_441 = arith.constant 1.000000e+00 : f32
      %parallel_loop3A_442 = vector.broadcast %parallel_loop3A_441 : f32 to vector<16xf32>
      %parallel_loop3A_443 = arith.addf %parallel_loop3A_442, %parallel_loop3A_440 : vector<16xf32>
      %parallel_loop3A_444 = tpu.bitcast %parallel_loop3A_443 : vector<16xf32> -> vector<16xi32>
      %parallel_loop3A_445 = arith.constant 4194304 : i32
      %parallel_loop3A_446 = vector.broadcast %parallel_loop3A_445 : i32 to vector<16xi32>
      %parallel_loop3A_447 = arith.addi %parallel_loop3A_444, %parallel_loop3A_446 : vector<16xi32>
      %parallel_loop3A_448 = arith.constant 23 : i32
      %parallel_loop3A_449 = vector.broadcast %parallel_loop3A_448 : i32 to vector<16xi32>
      %parallel_loop3A_450 = arith.shrsi %parallel_loop3A_447, %parallel_loop3A_449 : vector<16xi32>
      %parallel_loop3A_451 = arith.constant 23 : i32
      %parallel_loop3A_452 = vector.broadcast %parallel_loop3A_451 : i32 to vector<16xi32>
      %parallel_loop3A_453 = arith.shli %parallel_loop3A_450, %parallel_loop3A_452 : vector<16xi32>
      %parallel_loop3A_454 = arith.subi %parallel_loop3A_444, %parallel_loop3A_453 : vector<16xi32>
      %parallel_loop3A_455 = arith.constant 1065353216 : i32
      %parallel_loop3A_456 = vector.broadcast %parallel_loop3A_455 : i32 to vector<16xi32>
      %parallel_loop3A_457 = arith.addi %parallel_loop3A_454, %parallel_loop3A_456 : vector<16xi32>
      %parallel_loop3A_458 = tpu.bitcast %parallel_loop3A_457 : vector<16xi32> -> vector<16xf32>
      %parallel_loop3A_459 = arith.constant -0.175278813 : f32
      %parallel_loop3A_460 = vector.broadcast %parallel_loop3A_459 : f32 to vector<16xf32>
      %parallel_loop3A_461 = arith.mulf %parallel_loop3A_460, %parallel_loop3A_458 : vector<16xf32>
      %parallel_loop3A_462 = arith.constant 1.04415464 : f32
      %parallel_loop3A_463 = vector.broadcast %parallel_loop3A_462 : f32 to vector<16xf32>
      %parallel_loop3A_464 = arith.addf %parallel_loop3A_461, %parallel_loop3A_463 : vector<16xf32>
      %parallel_loop3A_465 = arith.mulf %parallel_loop3A_464, %parallel_loop3A_458 : vector<16xf32>
      %parallel_loop3A_466 = arith.constant -2.58701301 : f32
      %parallel_loop3A_467 = vector.broadcast %parallel_loop3A_466 : f32 to vector<16xf32>
      %parallel_loop3A_468 = arith.addf %parallel_loop3A_465, %parallel_loop3A_467 : vector<16xf32>
      %parallel_loop3A_469 = arith.mulf %parallel_loop3A_468, %parallel_loop3A_458 : vector<16xf32>
      %parallel_loop3A_470 = arith.constant 3.74264073 : f32
      %parallel_loop3A_471 = vector.broadcast %parallel_loop3A_470 : f32 to vector<16xf32>
      %parallel_loop3A_472 = arith.addf %parallel_loop3A_469, %parallel_loop3A_471 : vector<16xf32>
      %parallel_loop3A_473 = arith.mulf %parallel_loop3A_472, %parallel_loop3A_458 : vector<16xf32>
      %parallel_loop3A_474 = arith.constant -90.0541306 : f32
      %parallel_loop3A_475 = vector.broadcast %parallel_loop3A_474 : f32 to vector<16xf32>
      %parallel_loop3A_476 = arith.addf %parallel_loop3A_473, %parallel_loop3A_475 : vector<16xf32>
      %parallel_loop3A_477 = arith.sitofp %parallel_loop3A_450 : vector<16xi32> to vector<16xf32>
      %parallel_loop3A_478 = arith.constant 0.693147182 : f32
      %parallel_loop3A_479 = vector.broadcast %parallel_loop3A_478 : f32 to vector<16xf32>
      %parallel_loop3A_480 = arith.mulf %parallel_loop3A_477, %parallel_loop3A_479 : vector<16xf32>
      %parallel_loop3A_481 = arith.addf %parallel_loop3A_480, %parallel_loop3A_476 : vector<16xf32>
      %parallel_loop3A_482 = arith.mulf %parallel_loop3A_439, %parallel_loop3A_434 : vector<16xf32>
      %parallel_loop3A_483 = arith.subf %parallel_loop3A_481, %parallel_loop3A_482 : vector<16xf32>
      %parallel_loop3A_484 = arith.constant 0.000000e+00 : f32
      %parallel_loop3A_485 = vector.broadcast %parallel_loop3A_484 : f32 to vector<16xf32>
      %parallel_loop3A_486 = arith.cmpf ogt, %parallel_loop3A_439, %parallel_loop3A_485 : vector<16xf32>
      %parallel_loop3A_487 = arith.constant 8.000000e-01 : f32
      %parallel_loop3A_488 = vector.broadcast %parallel_loop3A_487 : f32 to vector<16xf32>
      %parallel_loop3A_489 = arith.cmpf olt, %parallel_loop3A_439, %parallel_loop3A_488 : vector<16xf32>
      %parallel_loop3A_490 = arith.andi %parallel_loop3A_486, %parallel_loop3A_489 : vector<16xi1>
      %parallel_loop3A_491 = arith.constant 1.000000e+00 : f32
      %parallel_loop3A_492 = vector.broadcast %parallel_loop3A_491 : f32 to vector<16xf32>
      %parallel_loop3A_493 = arith.cmpf oge, %parallel_loop3A_439, %parallel_loop3A_492 : vector<16xf32>
      %parallel_loop3A_494 = arith.constant 0.000000e+00 : f32
      %parallel_loop3A_495 = vector.broadcast %parallel_loop3A_494 : f32 to vector<16xf32>
      %parallel_loop3A_496 = arith.select %parallel_loop3A_490, %parallel_loop3A_483, %parallel_loop3A_495 : vector<16xi1>, vector<16xf32>
      %parallel_loop3A_497 = arith.addf %parallel_loop3A_345, %parallel_loop3A_496 : vector<16xf32>
      %parallel_loop3A_498 = tpu.all_reduce %parallel_loop3A_490 {dim = 0 : i64, kind = #tpu.reduction_kind<sum>} : vector<16xi1> -> vector<16xi32>
      %parallel_loop3A_499 = arith.addi %parallel_loop3A_347, %parallel_loop3A_498 : vector<16xi32>
      %parallel_loop3A_500 = arith.constant 0.000000e+00 : f32
      %parallel_loop3A_501 = vector.broadcast %parallel_loop3A_500 : f32 to vector<16xf32>
      %parallel_loop3A_502 = arith.select %parallel_loop3A_493, %parallel_loop3A_483, %parallel_loop3A_501 : vector<16xi1>, vector<16xf32>
      %parallel_loop3A_503 = arith.addf %parallel_loop3A_351, %parallel_loop3A_502 : vector<16xf32>
      %parallel_loop3A_504 = tpu.all_reduce %parallel_loop3A_493 {dim = 0 : i64, kind = #tpu.reduction_kind<sum>} : vector<16xi1> -> vector<16xi32>
      %parallel_loop3A_505 = arith.addi %parallel_loop3A_353, %parallel_loop3A_504 : vector<16xi32>
      scf.yield %parallel_loop3A_421, %parallel_loop3A_423, %parallel_loop3A_427, %parallel_loop3A_429, %parallel_loop3A_497, %parallel_loop3A_499, %parallel_loop3A_503, %parallel_loop3A_505 : vector<16xf32>, vector<16xi32>, vector<16xf32>, vector<16xi32>, vector<16xf32>, vector<16xi32>, vector<16xf32>, vector<16xi32>
    } {sc.loop_unroll_factor = 1 : i64, sc.parallel_access}
    %dma_wait3A_99 = arith.constant 4 : i32
    %dma_wait3A_100 = arith.constant 128 : i32
    %dma_wait3A_101 = arith.constant 0 : i32
    %dma_wait3A_102 = tpu.memref_slice %arg2[%add3A, %dma_wait3A_99, %dma_wait3A_100, %dma_wait3A_101] : memref<32x5x256x256xf32, #tpu.memory_space<hbm>> -> memref<1x1x64x256xf32, #tpu.memory_space<hbm>>
    %dma_wait3A_103 = tpu.memref_squeeze %dma_wait3A_102 : memref<1x1x64x256xf32, #tpu.memory_space<hbm>> -> memref<64x256xf32, #tpu.memory_space<hbm>>
    %dma_wait3A_104 = arith.constant 128 : i32
    %dma_wait3A_105 = arith.constant 0 : i32
    %dma_wait3A_106 = tpu.memref_slice %arg2[%add3A, %dma_wait3A_99, %dma_wait3A_104, %dma_wait3A_105] : memref<32x5x256x256xf32, #tpu.memory_space<hbm>> -> memref<1x1x64x256xf32, #tpu.memory_space<hbm>>
    %dma_wait3A_107 = tpu.memref_squeeze %dma_wait3A_106 : memref<1x1x64x256xf32, #tpu.memory_space<hbm>> -> memref<64x256xf32, #tpu.memory_space<hbm>>
    tpu.wait_dma2 semaphore(%arg10 : memref<!tpu.dma_semaphore, #tpu.memory_space<semaphore_mem>>) src(%dma_wait3A_107 : memref<64x256xf32, #tpu.memory_space<hbm>>) dst(%arg5 : memref<64x256xf32, #tpu.memory_space<vmem>>)
    %dma_wait3A_108 = arith.constant 4 : i32
    %dma_wait3A_109 = arith.constant 128 : i32
    %dma_wait3A_110 = arith.constant 0 : i32
    %dma_wait3A_111 = tpu.memref_slice %arg3[%add3A, %dma_wait3A_108, %dma_wait3A_109, %dma_wait3A_110] : memref<32x5x256x256xf32, #tpu.memory_space<hbm>> -> memref<1x1x64x256xf32, #tpu.memory_space<hbm>>
    %dma_wait3A_112 = tpu.memref_squeeze %dma_wait3A_111 : memref<1x1x64x256xf32, #tpu.memory_space<hbm>> -> memref<64x256xf32, #tpu.memory_space<hbm>>
    %dma_wait3A_113 = arith.constant 128 : i32
    %dma_wait3A_114 = arith.constant 0 : i32
    %dma_wait3A_115 = tpu.memref_slice %arg3[%add3A, %dma_wait3A_108, %dma_wait3A_113, %dma_wait3A_114] : memref<32x5x256x256xf32, #tpu.memory_space<hbm>> -> memref<1x1x64x256xf32, #tpu.memory_space<hbm>>
    %dma_wait3A_116 = tpu.memref_squeeze %dma_wait3A_115 : memref<1x1x64x256xf32, #tpu.memory_space<hbm>> -> memref<64x256xf32, #tpu.memory_space<hbm>>
    tpu.wait_dma2 semaphore(%arg10 : memref<!tpu.dma_semaphore, #tpu.memory_space<semaphore_mem>>) src(%dma_wait3A_116 : memref<64x256xf32, #tpu.memory_space<hbm>>) dst(%arg6 : memref<64x256xf32, #tpu.memory_space<vmem>>)
    %dma_start3A_117 = arith.constant 4 : i32
    %dma_start3A_118 = arith.constant 192 : i32
    %dma_start3A_119 = arith.constant 0 : i32
    %dma_start3A_120 = tpu.memref_slice %arg2[%add3A, %dma_start3A_117, %dma_start3A_118, %dma_start3A_119] : memref<32x5x256x256xf32, #tpu.memory_space<hbm>> -> memref<1x1x64x256xf32, #tpu.memory_space<hbm>>
    %dma_start3A_121 = tpu.memref_squeeze %dma_start3A_120 : memref<1x1x64x256xf32, #tpu.memory_space<hbm>> -> memref<64x256xf32, #tpu.memory_space<hbm>>
    %dma_start3A_122 = arith.constant 192 : i32
    %dma_start3A_123 = arith.constant 0 : i32
    %dma_start3A_124 = tpu.memref_slice %arg2[%add3A, %dma_start3A_117, %dma_start3A_122, %dma_start3A_123] : memref<32x5x256x256xf32, #tpu.memory_space<hbm>> -> memref<1x1x64x256xf32, #tpu.memory_space<hbm>>
    %dma_start3A_125 = tpu.memref_squeeze %dma_start3A_124 : memref<1x1x64x256xf32, #tpu.memory_space<hbm>> -> memref<64x256xf32, #tpu.memory_space<hbm>>
    tpu.enqueue_dma source(%dma_start3A_125 : memref<64x256xf32, #tpu.memory_space<hbm>>) target(%arg7 : memref<64x256xf32, #tpu.memory_space<vmem>>) target_semaphore(%arg10 : memref<!tpu.dma_semaphore, #tpu.memory_space<semaphore_mem>>)
    %dma_start3A_126 = arith.constant 4 : i32
    %dma_start3A_127 = arith.constant 192 : i32
    %dma_start3A_128 = arith.constant 0 : i32
    %dma_start3A_129 = tpu.memref_slice %arg3[%add3A, %dma_start3A_126, %dma_start3A_127, %dma_start3A_128] : memref<32x5x256x256xf32, #tpu.memory_space<hbm>> -> memref<1x1x64x256xf32, #tpu.memory_space<hbm>>
    %dma_start3A_130 = tpu.memref_squeeze %dma_start3A_129 : memref<1x1x64x256xf32, #tpu.memory_space<hbm>> -> memref<64x256xf32, #tpu.memory_space<hbm>>
    %dma_start3A_131 = arith.constant 192 : i32
    %dma_start3A_132 = arith.constant 0 : i32
    %dma_start3A_133 = tpu.memref_slice %arg3[%add3A, %dma_start3A_126, %dma_start3A_131, %dma_start3A_132] : memref<32x5x256x256xf32, #tpu.memory_space<hbm>> -> memref<1x1x64x256xf32, #tpu.memory_space<hbm>>
    %dma_start3A_134 = tpu.memref_squeeze %dma_start3A_133 : memref<1x1x64x256xf32, #tpu.memory_space<hbm>> -> memref<64x256xf32, #tpu.memory_space<hbm>>
    tpu.enqueue_dma source(%dma_start3A_134 : memref<64x256xf32, #tpu.memory_space<hbm>>) target(%arg8 : memref<64x256xf32, #tpu.memory_space<vmem>>) target_semaphore(%arg10 : memref<!tpu.dma_semaphore, #tpu.memory_space<semaphore_mem>>)
    %parallel_loop3A_135 = arith.constant 0 : i32
    %parallel_loop3A_136 = arith.constant 256 : i32
    %parallel_loop3A_137 = arith.constant 1 : i32
    %parallel_loop3A_138:8 = scf.for %parallel_loop3A_187 = %parallel_loop3A_135 to %parallel_loop3A_136 step %parallel_loop3A_137 iter_args(%parallel_loop3A_188 = %parallel_loop3A_98#0, %parallel_loop3A_189 = %parallel_loop3A_98#1, %parallel_loop3A_190 = %parallel_loop3A_98#2, %parallel_loop3A_191 = %parallel_loop3A_98#3, %parallel_loop3A_192 = %parallel_loop3A_98#4, %parallel_loop3A_193 = %parallel_loop3A_98#5, %parallel_loop3A_194 = %parallel_loop3A_98#6, %parallel_loop3A_195 = %parallel_loop3A_98#7) -> (vector<16xf32>, vector<16xi32>, vector<16xf32>, vector<16xi32>, vector<16xf32>, vector<16xi32>, vector<16xf32>, vector<16xi32>)  : i32 {
      %parallel_loop3A_196 = arith.constant 2 : i32
      %parallel_loop3A_197 = arith.shrsi %parallel_loop3A_187, %parallel_loop3A_196 : i32
      %parallel_loop3A_198 = arith.constant 3 : i32
      %parallel_loop3A_199 = arith.andi %parallel_loop3A_187, %parallel_loop3A_198 : i32
      %parallel_loop3A_200 = arith.constant 64 : i32
      %parallel_loop3A_201 = arith.muli %parallel_loop3A_199, %parallel_loop3A_200 : i32
      %parallel_loop3A_202 = arith.constant 0 : i32
      %parallel_loop3A_203 = arith.addi %parallel_loop3A_201, %parallel_loop3A_202 : i32
      %parallel_loop3A_204 = arith.index_cast %parallel_loop3A_197 : i32 to index
      %parallel_loop3A_205 = arith.index_cast %parallel_loop3A_203 : i32 to index
      %parallel_loop3A_206 = tpu.vector_load %arg5[%parallel_loop3A_204, %parallel_loop3A_205] {strides = array<i32>} : memref<64x256xf32, #tpu.memory_space<vmem>>, vector<16xf32>,
      %parallel_loop3A_207 = arith.constant 0 : i32
      %parallel_loop3A_208 = arith.addi %parallel_loop3A_201, %parallel_loop3A_207 : i32
      %parallel_loop3A_209 = arith.index_cast %parallel_loop3A_197 : i32 to index
      %parallel_loop3A_210 = arith.index_cast %parallel_loop3A_208 : i32 to index
      %parallel_loop3A_211 = tpu.vector_load %arg6[%parallel_loop3A_209, %parallel_loop3A_210] {strides = array<i32>} : memref<64x256xf32, #tpu.memory_space<vmem>>, vector<16xf32>,
      %parallel_loop3A_212 = math.exp %parallel_loop3A_206 : vector<16xf32>
      %parallel_loop3A_213 = arith.constant 1.000000e+00 : f32
      %parallel_loop3A_214 = vector.broadcast %parallel_loop3A_213 : f32 to vector<16xf32>
      %parallel_loop3A_215 = arith.addf %parallel_loop3A_214, %parallel_loop3A_212 : vector<16xf32>
      %parallel_loop3A_216 = tpu.bitcast %parallel_loop3A_215 : vector<16xf32> -> vector<16xi32>
      %parallel_loop3A_217 = arith.constant 4194304 : i32
      %parallel_loop3A_218 = vector.broadcast %parallel_loop3A_217 : i32 to vector<16xi32>
      %parallel_loop3A_219 = arith.addi %parallel_loop3A_216, %parallel_loop3A_218 : vector<16xi32>
      %parallel_loop3A_220 = arith.constant 23 : i32
      %parallel_loop3A_221 = vector.broadcast %parallel_loop3A_220 : i32 to vector<16xi32>
      %parallel_loop3A_222 = arith.shrsi %parallel_loop3A_219, %parallel_loop3A_221 : vector<16xi32>
      %parallel_loop3A_223 = arith.constant 23 : i32
      %parallel_loop3A_224 = vector.broadcast %parallel_loop3A_223 : i32 to vector<16xi32>
      %parallel_loop3A_225 = arith.shli %parallel_loop3A_222, %parallel_loop3A_224 : vector<16xi32>
      %parallel_loop3A_226 = arith.subi %parallel_loop3A_216, %parallel_loop3A_225 : vector<16xi32>
      %parallel_loop3A_227 = arith.constant 1065353216 : i32
      %parallel_loop3A_228 = vector.broadcast %parallel_loop3A_227 : i32 to vector<16xi32>
      %parallel_loop3A_229 = arith.addi %parallel_loop3A_226, %parallel_loop3A_228 : vector<16xi32>
      %parallel_loop3A_230 = tpu.bitcast %parallel_loop3A_229 : vector<16xi32> -> vector<16xf32>
      %parallel_loop3A_231 = arith.constant -0.175278813 : f32
      %parallel_loop3A_232 = vector.broadcast %parallel_loop3A_231 : f32 to vector<16xf32>
      %parallel_loop3A_233 = arith.mulf %parallel_loop3A_232, %parallel_loop3A_230 : vector<16xf32>
      %parallel_loop3A_234 = arith.constant 1.04415464 : f32
      %parallel_loop3A_235 = vector.broadcast %parallel_loop3A_234 : f32 to vector<16xf32>
      %parallel_loop3A_236 = arith.addf %parallel_loop3A_233, %parallel_loop3A_235 : vector<16xf32>
      %parallel_loop3A_237 = arith.mulf %parallel_loop3A_236, %parallel_loop3A_230 : vector<16xf32>
      %parallel_loop3A_238 = arith.constant -2.58701301 : f32
      %parallel_loop3A_239 = vector.broadcast %parallel_loop3A_238 : f32 to vector<16xf32>
      %parallel_loop3A_240 = arith.addf %parallel_loop3A_237, %parallel_loop3A_239 : vector<16xf32>
      %parallel_loop3A_241 = arith.mulf %parallel_loop3A_240, %parallel_loop3A_230 : vector<16xf32>
      %parallel_loop3A_242 = arith.constant 3.74264073 : f32
      %parallel_loop3A_243 = vector.broadcast %parallel_loop3A_242 : f32 to vector<16xf32>
      %parallel_loop3A_244 = arith.addf %parallel_loop3A_241, %parallel_loop3A_243 : vector<16xf32>
      %parallel_loop3A_245 = arith.mulf %parallel_loop3A_244, %parallel_loop3A_230 : vector<16xf32>
      %parallel_loop3A_246 = arith.constant -90.0541306 : f32
      %parallel_loop3A_247 = vector.broadcast %parallel_loop3A_246 : f32 to vector<16xf32>
      %parallel_loop3A_248 = arith.addf %parallel_loop3A_245, %parallel_loop3A_247 : vector<16xf32>
      %parallel_loop3A_249 = arith.sitofp %parallel_loop3A_222 : vector<16xi32> to vector<16xf32>
      %parallel_loop3A_250 = arith.constant 0.693147182 : f32
      %parallel_loop3A_251 = vector.broadcast %parallel_loop3A_250 : f32 to vector<16xf32>
      %parallel_loop3A_252 = arith.mulf %parallel_loop3A_249, %parallel_loop3A_251 : vector<16xf32>
      %parallel_loop3A_253 = arith.addf %parallel_loop3A_252, %parallel_loop3A_248 : vector<16xf32>
      %parallel_loop3A_254 = arith.mulf %parallel_loop3A_211, %parallel_loop3A_206 : vector<16xf32>
      %parallel_loop3A_255 = arith.subf %parallel_loop3A_253, %parallel_loop3A_254 : vector<16xf32>
      %parallel_loop3A_256 = arith.constant 0.000000e+00 : f32
      %parallel_loop3A_257 = vector.broadcast %parallel_loop3A_256 : f32 to vector<16xf32>
      %parallel_loop3A_258 = arith.cmpf ogt, %parallel_loop3A_211, %parallel_loop3A_257 : vector<16xf32>
      %parallel_loop3A_259 = arith.constant 8.000000e-01 : f32
      %parallel_loop3A_260 = vector.broadcast %parallel_loop3A_259 : f32 to vector<16xf32>
      %parallel_loop3A_261 = arith.cmpf olt, %parallel_loop3A_211, %parallel_loop3A_260 : vector<16xf32>
      %parallel_loop3A_262 = arith.andi %parallel_loop3A_258, %parallel_loop3A_261 : vector<16xi1>
      %parallel_loop3A_263 = arith.constant 1.000000e+00 : f32
      %parallel_loop3A_264 = vector.broadcast %parallel_loop3A_263 : f32 to vector<16xf32>
      %parallel_loop3A_265 = arith.cmpf oge, %parallel_loop3A_211, %parallel_loop3A_264 : vector<16xf32>
      %parallel_loop3A_266 = arith.constant 0.000000e+00 : f32
      %parallel_loop3A_267 = vector.broadcast %parallel_loop3A_266 : f32 to vector<16xf32>
      %parallel_loop3A_268 = arith.select %parallel_loop3A_262, %parallel_loop3A_255, %parallel_loop3A_267 : vector<16xi1>, vector<16xf32>
      %parallel_loop3A_269 = arith.addf %parallel_loop3A_188, %parallel_loop3A_268 : vector<16xf32>
      %parallel_loop3A_270 = tpu.all_reduce %parallel_loop3A_262 {dim = 0 : i64, kind = #tpu.reduction_kind<sum>} : vector<16xi1> -> vector<16xi32>
      %parallel_loop3A_271 = arith.addi %parallel_loop3A_189, %parallel_loop3A_270 : vector<16xi32>
      %parallel_loop3A_272 = arith.constant 0.000000e+00 : f32
      %parallel_loop3A_273 = vector.broadcast %parallel_loop3A_272 : f32 to vector<16xf32>
      %parallel_loop3A_274 = arith.select %parallel_loop3A_265, %parallel_loop3A_255, %parallel_loop3A_273 : vector<16xi1>, vector<16xf32>
      %parallel_loop3A_275 = arith.addf %parallel_loop3A_190, %parallel_loop3A_274 : vector<16xf32>
      %parallel_loop3A_276 = tpu.all_reduce %parallel_loop3A_265 {dim = 0 : i64, kind = #tpu.reduction_kind<sum>} : vector<16xi1> -> vector<16xi32>
      %parallel_loop3A_277 = arith.addi %parallel_loop3A_191, %parallel_loop3A_276 : vector<16xi32>
      %parallel_loop3A_278 = arith.constant 16 : i32
      %parallel_loop3A_279 = arith.addi %parallel_loop3A_201, %parallel_loop3A_278 : i32
      %parallel_loop3A_280 = arith.index_cast %parallel_loop3A_197 : i32 to index
      %parallel_loop3A_281 = arith.index_cast %parallel_loop3A_279 : i32 to index
      %parallel_loop3A_282 = tpu.vector_load %arg5[%parallel_loop3A_280, %parallel_loop3A_281] {strides = array<i32>} : memref<64x256xf32, #tpu.memory_space<vmem>>, vector<16xf32>,
      %parallel_loop3A_283 = arith.constant 16 : i32
      %parallel_loop3A_284 = arith.addi %parallel_loop3A_201, %parallel_loop3A_283 : i32
      %parallel_loop3A_285 = arith.index_cast %parallel_loop3A_197 : i32 to index
      %parallel_loop3A_286 = arith.index_cast %parallel_loop3A_284 : i32 to index
      %parallel_loop3A_287 = tpu.vector_load %arg6[%parallel_loop3A_285, %parallel_loop3A_286] {strides = array<i32>} : memref<64x256xf32, #tpu.memory_space<vmem>>, vector<16xf32>,
      %parallel_loop3A_288 = math.exp %parallel_loop3A_282 : vector<16xf32>
      %parallel_loop3A_289 = arith.constant 1.000000e+00 : f32
      %parallel_loop3A_290 = vector.broadcast %parallel_loop3A_289 : f32 to vector<16xf32>
      %parallel_loop3A_291 = arith.addf %parallel_loop3A_290, %parallel_loop3A_288 : vector<16xf32>
      %parallel_loop3A_292 = tpu.bitcast %parallel_loop3A_291 : vector<16xf32> -> vector<16xi32>
      %parallel_loop3A_293 = arith.constant 4194304 : i32
      %parallel_loop3A_294 = vector.broadcast %parallel_loop3A_293 : i32 to vector<16xi32>
      %parallel_loop3A_295 = arith.addi %parallel_loop3A_292, %parallel_loop3A_294 : vector<16xi32>
      %parallel_loop3A_296 = arith.constant 23 : i32
      %parallel_loop3A_297 = vector.broadcast %parallel_loop3A_296 : i32 to vector<16xi32>
      %parallel_loop3A_298 = arith.shrsi %parallel_loop3A_295, %parallel_loop3A_297 : vector<16xi32>
      %parallel_loop3A_299 = arith.constant 23 : i32
      %parallel_loop3A_300 = vector.broadcast %parallel_loop3A_299 : i32 to vector<16xi32>
      %parallel_loop3A_301 = arith.shli %parallel_loop3A_298, %parallel_loop3A_300 : vector<16xi32>
      %parallel_loop3A_302 = arith.subi %parallel_loop3A_292, %parallel_loop3A_301 : vector<16xi32>
      %parallel_loop3A_303 = arith.constant 1065353216 : i32
      %parallel_loop3A_304 = vector.broadcast %parallel_loop3A_303 : i32 to vector<16xi32>
      %parallel_loop3A_305 = arith.addi %parallel_loop3A_302, %parallel_loop3A_304 : vector<16xi32>
      %parallel_loop3A_306 = tpu.bitcast %parallel_loop3A_305 : vector<16xi32> -> vector<16xf32>
      %parallel_loop3A_307 = arith.constant -0.175278813 : f32
      %parallel_loop3A_308 = vector.broadcast %parallel_loop3A_307 : f32 to vector<16xf32>
      %parallel_loop3A_309 = arith.mulf %parallel_loop3A_308, %parallel_loop3A_306 : vector<16xf32>
      %parallel_loop3A_310 = arith.constant 1.04415464 : f32
      %parallel_loop3A_311 = vector.broadcast %parallel_loop3A_310 : f32 to vector<16xf32>
      %parallel_loop3A_312 = arith.addf %parallel_loop3A_309, %parallel_loop3A_311 : vector<16xf32>
      %parallel_loop3A_313 = arith.mulf %parallel_loop3A_312, %parallel_loop3A_306 : vector<16xf32>
      %parallel_loop3A_314 = arith.constant -2.58701301 : f32
      %parallel_loop3A_315 = vector.broadcast %parallel_loop3A_314 : f32 to vector<16xf32>
      %parallel_loop3A_316 = arith.addf %parallel_loop3A_313, %parallel_loop3A_315 : vector<16xf32>
      %parallel_loop3A_317 = arith.mulf %parallel_loop3A_316, %parallel_loop3A_306 : vector<16xf32>
      %parallel_loop3A_318 = arith.constant 3.74264073 : f32
      %parallel_loop3A_319 = vector.broadcast %parallel_loop3A_318 : f32 to vector<16xf32>
      %parallel_loop3A_320 = arith.addf %parallel_loop3A_317, %parallel_loop3A_319 : vector<16xf32>
      %parallel_loop3A_321 = arith.mulf %parallel_loop3A_320, %parallel_loop3A_306 : vector<16xf32>
      %parallel_loop3A_322 = arith.constant -90.0541306 : f32
      %parallel_loop3A_323 = vector.broadcast %parallel_loop3A_322 : f32 to vector<16xf32>
      %parallel_loop3A_324 = arith.addf %parallel_loop3A_321, %parallel_loop3A_323 : vector<16xf32>
      %parallel_loop3A_325 = arith.sitofp %parallel_loop3A_298 : vector<16xi32> to vector<16xf32>
      %parallel_loop3A_326 = arith.constant 0.693147182 : f32
      %parallel_loop3A_327 = vector.broadcast %parallel_loop3A_326 : f32 to vector<16xf32>
      %parallel_loop3A_328 = arith.mulf %parallel_loop3A_325, %parallel_loop3A_327 : vector<16xf32>
      %parallel_loop3A_329 = arith.addf %parallel_loop3A_328, %parallel_loop3A_324 : vector<16xf32>
      %parallel_loop3A_330 = arith.mulf %parallel_loop3A_287, %parallel_loop3A_282 : vector<16xf32>
      %parallel_loop3A_331 = arith.subf %parallel_loop3A_329, %parallel_loop3A_330 : vector<16xf32>
      %parallel_loop3A_332 = arith.constant 0.000000e+00 : f32
      %parallel_loop3A_333 = vector.broadcast %parallel_loop3A_332 : f32 to vector<16xf32>
      %parallel_loop3A_334 = arith.cmpf ogt, %parallel_loop3A_287, %parallel_loop3A_333 : vector<16xf32>
      %parallel_loop3A_335 = arith.constant 8.000000e-01 : f32
      %parallel_loop3A_336 = vector.broadcast %parallel_loop3A_335 : f32 to vector<16xf32>
      %parallel_loop3A_337 = arith.cmpf olt, %parallel_loop3A_287, %parallel_loop3A_336 : vector<16xf32>
      %parallel_loop3A_338 = arith.andi %parallel_loop3A_334, %parallel_loop3A_337 : vector<16xi1>
      %parallel_loop3A_339 = arith.constant 1.000000e+00 : f32
      %parallel_loop3A_340 = vector.broadcast %parallel_loop3A_339 : f32 to vector<16xf32>
      %parallel_loop3A_341 = arith.cmpf oge, %parallel_loop3A_287, %parallel_loop3A_340 : vector<16xf32>
      %parallel_loop3A_342 = arith.constant 0.000000e+00 : f32
      %parallel_loop3A_343 = vector.broadcast %parallel_loop3A_342 : f32 to vector<16xf32>
      %parallel_loop3A_344 = arith.select %parallel_loop3A_338, %parallel_loop3A_331, %parallel_loop3A_343 : vector<16xi1>, vector<16xf32>
      %parallel_loop3A_345 = arith.addf %parallel_loop3A_192, %parallel_loop3A_344 : vector<16xf32>
      %parallel_loop3A_346 = tpu.all_reduce %parallel_loop3A_338 {dim = 0 : i64, kind = #tpu.reduction_kind<sum>} : vector<16xi1> -> vector<16xi32>
      %parallel_loop3A_347 = arith.addi %parallel_loop3A_193, %parallel_loop3A_346 : vector<16xi32>
      %parallel_loop3A_348 = arith.constant 0.000000e+00 : f32
      %parallel_loop3A_349 = vector.broadcast %parallel_loop3A_348 : f32 to vector<16xf32>
      %parallel_loop3A_350 = arith.select %parallel_loop3A_341, %parallel_loop3A_331, %parallel_loop3A_349 : vector<16xi1>, vector<16xf32>
      %parallel_loop3A_351 = arith.addf %parallel_loop3A_194, %parallel_loop3A_350 : vector<16xf32>
      %parallel_loop3A_352 = tpu.all_reduce %parallel_loop3A_341 {dim = 0 : i64, kind = #tpu.reduction_kind<sum>} : vector<16xi1> -> vector<16xi32>
      %parallel_loop3A_353 = arith.addi %parallel_loop3A_195, %parallel_loop3A_352 : vector<16xi32>
      %parallel_loop3A_354 = arith.constant 32 : i32
      %parallel_loop3A_355 = arith.addi %parallel_loop3A_201, %parallel_loop3A_354 : i32
      %parallel_loop3A_356 = arith.index_cast %parallel_loop3A_197 : i32 to index
      %parallel_loop3A_357 = arith.index_cast %parallel_loop3A_355 : i32 to index
      %parallel_loop3A_358 = tpu.vector_load %arg5[%parallel_loop3A_356, %parallel_loop3A_357] {strides = array<i32>} : memref<64x256xf32, #tpu.memory_space<vmem>>, vector<16xf32>,
      %parallel_loop3A_359 = arith.constant 32 : i32
      %parallel_loop3A_360 = arith.addi %parallel_loop3A_201, %parallel_loop3A_359 : i32
      %parallel_loop3A_361 = arith.index_cast %parallel_loop3A_197 : i32 to index
      %parallel_loop3A_362 = arith.index_cast %parallel_loop3A_360 : i32 to index
      %parallel_loop3A_363 = tpu.vector_load %arg6[%parallel_loop3A_361, %parallel_loop3A_362] {strides = array<i32>} : memref<64x256xf32, #tpu.memory_space<vmem>>, vector<16xf32>,
      %parallel_loop3A_364 = math.exp %parallel_loop3A_358 : vector<16xf32>
      %parallel_loop3A_365 = arith.constant 1.000000e+00 : f32
      %parallel_loop3A_366 = vector.broadcast %parallel_loop3A_365 : f32 to vector<16xf32>
      %parallel_loop3A_367 = arith.addf %parallel_loop3A_366, %parallel_loop3A_364 : vector<16xf32>
      %parallel_loop3A_368 = tpu.bitcast %parallel_loop3A_367 : vector<16xf32> -> vector<16xi32>
      %parallel_loop3A_369 = arith.constant 4194304 : i32
      %parallel_loop3A_370 = vector.broadcast %parallel_loop3A_369 : i32 to vector<16xi32>
      %parallel_loop3A_371 = arith.addi %parallel_loop3A_368, %parallel_loop3A_370 : vector<16xi32>
      %parallel_loop3A_372 = arith.constant 23 : i32
      %parallel_loop3A_373 = vector.broadcast %parallel_loop3A_372 : i32 to vector<16xi32>
      %parallel_loop3A_374 = arith.shrsi %parallel_loop3A_371, %parallel_loop3A_373 : vector<16xi32>
      %parallel_loop3A_375 = arith.constant 23 : i32
      %parallel_loop3A_376 = vector.broadcast %parallel_loop3A_375 : i32 to vector<16xi32>
      %parallel_loop3A_377 = arith.shli %parallel_loop3A_374, %parallel_loop3A_376 : vector<16xi32>
      %parallel_loop3A_378 = arith.subi %parallel_loop3A_368, %parallel_loop3A_377 : vector<16xi32>
      %parallel_loop3A_379 = arith.constant 1065353216 : i32
      %parallel_loop3A_380 = vector.broadcast %parallel_loop3A_379 : i32 to vector<16xi32>
      %parallel_loop3A_381 = arith.addi %parallel_loop3A_378, %parallel_loop3A_380 : vector<16xi32>
      %parallel_loop3A_382 = tpu.bitcast %parallel_loop3A_381 : vector<16xi32> -> vector<16xf32>
      %parallel_loop3A_383 = arith.constant -0.175278813 : f32
      %parallel_loop3A_384 = vector.broadcast %parallel_loop3A_383 : f32 to vector<16xf32>
      %parallel_loop3A_385 = arith.mulf %parallel_loop3A_384, %parallel_loop3A_382 : vector<16xf32>
      %parallel_loop3A_386 = arith.constant 1.04415464 : f32
      %parallel_loop3A_387 = vector.broadcast %parallel_loop3A_386 : f32 to vector<16xf32>
      %parallel_loop3A_388 = arith.addf %parallel_loop3A_385, %parallel_loop3A_387 : vector<16xf32>
      %parallel_loop3A_389 = arith.mulf %parallel_loop3A_388, %parallel_loop3A_382 : vector<16xf32>
      %parallel_loop3A_390 = arith.constant -2.58701301 : f32
      %parallel_loop3A_391 = vector.broadcast %parallel_loop3A_390 : f32 to vector<16xf32>
      %parallel_loop3A_392 = arith.addf %parallel_loop3A_389, %parallel_loop3A_391 : vector<16xf32>
      %parallel_loop3A_393 = arith.mulf %parallel_loop3A_392, %parallel_loop3A_382 : vector<16xf32>
      %parallel_loop3A_394 = arith.constant 3.74264073 : f32
      %parallel_loop3A_395 = vector.broadcast %parallel_loop3A_394 : f32 to vector<16xf32>
      %parallel_loop3A_396 = arith.addf %parallel_loop3A_393, %parallel_loop3A_395 : vector<16xf32>
      %parallel_loop3A_397 = arith.mulf %parallel_loop3A_396, %parallel_loop3A_382 : vector<16xf32>
      %parallel_loop3A_398 = arith.constant -90.0541306 : f32
      %parallel_loop3A_399 = vector.broadcast %parallel_loop3A_398 : f32 to vector<16xf32>
      %parallel_loop3A_400 = arith.addf %parallel_loop3A_397, %parallel_loop3A_399 : vector<16xf32>
      %parallel_loop3A_401 = arith.sitofp %parallel_loop3A_374 : vector<16xi32> to vector<16xf32>
      %parallel_loop3A_402 = arith.constant 0.693147182 : f32
      %parallel_loop3A_403 = vector.broadcast %parallel_loop3A_402 : f32 to vector<16xf32>
      %parallel_loop3A_404 = arith.mulf %parallel_loop3A_401, %parallel_loop3A_403 : vector<16xf32>
      %parallel_loop3A_405 = arith.addf %parallel_loop3A_404, %parallel_loop3A_400 : vector<16xf32>
      %parallel_loop3A_406 = arith.mulf %parallel_loop3A_363, %parallel_loop3A_358 : vector<16xf32>
      %parallel_loop3A_407 = arith.subf %parallel_loop3A_405, %parallel_loop3A_406 : vector<16xf32>
      %parallel_loop3A_408 = arith.constant 0.000000e+00 : f32
      %parallel_loop3A_409 = vector.broadcast %parallel_loop3A_408 : f32 to vector<16xf32>
      %parallel_loop3A_410 = arith.cmpf ogt, %parallel_loop3A_363, %parallel_loop3A_409 : vector<16xf32>
      %parallel_loop3A_411 = arith.constant 8.000000e-01 : f32
      %parallel_loop3A_412 = vector.broadcast %parallel_loop3A_411 : f32 to vector<16xf32>
      %parallel_loop3A_413 = arith.cmpf olt, %parallel_loop3A_363, %parallel_loop3A_412 : vector<16xf32>
      %parallel_loop3A_414 = arith.andi %parallel_loop3A_410, %parallel_loop3A_413 : vector<16xi1>
      %parallel_loop3A_415 = arith.constant 1.000000e+00 : f32
      %parallel_loop3A_416 = vector.broadcast %parallel_loop3A_415 : f32 to vector<16xf32>
      %parallel_loop3A_417 = arith.cmpf oge, %parallel_loop3A_363, %parallel_loop3A_416 : vector<16xf32>
      %parallel_loop3A_418 = arith.constant 0.000000e+00 : f32
      %parallel_loop3A_419 = vector.broadcast %parallel_loop3A_418 : f32 to vector<16xf32>
      %parallel_loop3A_420 = arith.select %parallel_loop3A_414, %parallel_loop3A_407, %parallel_loop3A_419 : vector<16xi1>, vector<16xf32>
      %parallel_loop3A_421 = arith.addf %parallel_loop3A_269, %parallel_loop3A_420 : vector<16xf32>
      %parallel_loop3A_422 = tpu.all_reduce %parallel_loop3A_414 {dim = 0 : i64, kind = #tpu.reduction_kind<sum>} : vector<16xi1> -> vector<16xi32>
      %parallel_loop3A_423 = arith.addi %parallel_loop3A_271, %parallel_loop3A_422 : vector<16xi32>
      %parallel_loop3A_424 = arith.constant 0.000000e+00 : f32
      %parallel_loop3A_425 = vector.broadcast %parallel_loop3A_424 : f32 to vector<16xf32>
      %parallel_loop3A_426 = arith.select %parallel_loop3A_417, %parallel_loop3A_407, %parallel_loop3A_425 : vector<16xi1>, vector<16xf32>
      %parallel_loop3A_427 = arith.addf %parallel_loop3A_275, %parallel_loop3A_426 : vector<16xf32>
      %parallel_loop3A_428 = tpu.all_reduce %parallel_loop3A_417 {dim = 0 : i64, kind = #tpu.reduction_kind<sum>} : vector<16xi1> -> vector<16xi32>
      %parallel_loop3A_429 = arith.addi %parallel_loop3A_277, %parallel_loop3A_428 : vector<16xi32>
      %parallel_loop3A_430 = arith.constant 48 : i32
      %parallel_loop3A_431 = arith.addi %parallel_loop3A_201, %parallel_loop3A_430 : i32
      %parallel_loop3A_432 = arith.index_cast %parallel_loop3A_197 : i32 to index
      %parallel_loop3A_433 = arith.index_cast %parallel_loop3A_431 : i32 to index
      %parallel_loop3A_434 = tpu.vector_load %arg5[%parallel_loop3A_432, %parallel_loop3A_433] {strides = array<i32>} : memref<64x256xf32, #tpu.memory_space<vmem>>, vector<16xf32>,
      %parallel_loop3A_435 = arith.constant 48 : i32
      %parallel_loop3A_436 = arith.addi %parallel_loop3A_201, %parallel_loop3A_435 : i32
      %parallel_loop3A_437 = arith.index_cast %parallel_loop3A_197 : i32 to index
      %parallel_loop3A_438 = arith.index_cast %parallel_loop3A_436 : i32 to index
      %parallel_loop3A_439 = tpu.vector_load %arg6[%parallel_loop3A_437, %parallel_loop3A_438] {strides = array<i32>} : memref<64x256xf32, #tpu.memory_space<vmem>>, vector<16xf32>,
      %parallel_loop3A_440 = math.exp %parallel_loop3A_434 : vector<16xf32>
      %parallel_loop3A_441 = arith.constant 1.000000e+00 : f32
      %parallel_loop3A_442 = vector.broadcast %parallel_loop3A_441 : f32 to vector<16xf32>
      %parallel_loop3A_443 = arith.addf %parallel_loop3A_442, %parallel_loop3A_440 : vector<16xf32>
      %parallel_loop3A_444 = tpu.bitcast %parallel_loop3A_443 : vector<16xf32> -> vector<16xi32>
      %parallel_loop3A_445 = arith.constant 4194304 : i32
      %parallel_loop3A_446 = vector.broadcast %parallel_loop3A_445 : i32 to vector<16xi32>
      %parallel_loop3A_447 = arith.addi %parallel_loop3A_444, %parallel_loop3A_446 : vector<16xi32>
      %parallel_loop3A_448 = arith.constant 23 : i32
      %parallel_loop3A_449 = vector.broadcast %parallel_loop3A_448 : i32 to vector<16xi32>
      %parallel_loop3A_450 = arith.shrsi %parallel_loop3A_447, %parallel_loop3A_449 : vector<16xi32>
      %parallel_loop3A_451 = arith.constant 23 : i32
      %parallel_loop3A_452 = vector.broadcast %parallel_loop3A_451 : i32 to vector<16xi32>
      %parallel_loop3A_453 = arith.shli %parallel_loop3A_450, %parallel_loop3A_452 : vector<16xi32>
      %parallel_loop3A_454 = arith.subi %parallel_loop3A_444, %parallel_loop3A_453 : vector<16xi32>
      %parallel_loop3A_455 = arith.constant 1065353216 : i32
      %parallel_loop3A_456 = vector.broadcast %parallel_loop3A_455 : i32 to vector<16xi32>
      %parallel_loop3A_457 = arith.addi %parallel_loop3A_454, %parallel_loop3A_456 : vector<16xi32>
      %parallel_loop3A_458 = tpu.bitcast %parallel_loop3A_457 : vector<16xi32> -> vector<16xf32>
      %parallel_loop3A_459 = arith.constant -0.175278813 : f32
      %parallel_loop3A_460 = vector.broadcast %parallel_loop3A_459 : f32 to vector<16xf32>
      %parallel_loop3A_461 = arith.mulf %parallel_loop3A_460, %parallel_loop3A_458 : vector<16xf32>
      %parallel_loop3A_462 = arith.constant 1.04415464 : f32
      %parallel_loop3A_463 = vector.broadcast %parallel_loop3A_462 : f32 to vector<16xf32>
      %parallel_loop3A_464 = arith.addf %parallel_loop3A_461, %parallel_loop3A_463 : vector<16xf32>
      %parallel_loop3A_465 = arith.mulf %parallel_loop3A_464, %parallel_loop3A_458 : vector<16xf32>
      %parallel_loop3A_466 = arith.constant -2.58701301 : f32
      %parallel_loop3A_467 = vector.broadcast %parallel_loop3A_466 : f32 to vector<16xf32>
      %parallel_loop3A_468 = arith.addf %parallel_loop3A_465, %parallel_loop3A_467 : vector<16xf32>
      %parallel_loop3A_469 = arith.mulf %parallel_loop3A_468, %parallel_loop3A_458 : vector<16xf32>
      %parallel_loop3A_470 = arith.constant 3.74264073 : f32
      %parallel_loop3A_471 = vector.broadcast %parallel_loop3A_470 : f32 to vector<16xf32>
      %parallel_loop3A_472 = arith.addf %parallel_loop3A_469, %parallel_loop3A_471 : vector<16xf32>
      %parallel_loop3A_473 = arith.mulf %parallel_loop3A_472, %parallel_loop3A_458 : vector<16xf32>
      %parallel_loop3A_474 = arith.constant -90.0541306 : f32
      %parallel_loop3A_475 = vector.broadcast %parallel_loop3A_474 : f32 to vector<16xf32>
      %parallel_loop3A_476 = arith.addf %parallel_loop3A_473, %parallel_loop3A_475 : vector<16xf32>
      %parallel_loop3A_477 = arith.sitofp %parallel_loop3A_450 : vector<16xi32> to vector<16xf32>
      %parallel_loop3A_478 = arith.constant 0.693147182 : f32
      %parallel_loop3A_479 = vector.broadcast %parallel_loop3A_478 : f32 to vector<16xf32>
      %parallel_loop3A_480 = arith.mulf %parallel_loop3A_477, %parallel_loop3A_479 : vector<16xf32>
      %parallel_loop3A_481 = arith.addf %parallel_loop3A_480, %parallel_loop3A_476 : vector<16xf32>
      %parallel_loop3A_482 = arith.mulf %parallel_loop3A_439, %parallel_loop3A_434 : vector<16xf32>
      %parallel_loop3A_483 = arith.subf %parallel_loop3A_481, %parallel_loop3A_482 : vector<16xf32>
      %parallel_loop3A_484 = arith.constant 0.000000e+00 : f32
      %parallel_loop3A_485 = vector.broadcast %parallel_loop3A_484 : f32 to vector<16xf32>
      %parallel_loop3A_486 = arith.cmpf ogt, %parallel_loop3A_439, %parallel_loop3A_485 : vector<16xf32>
      %parallel_loop3A_487 = arith.constant 8.000000e-01 : f32
      %parallel_loop3A_488 = vector.broadcast %parallel_loop3A_487 : f32 to vector<16xf32>
      %parallel_loop3A_489 = arith.cmpf olt, %parallel_loop3A_439, %parallel_loop3A_488 : vector<16xf32>
      %parallel_loop3A_490 = arith.andi %parallel_loop3A_486, %parallel_loop3A_489 : vector<16xi1>
      %parallel_loop3A_491 = arith.constant 1.000000e+00 : f32
      %parallel_loop3A_492 = vector.broadcast %parallel_loop3A_491 : f32 to vector<16xf32>
      %parallel_loop3A_493 = arith.cmpf oge, %parallel_loop3A_439, %parallel_loop3A_492 : vector<16xf32>
      %parallel_loop3A_494 = arith.constant 0.000000e+00 : f32
      %parallel_loop3A_495 = vector.broadcast %parallel_loop3A_494 : f32 to vector<16xf32>
      %parallel_loop3A_496 = arith.select %parallel_loop3A_490, %parallel_loop3A_483, %parallel_loop3A_495 : vector<16xi1>, vector<16xf32>
      %parallel_loop3A_497 = arith.addf %parallel_loop3A_345, %parallel_loop3A_496 : vector<16xf32>
      %parallel_loop3A_498 = tpu.all_reduce %parallel_loop3A_490 {dim = 0 : i64, kind = #tpu.reduction_kind<sum>} : vector<16xi1> -> vector<16xi32>
      %parallel_loop3A_499 = arith.addi %parallel_loop3A_347, %parallel_loop3A_498 : vector<16xi32>
      %parallel_loop3A_500 = arith.constant 0.000000e+00 : f32
      %parallel_loop3A_501 = vector.broadcast %parallel_loop3A_500 : f32 to vector<16xf32>
      %parallel_loop3A_502 = arith.select %parallel_loop3A_493, %parallel_loop3A_483, %parallel_loop3A_501 : vector<16xi1>, vector<16xf32>
      %parallel_loop3A_503 = arith.addf %parallel_loop3A_351, %parallel_loop3A_502 : vector<16xf32>
      %parallel_loop3A_504 = tpu.all_reduce %parallel_loop3A_493 {dim = 0 : i64, kind = #tpu.reduction_kind<sum>} : vector<16xi1> -> vector<16xi32>
      %parallel_loop3A_505 = arith.addi %parallel_loop3A_353, %parallel_loop3A_504 : vector<16xi32>
      scf.yield %parallel_loop3A_421, %parallel_loop3A_423, %parallel_loop3A_427, %parallel_loop3A_429, %parallel_loop3A_497, %parallel_loop3A_499, %parallel_loop3A_503, %parallel_loop3A_505 : vector<16xf32>, vector<16xi32>, vector<16xf32>, vector<16xi32>, vector<16xf32>, vector<16xi32>, vector<16xf32>, vector<16xi32>
    } {sc.loop_unroll_factor = 1 : i64, sc.parallel_access}
    %dma_wait3A_139 = arith.constant 4 : i32
    %dma_wait3A_140 = arith.constant 192 : i32
    %dma_wait3A_141 = arith.constant 0 : i32
    %dma_wait3A_142 = tpu.memref_slice %arg2[%add3A, %dma_wait3A_139, %dma_wait3A_140, %dma_wait3A_141] : memref<32x5x256x256xf32, #tpu.memory_space<hbm>> -> memref<1x1x64x256xf32, #tpu.memory_space<hbm>>
    %dma_wait3A_143 = tpu.memref_squeeze %dma_wait3A_142 : memref<1x1x64x256xf32, #tpu.memory_space<hbm>> -> memref<64x256xf32, #tpu.memory_space<hbm>>
    %dma_wait3A_144 = arith.constant 192 : i32
    %dma_wait3A_145 = arith.constant 0 : i32
    %dma_wait3A_146 = tpu.memref_slice %arg2[%add3A, %dma_wait3A_139, %dma_wait3A_144, %dma_wait3A_145] : memref<32x5x256x256xf32, #tpu.memory_space<hbm>> -> memref<1x1x64x256xf32, #tpu.memory_space<hbm>>
    %dma_wait3A_147 = tpu.memref_squeeze %dma_wait3A_146 : memref<1x1x64x256xf32, #tpu.memory_space<hbm>> -> memref<64x256xf32, #tpu.memory_space<hbm>>
    tpu.wait_dma2 semaphore(%arg10 : memref<!tpu.dma_semaphore, #tpu.memory_space<semaphore_mem>>) src(%dma_wait3A_147 : memref<64x256xf32, #tpu.memory_space<hbm>>) dst(%arg7 : memref<64x256xf32, #tpu.memory_space<vmem>>)
    %dma_wait3A_148 = arith.constant 4 : i32
    %dma_wait3A_149 = arith.constant 192 : i32
    %dma_wait3A_150 = arith.constant 0 : i32
    %dma_wait3A_151 = tpu.memref_slice %arg3[%add3A, %dma_wait3A_148, %dma_wait3A_149, %dma_wait3A_150] : memref<32x5x256x256xf32, #tpu.memory_space<hbm>> -> memref<1x1x64x256xf32, #tpu.memory_space<hbm>>
    %dma_wait3A_152 = tpu.memref_squeeze %dma_wait3A_151 : memref<1x1x64x256xf32, #tpu.memory_space<hbm>> -> memref<64x256xf32, #tpu.memory_space<hbm>>
    %dma_wait3A_153 = arith.constant 192 : i32
    %dma_wait3A_154 = arith.constant 0 : i32
    %dma_wait3A_155 = tpu.memref_slice %arg3[%add3A, %dma_wait3A_148, %dma_wait3A_153, %dma_wait3A_154] : memref<32x5x256x256xf32, #tpu.memory_space<hbm>> -> memref<1x1x64x256xf32, #tpu.memory_space<hbm>>
    %dma_wait3A_156 = tpu.memref_squeeze %dma_wait3A_155 : memref<1x1x64x256xf32, #tpu.memory_space<hbm>> -> memref<64x256xf32, #tpu.memory_space<hbm>>
    tpu.wait_dma2 semaphore(%arg10 : memref<!tpu.dma_semaphore, #tpu.memory_space<semaphore_mem>>) src(%dma_wait3A_156 : memref<64x256xf32, #tpu.memory_space<hbm>>) dst(%arg8 : memref<64x256xf32, #tpu.memory_space<vmem>>)
    %parallel_loop3A_157 = arith.constant 0 : i32
    %parallel_loop3A_158 = arith.constant 256 : i32
    %parallel_loop3A_159 = arith.constant 1 : i32
    %parallel_loop3A_160:8 = scf.for %parallel_loop3A_187 = %parallel_loop3A_157 to %parallel_loop3A_158 step %parallel_loop3A_159 iter_args(%parallel_loop3A_188 = %parallel_loop3A_138#0, %parallel_loop3A_189 = %parallel_loop3A_138#1, %parallel_loop3A_190 = %parallel_loop3A_138#2, %parallel_loop3A_191 = %parallel_loop3A_138#3, %parallel_loop3A_192 = %parallel_loop3A_138#4, %parallel_loop3A_193 = %parallel_loop3A_138#5, %parallel_loop3A_194 = %parallel_loop3A_138#6, %parallel_loop3A_195 = %parallel_loop3A_138#7) -> (vector<16xf32>, vector<16xi32>, vector<16xf32>, vector<16xi32>, vector<16xf32>, vector<16xi32>, vector<16xf32>, vector<16xi32>)  : i32 {
      %parallel_loop3A_196 = arith.constant 2 : i32
      %parallel_loop3A_197 = arith.shrsi %parallel_loop3A_187, %parallel_loop3A_196 : i32
      %parallel_loop3A_198 = arith.constant 3 : i32
      %parallel_loop3A_199 = arith.andi %parallel_loop3A_187, %parallel_loop3A_198 : i32
      %parallel_loop3A_200 = arith.constant 64 : i32
      %parallel_loop3A_201 = arith.muli %parallel_loop3A_199, %parallel_loop3A_200 : i32
      %parallel_loop3A_202 = arith.constant 0 : i32
      %parallel_loop3A_203 = arith.addi %parallel_loop3A_201, %parallel_loop3A_202 : i32
      %parallel_loop3A_204 = arith.index_cast %parallel_loop3A_197 : i32 to index
      %parallel_loop3A_205 = arith.index_cast %parallel_loop3A_203 : i32 to index
      %parallel_loop3A_206 = tpu.vector_load %arg7[%parallel_loop3A_204, %parallel_loop3A_205] {strides = array<i32>} : memref<64x256xf32, #tpu.memory_space<vmem>>, vector<16xf32>,
      %parallel_loop3A_207 = arith.constant 0 : i32
      %parallel_loop3A_208 = arith.addi %parallel_loop3A_201, %parallel_loop3A_207 : i32
      %parallel_loop3A_209 = arith.index_cast %parallel_loop3A_197 : i32 to index
      %parallel_loop3A_210 = arith.index_cast %parallel_loop3A_208 : i32 to index
      %parallel_loop3A_211 = tpu.vector_load %arg8[%parallel_loop3A_209, %parallel_loop3A_210] {strides = array<i32>} : memref<64x256xf32, #tpu.memory_space<vmem>>, vector<16xf32>,
      %parallel_loop3A_212 = math.exp %parallel_loop3A_206 : vector<16xf32>
      %parallel_loop3A_213 = arith.constant 1.000000e+00 : f32
      %parallel_loop3A_214 = vector.broadcast %parallel_loop3A_213 : f32 to vector<16xf32>
      %parallel_loop3A_215 = arith.addf %parallel_loop3A_214, %parallel_loop3A_212 : vector<16xf32>
      %parallel_loop3A_216 = tpu.bitcast %parallel_loop3A_215 : vector<16xf32> -> vector<16xi32>
      %parallel_loop3A_217 = arith.constant 4194304 : i32
      %parallel_loop3A_218 = vector.broadcast %parallel_loop3A_217 : i32 to vector<16xi32>
      %parallel_loop3A_219 = arith.addi %parallel_loop3A_216, %parallel_loop3A_218 : vector<16xi32>
      %parallel_loop3A_220 = arith.constant 23 : i32
      %parallel_loop3A_221 = vector.broadcast %parallel_loop3A_220 : i32 to vector<16xi32>
      %parallel_loop3A_222 = arith.shrsi %parallel_loop3A_219, %parallel_loop3A_221 : vector<16xi32>
      %parallel_loop3A_223 = arith.constant 23 : i32
      %parallel_loop3A_224 = vector.broadcast %parallel_loop3A_223 : i32 to vector<16xi32>
      %parallel_loop3A_225 = arith.shli %parallel_loop3A_222, %parallel_loop3A_224 : vector<16xi32>
      %parallel_loop3A_226 = arith.subi %parallel_loop3A_216, %parallel_loop3A_225 : vector<16xi32>
      %parallel_loop3A_227 = arith.constant 1065353216 : i32
      %parallel_loop3A_228 = vector.broadcast %parallel_loop3A_227 : i32 to vector<16xi32>
      %parallel_loop3A_229 = arith.addi %parallel_loop3A_226, %parallel_loop3A_228 : vector<16xi32>
      %parallel_loop3A_230 = tpu.bitcast %parallel_loop3A_229 : vector<16xi32> -> vector<16xf32>
      %parallel_loop3A_231 = arith.constant -0.175278813 : f32
      %parallel_loop3A_232 = vector.broadcast %parallel_loop3A_231 : f32 to vector<16xf32>
      %parallel_loop3A_233 = arith.mulf %parallel_loop3A_232, %parallel_loop3A_230 : vector<16xf32>
      %parallel_loop3A_234 = arith.constant 1.04415464 : f32
      %parallel_loop3A_235 = vector.broadcast %parallel_loop3A_234 : f32 to vector<16xf32>
      %parallel_loop3A_236 = arith.addf %parallel_loop3A_233, %parallel_loop3A_235 : vector<16xf32>
      %parallel_loop3A_237 = arith.mulf %parallel_loop3A_236, %parallel_loop3A_230 : vector<16xf32>
      %parallel_loop3A_238 = arith.constant -2.58701301 : f32
      %parallel_loop3A_239 = vector.broadcast %parallel_loop3A_238 : f32 to vector<16xf32>
      %parallel_loop3A_240 = arith.addf %parallel_loop3A_237, %parallel_loop3A_239 : vector<16xf32>
      %parallel_loop3A_241 = arith.mulf %parallel_loop3A_240, %parallel_loop3A_230 : vector<16xf32>
      %parallel_loop3A_242 = arith.constant 3.74264073 : f32
      %parallel_loop3A_243 = vector.broadcast %parallel_loop3A_242 : f32 to vector<16xf32>
      %parallel_loop3A_244 = arith.addf %parallel_loop3A_241, %parallel_loop3A_243 : vector<16xf32>
      %parallel_loop3A_245 = arith.mulf %parallel_loop3A_244, %parallel_loop3A_230 : vector<16xf32>
      %parallel_loop3A_246 = arith.constant -90.0541306 : f32
      %parallel_loop3A_247 = vector.broadcast %parallel_loop3A_246 : f32 to vector<16xf32>
      %parallel_loop3A_248 = arith.addf %parallel_loop3A_245, %parallel_loop3A_247 : vector<16xf32>
      %parallel_loop3A_249 = arith.sitofp %parallel_loop3A_222 : vector<16xi32> to vector<16xf32>
      %parallel_loop3A_250 = arith.constant 0.693147182 : f32
      %parallel_loop3A_251 = vector.broadcast %parallel_loop3A_250 : f32 to vector<16xf32>
      %parallel_loop3A_252 = arith.mulf %parallel_loop3A_249, %parallel_loop3A_251 : vector<16xf32>
      %parallel_loop3A_253 = arith.addf %parallel_loop3A_252, %parallel_loop3A_248 : vector<16xf32>
      %parallel_loop3A_254 = arith.mulf %parallel_loop3A_211, %parallel_loop3A_206 : vector<16xf32>
      %parallel_loop3A_255 = arith.subf %parallel_loop3A_253, %parallel_loop3A_254 : vector<16xf32>
      %parallel_loop3A_256 = arith.constant 0.000000e+00 : f32
      %parallel_loop3A_257 = vector.broadcast %parallel_loop3A_256 : f32 to vector<16xf32>
      %parallel_loop3A_258 = arith.cmpf ogt, %parallel_loop3A_211, %parallel_loop3A_257 : vector<16xf32>
      %parallel_loop3A_259 = arith.constant 8.000000e-01 : f32
      %parallel_loop3A_260 = vector.broadcast %parallel_loop3A_259 : f32 to vector<16xf32>
      %parallel_loop3A_261 = arith.cmpf olt, %parallel_loop3A_211, %parallel_loop3A_260 : vector<16xf32>
      %parallel_loop3A_262 = arith.andi %parallel_loop3A_258, %parallel_loop3A_261 : vector<16xi1>
      %parallel_loop3A_263 = arith.constant 1.000000e+00 : f32
      %parallel_loop3A_264 = vector.broadcast %parallel_loop3A_263 : f32 to vector<16xf32>
      %parallel_loop3A_265 = arith.cmpf oge, %parallel_loop3A_211, %parallel_loop3A_264 : vector<16xf32>
      %parallel_loop3A_266 = arith.constant 0.000000e+00 : f32
      %parallel_loop3A_267 = vector.broadcast %parallel_loop3A_266 : f32 to vector<16xf32>
      %parallel_loop3A_268 = arith.select %parallel_loop3A_262, %parallel_loop3A_255, %parallel_loop3A_267 : vector<16xi1>, vector<16xf32>
      %parallel_loop3A_269 = arith.addf %parallel_loop3A_188, %parallel_loop3A_268 : vector<16xf32>
      %parallel_loop3A_270 = tpu.all_reduce %parallel_loop3A_262 {dim = 0 : i64, kind = #tpu.reduction_kind<sum>} : vector<16xi1> -> vector<16xi32>
      %parallel_loop3A_271 = arith.addi %parallel_loop3A_189, %parallel_loop3A_270 : vector<16xi32>
      %parallel_loop3A_272 = arith.constant 0.000000e+00 : f32
      %parallel_loop3A_273 = vector.broadcast %parallel_loop3A_272 : f32 to vector<16xf32>
      %parallel_loop3A_274 = arith.select %parallel_loop3A_265, %parallel_loop3A_255, %parallel_loop3A_273 : vector<16xi1>, vector<16xf32>
      %parallel_loop3A_275 = arith.addf %parallel_loop3A_190, %parallel_loop3A_274 : vector<16xf32>
      %parallel_loop3A_276 = tpu.all_reduce %parallel_loop3A_265 {dim = 0 : i64, kind = #tpu.reduction_kind<sum>} : vector<16xi1> -> vector<16xi32>
      %parallel_loop3A_277 = arith.addi %parallel_loop3A_191, %parallel_loop3A_276 : vector<16xi32>
      %parallel_loop3A_278 = arith.constant 16 : i32
      %parallel_loop3A_279 = arith.addi %parallel_loop3A_201, %parallel_loop3A_278 : i32
      %parallel_loop3A_280 = arith.index_cast %parallel_loop3A_197 : i32 to index
      %parallel_loop3A_281 = arith.index_cast %parallel_loop3A_279 : i32 to index
      %parallel_loop3A_282 = tpu.vector_load %arg7[%parallel_loop3A_280, %parallel_loop3A_281] {strides = array<i32>} : memref<64x256xf32, #tpu.memory_space<vmem>>, vector<16xf32>,
      %parallel_loop3A_283 = arith.constant 16 : i32
      %parallel_loop3A_284 = arith.addi %parallel_loop3A_201, %parallel_loop3A_283 : i32
      %parallel_loop3A_285 = arith.index_cast %parallel_loop3A_197 : i32 to index
      %parallel_loop3A_286 = arith.index_cast %parallel_loop3A_284 : i32 to index
      %parallel_loop3A_287 = tpu.vector_load %arg8[%parallel_loop3A_285, %parallel_loop3A_286] {strides = array<i32>} : memref<64x256xf32, #tpu.memory_space<vmem>>, vector<16xf32>,
      %parallel_loop3A_288 = math.exp %parallel_loop3A_282 : vector<16xf32>
      %parallel_loop3A_289 = arith.constant 1.000000e+00 : f32
      %parallel_loop3A_290 = vector.broadcast %parallel_loop3A_289 : f32 to vector<16xf32>
      %parallel_loop3A_291 = arith.addf %parallel_loop3A_290, %parallel_loop3A_288 : vector<16xf32>
      %parallel_loop3A_292 = tpu.bitcast %parallel_loop3A_291 : vector<16xf32> -> vector<16xi32>
      %parallel_loop3A_293 = arith.constant 4194304 : i32
      %parallel_loop3A_294 = vector.broadcast %parallel_loop3A_293 : i32 to vector<16xi32>
      %parallel_loop3A_295 = arith.addi %parallel_loop3A_292, %parallel_loop3A_294 : vector<16xi32>
      %parallel_loop3A_296 = arith.constant 23 : i32
      %parallel_loop3A_297 = vector.broadcast %parallel_loop3A_296 : i32 to vector<16xi32>
      %parallel_loop3A_298 = arith.shrsi %parallel_loop3A_295, %parallel_loop3A_297 : vector<16xi32>
      %parallel_loop3A_299 = arith.constant 23 : i32
      %parallel_loop3A_300 = vector.broadcast %parallel_loop3A_299 : i32 to vector<16xi32>
      %parallel_loop3A_301 = arith.shli %parallel_loop3A_298, %parallel_loop3A_300 : vector<16xi32>
      %parallel_loop3A_302 = arith.subi %parallel_loop3A_292, %parallel_loop3A_301 : vector<16xi32>
      %parallel_loop3A_303 = arith.constant 1065353216 : i32
      %parallel_loop3A_304 = vector.broadcast %parallel_loop3A_303 : i32 to vector<16xi32>
      %parallel_loop3A_305 = arith.addi %parallel_loop3A_302, %parallel_loop3A_304 : vector<16xi32>
      %parallel_loop3A_306 = tpu.bitcast %parallel_loop3A_305 : vector<16xi32> -> vector<16xf32>
      %parallel_loop3A_307 = arith.constant -0.175278813 : f32
      %parallel_loop3A_308 = vector.broadcast %parallel_loop3A_307 : f32 to vector<16xf32>
      %parallel_loop3A_309 = arith.mulf %parallel_loop3A_308, %parallel_loop3A_306 : vector<16xf32>
      %parallel_loop3A_310 = arith.constant 1.04415464 : f32
      %parallel_loop3A_311 = vector.broadcast %parallel_loop3A_310 : f32 to vector<16xf32>
      %parallel_loop3A_312 = arith.addf %parallel_loop3A_309, %parallel_loop3A_311 : vector<16xf32>
      %parallel_loop3A_313 = arith.mulf %parallel_loop3A_312, %parallel_loop3A_306 : vector<16xf32>
      %parallel_loop3A_314 = arith.constant -2.58701301 : f32
      %parallel_loop3A_315 = vector.broadcast %parallel_loop3A_314 : f32 to vector<16xf32>
      %parallel_loop3A_316 = arith.addf %parallel_loop3A_313, %parallel_loop3A_315 : vector<16xf32>
      %parallel_loop3A_317 = arith.mulf %parallel_loop3A_316, %parallel_loop3A_306 : vector<16xf32>
      %parallel_loop3A_318 = arith.constant 3.74264073 : f32
      %parallel_loop3A_319 = vector.broadcast %parallel_loop3A_318 : f32 to vector<16xf32>
      %parallel_loop3A_320 = arith.addf %parallel_loop3A_317, %parallel_loop3A_319 : vector<16xf32>
      %parallel_loop3A_321 = arith.mulf %parallel_loop3A_320, %parallel_loop3A_306 : vector<16xf32>
      %parallel_loop3A_322 = arith.constant -90.0541306 : f32
      %parallel_loop3A_323 = vector.broadcast %parallel_loop3A_322 : f32 to vector<16xf32>
      %parallel_loop3A_324 = arith.addf %parallel_loop3A_321, %parallel_loop3A_323 : vector<16xf32>
      %parallel_loop3A_325 = arith.sitofp %parallel_loop3A_298 : vector<16xi32> to vector<16xf32>
      %parallel_loop3A_326 = arith.constant 0.693147182 : f32
      %parallel_loop3A_327 = vector.broadcast %parallel_loop3A_326 : f32 to vector<16xf32>
      %parallel_loop3A_328 = arith.mulf %parallel_loop3A_325, %parallel_loop3A_327 : vector<16xf32>
      %parallel_loop3A_329 = arith.addf %parallel_loop3A_328, %parallel_loop3A_324 : vector<16xf32>
      %parallel_loop3A_330 = arith.mulf %parallel_loop3A_287, %parallel_loop3A_282 : vector<16xf32>
      %parallel_loop3A_331 = arith.subf %parallel_loop3A_329, %parallel_loop3A_330 : vector<16xf32>
      %parallel_loop3A_332 = arith.constant 0.000000e+00 : f32
      %parallel_loop3A_333 = vector.broadcast %parallel_loop3A_332 : f32 to vector<16xf32>
      %parallel_loop3A_334 = arith.cmpf ogt, %parallel_loop3A_287, %parallel_loop3A_333 : vector<16xf32>
      %parallel_loop3A_335 = arith.constant 8.000000e-01 : f32
      %parallel_loop3A_336 = vector.broadcast %parallel_loop3A_335 : f32 to vector<16xf32>
      %parallel_loop3A_337 = arith.cmpf olt, %parallel_loop3A_287, %parallel_loop3A_336 : vector<16xf32>
      %parallel_loop3A_338 = arith.andi %parallel_loop3A_334, %parallel_loop3A_337 : vector<16xi1>
      %parallel_loop3A_339 = arith.constant 1.000000e+00 : f32
      %parallel_loop3A_340 = vector.broadcast %parallel_loop3A_339 : f32 to vector<16xf32>
      %parallel_loop3A_341 = arith.cmpf oge, %parallel_loop3A_287, %parallel_loop3A_340 : vector<16xf32>
      %parallel_loop3A_342 = arith.constant 0.000000e+00 : f32
      %parallel_loop3A_343 = vector.broadcast %parallel_loop3A_342 : f32 to vector<16xf32>
      %parallel_loop3A_344 = arith.select %parallel_loop3A_338, %parallel_loop3A_331, %parallel_loop3A_343 : vector<16xi1>, vector<16xf32>
      %parallel_loop3A_345 = arith.addf %parallel_loop3A_192, %parallel_loop3A_344 : vector<16xf32>
      %parallel_loop3A_346 = tpu.all_reduce %parallel_loop3A_338 {dim = 0 : i64, kind = #tpu.reduction_kind<sum>} : vector<16xi1> -> vector<16xi32>
      %parallel_loop3A_347 = arith.addi %parallel_loop3A_193, %parallel_loop3A_346 : vector<16xi32>
      %parallel_loop3A_348 = arith.constant 0.000000e+00 : f32
      %parallel_loop3A_349 = vector.broadcast %parallel_loop3A_348 : f32 to vector<16xf32>
      %parallel_loop3A_350 = arith.select %parallel_loop3A_341, %parallel_loop3A_331, %parallel_loop3A_349 : vector<16xi1>, vector<16xf32>
      %parallel_loop3A_351 = arith.addf %parallel_loop3A_194, %parallel_loop3A_350 : vector<16xf32>
      %parallel_loop3A_352 = tpu.all_reduce %parallel_loop3A_341 {dim = 0 : i64, kind = #tpu.reduction_kind<sum>} : vector<16xi1> -> vector<16xi32>
      %parallel_loop3A_353 = arith.addi %parallel_loop3A_195, %parallel_loop3A_352 : vector<16xi32>
      %parallel_loop3A_354 = arith.constant 32 : i32
      %parallel_loop3A_355 = arith.addi %parallel_loop3A_201, %parallel_loop3A_354 : i32
      %parallel_loop3A_356 = arith.index_cast %parallel_loop3A_197 : i32 to index
      %parallel_loop3A_357 = arith.index_cast %parallel_loop3A_355 : i32 to index
      %parallel_loop3A_358 = tpu.vector_load %arg7[%parallel_loop3A_356, %parallel_loop3A_357] {strides = array<i32>} : memref<64x256xf32, #tpu.memory_space<vmem>>, vector<16xf32>,
      %parallel_loop3A_359 = arith.constant 32 : i32
      %parallel_loop3A_360 = arith.addi %parallel_loop3A_201, %parallel_loop3A_359 : i32
      %parallel_loop3A_361 = arith.index_cast %parallel_loop3A_197 : i32 to index
      %parallel_loop3A_362 = arith.index_cast %parallel_loop3A_360 : i32 to index
      %parallel_loop3A_363 = tpu.vector_load %arg8[%parallel_loop3A_361, %parallel_loop3A_362] {strides = array<i32>} : memref<64x256xf32, #tpu.memory_space<vmem>>, vector<16xf32>,
      %parallel_loop3A_364 = math.exp %parallel_loop3A_358 : vector<16xf32>
      %parallel_loop3A_365 = arith.constant 1.000000e+00 : f32
      %parallel_loop3A_366 = vector.broadcast %parallel_loop3A_365 : f32 to vector<16xf32>
      %parallel_loop3A_367 = arith.addf %parallel_loop3A_366, %parallel_loop3A_364 : vector<16xf32>
      %parallel_loop3A_368 = tpu.bitcast %parallel_loop3A_367 : vector<16xf32> -> vector<16xi32>
      %parallel_loop3A_369 = arith.constant 4194304 : i32
      %parallel_loop3A_370 = vector.broadcast %parallel_loop3A_369 : i32 to vector<16xi32>
      %parallel_loop3A_371 = arith.addi %parallel_loop3A_368, %parallel_loop3A_370 : vector<16xi32>
      %parallel_loop3A_372 = arith.constant 23 : i32
      %parallel_loop3A_373 = vector.broadcast %parallel_loop3A_372 : i32 to vector<16xi32>
      %parallel_loop3A_374 = arith.shrsi %parallel_loop3A_371, %parallel_loop3A_373 : vector<16xi32>
      %parallel_loop3A_375 = arith.constant 23 : i32
      %parallel_loop3A_376 = vector.broadcast %parallel_loop3A_375 : i32 to vector<16xi32>
      %parallel_loop3A_377 = arith.shli %parallel_loop3A_374, %parallel_loop3A_376 : vector<16xi32>
      %parallel_loop3A_378 = arith.subi %parallel_loop3A_368, %parallel_loop3A_377 : vector<16xi32>
      %parallel_loop3A_379 = arith.constant 1065353216 : i32
      %parallel_loop3A_380 = vector.broadcast %parallel_loop3A_379 : i32 to vector<16xi32>
      %parallel_loop3A_381 = arith.addi %parallel_loop3A_378, %parallel_loop3A_380 : vector<16xi32>
      %parallel_loop3A_382 = tpu.bitcast %parallel_loop3A_381 : vector<16xi32> -> vector<16xf32>
      %parallel_loop3A_383 = arith.constant -0.175278813 : f32
      %parallel_loop3A_384 = vector.broadcast %parallel_loop3A_383 : f32 to vector<16xf32>
      %parallel_loop3A_385 = arith.mulf %parallel_loop3A_384, %parallel_loop3A_382 : vector<16xf32>
      %parallel_loop3A_386 = arith.constant 1.04415464 : f32
      %parallel_loop3A_387 = vector.broadcast %parallel_loop3A_386 : f32 to vector<16xf32>
      %parallel_loop3A_388 = arith.addf %parallel_loop3A_385, %parallel_loop3A_387 : vector<16xf32>
      %parallel_loop3A_389 = arith.mulf %parallel_loop3A_388, %parallel_loop3A_382 : vector<16xf32>
      %parallel_loop3A_390 = arith.constant -2.58701301 : f32
      %parallel_loop3A_391 = vector.broadcast %parallel_loop3A_390 : f32 to vector<16xf32>
      %parallel_loop3A_392 = arith.addf %parallel_loop3A_389, %parallel_loop3A_391 : vector<16xf32>
      %parallel_loop3A_393 = arith.mulf %parallel_loop3A_392, %parallel_loop3A_382 : vector<16xf32>
      %parallel_loop3A_394 = arith.constant 3.74264073 : f32
      %parallel_loop3A_395 = vector.broadcast %parallel_loop3A_394 : f32 to vector<16xf32>
      %parallel_loop3A_396 = arith.addf %parallel_loop3A_393, %parallel_loop3A_395 : vector<16xf32>
      %parallel_loop3A_397 = arith.mulf %parallel_loop3A_396, %parallel_loop3A_382 : vector<16xf32>
      %parallel_loop3A_398 = arith.constant -90.0541306 : f32
      %parallel_loop3A_399 = vector.broadcast %parallel_loop3A_398 : f32 to vector<16xf32>
      %parallel_loop3A_400 = arith.addf %parallel_loop3A_397, %parallel_loop3A_399 : vector<16xf32>
      %parallel_loop3A_401 = arith.sitofp %parallel_loop3A_374 : vector<16xi32> to vector<16xf32>
      %parallel_loop3A_402 = arith.constant 0.693147182 : f32
      %parallel_loop3A_403 = vector.broadcast %parallel_loop3A_402 : f32 to vector<16xf32>
      %parallel_loop3A_404 = arith.mulf %parallel_loop3A_401, %parallel_loop3A_403 : vector<16xf32>
      %parallel_loop3A_405 = arith.addf %parallel_loop3A_404, %parallel_loop3A_400 : vector<16xf32>
      %parallel_loop3A_406 = arith.mulf %parallel_loop3A_363, %parallel_loop3A_358 : vector<16xf32>
      %parallel_loop3A_407 = arith.subf %parallel_loop3A_405, %parallel_loop3A_406 : vector<16xf32>
      %parallel_loop3A_408 = arith.constant 0.000000e+00 : f32
      %parallel_loop3A_409 = vector.broadcast %parallel_loop3A_408 : f32 to vector<16xf32>
      %parallel_loop3A_410 = arith.cmpf ogt, %parallel_loop3A_363, %parallel_loop3A_409 : vector<16xf32>
      %parallel_loop3A_411 = arith.constant 8.000000e-01 : f32
      %parallel_loop3A_412 = vector.broadcast %parallel_loop3A_411 : f32 to vector<16xf32>
      %parallel_loop3A_413 = arith.cmpf olt, %parallel_loop3A_363, %parallel_loop3A_412 : vector<16xf32>
      %parallel_loop3A_414 = arith.andi %parallel_loop3A_410, %parallel_loop3A_413 : vector<16xi1>
      %parallel_loop3A_415 = arith.constant 1.000000e+00 : f32
      %parallel_loop3A_416 = vector.broadcast %parallel_loop3A_415 : f32 to vector<16xf32>
      %parallel_loop3A_417 = arith.cmpf oge, %parallel_loop3A_363, %parallel_loop3A_416 : vector<16xf32>
      %parallel_loop3A_418 = arith.constant 0.000000e+00 : f32
      %parallel_loop3A_419 = vector.broadcast %parallel_loop3A_418 : f32 to vector<16xf32>
      %parallel_loop3A_420 = arith.select %parallel_loop3A_414, %parallel_loop3A_407, %parallel_loop3A_419 : vector<16xi1>, vector<16xf32>
      %parallel_loop3A_421 = arith.addf %parallel_loop3A_269, %parallel_loop3A_420 : vector<16xf32>
      %parallel_loop3A_422 = tpu.all_reduce %parallel_loop3A_414 {dim = 0 : i64, kind = #tpu.reduction_kind<sum>} : vector<16xi1> -> vector<16xi32>
      %parallel_loop3A_423 = arith.addi %parallel_loop3A_271, %parallel_loop3A_422 : vector<16xi32>
      %parallel_loop3A_424 = arith.constant 0.000000e+00 : f32
      %parallel_loop3A_425 = vector.broadcast %parallel_loop3A_424 : f32 to vector<16xf32>
      %parallel_loop3A_426 = arith.select %parallel_loop3A_417, %parallel_loop3A_407, %parallel_loop3A_425 : vector<16xi1>, vector<16xf32>
      %parallel_loop3A_427 = arith.addf %parallel_loop3A_275, %parallel_loop3A_426 : vector<16xf32>
      %parallel_loop3A_428 = tpu.all_reduce %parallel_loop3A_417 {dim = 0 : i64, kind = #tpu.reduction_kind<sum>} : vector<16xi1> -> vector<16xi32>
      %parallel_loop3A_429 = arith.addi %parallel_loop3A_277, %parallel_loop3A_428 : vector<16xi32>
      %parallel_loop3A_430 = arith.constant 48 : i32
      %parallel_loop3A_431 = arith.addi %parallel_loop3A_201, %parallel_loop3A_430 : i32
      %parallel_loop3A_432 = arith.index_cast %parallel_loop3A_197 : i32 to index
      %parallel_loop3A_433 = arith.index_cast %parallel_loop3A_431 : i32 to index
      %parallel_loop3A_434 = tpu.vector_load %arg7[%parallel_loop3A_432, %parallel_loop3A_433] {strides = array<i32>} : memref<64x256xf32, #tpu.memory_space<vmem>>, vector<16xf32>,
      %parallel_loop3A_435 = arith.constant 48 : i32
      %parallel_loop3A_436 = arith.addi %parallel_loop3A_201, %parallel_loop3A_435 : i32
      %parallel_loop3A_437 = arith.index_cast %parallel_loop3A_197 : i32 to index
      %parallel_loop3A_438 = arith.index_cast %parallel_loop3A_436 : i32 to index
      %parallel_loop3A_439 = tpu.vector_load %arg8[%parallel_loop3A_437, %parallel_loop3A_438] {strides = array<i32>} : memref<64x256xf32, #tpu.memory_space<vmem>>, vector<16xf32>,
      %parallel_loop3A_440 = math.exp %parallel_loop3A_434 : vector<16xf32>
      %parallel_loop3A_441 = arith.constant 1.000000e+00 : f32
      %parallel_loop3A_442 = vector.broadcast %parallel_loop3A_441 : f32 to vector<16xf32>
      %parallel_loop3A_443 = arith.addf %parallel_loop3A_442, %parallel_loop3A_440 : vector<16xf32>
      %parallel_loop3A_444 = tpu.bitcast %parallel_loop3A_443 : vector<16xf32> -> vector<16xi32>
      %parallel_loop3A_445 = arith.constant 4194304 : i32
      %parallel_loop3A_446 = vector.broadcast %parallel_loop3A_445 : i32 to vector<16xi32>
      %parallel_loop3A_447 = arith.addi %parallel_loop3A_444, %parallel_loop3A_446 : vector<16xi32>
      %parallel_loop3A_448 = arith.constant 23 : i32
      %parallel_loop3A_449 = vector.broadcast %parallel_loop3A_448 : i32 to vector<16xi32>
      %parallel_loop3A_450 = arith.shrsi %parallel_loop3A_447, %parallel_loop3A_449 : vector<16xi32>
      %parallel_loop3A_451 = arith.constant 23 : i32
      %parallel_loop3A_452 = vector.broadcast %parallel_loop3A_451 : i32 to vector<16xi32>
      %parallel_loop3A_453 = arith.shli %parallel_loop3A_450, %parallel_loop3A_452 : vector<16xi32>
      %parallel_loop3A_454 = arith.subi %parallel_loop3A_444, %parallel_loop3A_453 : vector<16xi32>
      %parallel_loop3A_455 = arith.constant 1065353216 : i32
      %parallel_loop3A_456 = vector.broadcast %parallel_loop3A_455 : i32 to vector<16xi32>
      %parallel_loop3A_457 = arith.addi %parallel_loop3A_454, %parallel_loop3A_456 : vector<16xi32>
      %parallel_loop3A_458 = tpu.bitcast %parallel_loop3A_457 : vector<16xi32> -> vector<16xf32>
      %parallel_loop3A_459 = arith.constant -0.175278813 : f32
      %parallel_loop3A_460 = vector.broadcast %parallel_loop3A_459 : f32 to vector<16xf32>
      %parallel_loop3A_461 = arith.mulf %parallel_loop3A_460, %parallel_loop3A_458 : vector<16xf32>
      %parallel_loop3A_462 = arith.constant 1.04415464 : f32
      %parallel_loop3A_463 = vector.broadcast %parallel_loop3A_462 : f32 to vector<16xf32>
      %parallel_loop3A_464 = arith.addf %parallel_loop3A_461, %parallel_loop3A_463 : vector<16xf32>
      %parallel_loop3A_465 = arith.mulf %parallel_loop3A_464, %parallel_loop3A_458 : vector<16xf32>
      %parallel_loop3A_466 = arith.constant -2.58701301 : f32
      %parallel_loop3A_467 = vector.broadcast %parallel_loop3A_466 : f32 to vector<16xf32>
      %parallel_loop3A_468 = arith.addf %parallel_loop3A_465, %parallel_loop3A_467 : vector<16xf32>
      %parallel_loop3A_469 = arith.mulf %parallel_loop3A_468, %parallel_loop3A_458 : vector<16xf32>
      %parallel_loop3A_470 = arith.constant 3.74264073 : f32
      %parallel_loop3A_471 = vector.broadcast %parallel_loop3A_470 : f32 to vector<16xf32>
      %parallel_loop3A_472 = arith.addf %parallel_loop3A_469, %parallel_loop3A_471 : vector<16xf32>
      %parallel_loop3A_473 = arith.mulf %parallel_loop3A_472, %parallel_loop3A_458 : vector<16xf32>
      %parallel_loop3A_474 = arith.constant -90.0541306 : f32
      %parallel_loop3A_475 = vector.broadcast %parallel_loop3A_474 : f32 to vector<16xf32>
      %parallel_loop3A_476 = arith.addf %parallel_loop3A_473, %parallel_loop3A_475 : vector<16xf32>
      %parallel_loop3A_477 = arith.sitofp %parallel_loop3A_450 : vector<16xi32> to vector<16xf32>
      %parallel_loop3A_478 = arith.constant 0.693147182 : f32
      %parallel_loop3A_479 = vector.broadcast %parallel_loop3A_478 : f32 to vector<16xf32>
      %parallel_loop3A_480 = arith.mulf %parallel_loop3A_477, %parallel_loop3A_479 : vector<16xf32>
      %parallel_loop3A_481 = arith.addf %parallel_loop3A_480, %parallel_loop3A_476 : vector<16xf32>
      %parallel_loop3A_482 = arith.mulf %parallel_loop3A_439, %parallel_loop3A_434 : vector<16xf32>
      %parallel_loop3A_483 = arith.subf %parallel_loop3A_481, %parallel_loop3A_482 : vector<16xf32>
      %parallel_loop3A_484 = arith.constant 0.000000e+00 : f32
      %parallel_loop3A_485 = vector.broadcast %parallel_loop3A_484 : f32 to vector<16xf32>
      %parallel_loop3A_486 = arith.cmpf ogt, %parallel_loop3A_439, %parallel_loop3A_485 : vector<16xf32>
      %parallel_loop3A_487 = arith.constant 8.000000e-01 : f32
      %parallel_loop3A_488 = vector.broadcast %parallel_loop3A_487 : f32 to vector<16xf32>
      %parallel_loop3A_489 = arith.cmpf olt, %parallel_loop3A_439, %parallel_loop3A_488 : vector<16xf32>
      %parallel_loop3A_490 = arith.andi %parallel_loop3A_486, %parallel_loop3A_489 : vector<16xi1>
      %parallel_loop3A_491 = arith.constant 1.000000e+00 : f32
      %parallel_loop3A_492 = vector.broadcast %parallel_loop3A_491 : f32 to vector<16xf32>
      %parallel_loop3A_493 = arith.cmpf oge, %parallel_loop3A_439, %parallel_loop3A_492 : vector<16xf32>
      %parallel_loop3A_494 = arith.constant 0.000000e+00 : f32
      %parallel_loop3A_495 = vector.broadcast %parallel_loop3A_494 : f32 to vector<16xf32>
      %parallel_loop3A_496 = arith.select %parallel_loop3A_490, %parallel_loop3A_483, %parallel_loop3A_495 : vector<16xi1>, vector<16xf32>
      %parallel_loop3A_497 = arith.addf %parallel_loop3A_345, %parallel_loop3A_496 : vector<16xf32>
      %parallel_loop3A_498 = tpu.all_reduce %parallel_loop3A_490 {dim = 0 : i64, kind = #tpu.reduction_kind<sum>} : vector<16xi1> -> vector<16xi32>
      %parallel_loop3A_499 = arith.addi %parallel_loop3A_347, %parallel_loop3A_498 : vector<16xi32>
      %parallel_loop3A_500 = arith.constant 0.000000e+00 : f32
      %parallel_loop3A_501 = vector.broadcast %parallel_loop3A_500 : f32 to vector<16xf32>
      %parallel_loop3A_502 = arith.select %parallel_loop3A_493, %parallel_loop3A_483, %parallel_loop3A_501 : vector<16xi1>, vector<16xf32>
      %parallel_loop3A_503 = arith.addf %parallel_loop3A_351, %parallel_loop3A_502 : vector<16xf32>
      %parallel_loop3A_504 = tpu.all_reduce %parallel_loop3A_493 {dim = 0 : i64, kind = #tpu.reduction_kind<sum>} : vector<16xi1> -> vector<16xi32>
      %parallel_loop3A_505 = arith.addi %parallel_loop3A_353, %parallel_loop3A_504 : vector<16xi32>
      scf.yield %parallel_loop3A_421, %parallel_loop3A_423, %parallel_loop3A_427, %parallel_loop3A_429, %parallel_loop3A_497, %parallel_loop3A_499, %parallel_loop3A_503, %parallel_loop3A_505 : vector<16xf32>, vector<16xi32>, vector<16xf32>, vector<16xi32>, vector<16xf32>, vector<16xi32>, vector<16xf32>, vector<16xi32>
    } {sc.loop_unroll_factor = 1 : i64, sc.parallel_access}
    %add3A_161 = arith.addf %parallel_loop3A_160#0, %parallel_loop3A_160#4 : vector<16xf32>
    %swap3A = arith.constant 0 : i32
    %swap3A_162 = arith.index_cast %swap3A : i32 to index
    %swap3A_163 = arith.constant 0 : index
    %swap3A_164 = tpu.vector_load %arg9[%swap3A_162, %swap3A_163] {strides = array<i32>} : memref<4x16xf32, #tpu.memory_space<vmem>>, vector<16xf32>,
    tpu.vector_store %arg9[%swap3A_162, %swap3A_163], %add3A_161 {strides = array<i32>} : memref<4x16xf32, #tpu.memory_space<vmem>>, vector<16xf32>,
    %add3A_165 = arith.addi %parallel_loop3A_160#1, %parallel_loop3A_160#5 : vector<16xi32>
    %convert_element_type3A = arith.sitofp %add3A_165 : vector<16xi32> to vector<16xf32>
    %mul3A_166 = arith.constant 6.250000e-02 : f32
    %mul3A_167 = vector.broadcast %mul3A_166 : f32 to vector<16xf32>
    %mul3A_168 = arith.mulf %convert_element_type3A, %mul3A_167 : vector<16xf32>
    %swap3A_169 = arith.constant 1 : i32
    %swap3A_170 = arith.index_cast %swap3A_169 : i32 to index
    %swap3A_171 = arith.constant 0 : index
    %swap3A_172 = tpu.vector_load %arg9[%swap3A_170, %swap3A_171] {strides = array<i32>} : memref<4x16xf32, #tpu.memory_space<vmem>>, vector<16xf32>,
    tpu.vector_store %arg9[%swap3A_170, %swap3A_171], %mul3A_168 {strides = array<i32>} : memref<4x16xf32, #tpu.memory_space<vmem>>, vector<16xf32>,
    %add3A_173 = arith.addf %parallel_loop3A_160#2, %parallel_loop3A_160#6 : vector<16xf32>
    %swap3A_174 = arith.constant 2 : i32
    %swap3A_175 = arith.index_cast %swap3A_174 : i32 to index
    %swap3A_176 = arith.constant 0 : index
    %swap3A_177 = tpu.vector_load %arg9[%swap3A_175, %swap3A_176] {strides = array<i32>} : memref<4x16xf32, #tpu.memory_space<vmem>>, vector<16xf32>,
    tpu.vector_store %arg9[%swap3A_175, %swap3A_176], %add3A_173 {strides = array<i32>} : memref<4x16xf32, #tpu.memory_space<vmem>>, vector<16xf32>,
    %add3A_178 = arith.addi %parallel_loop3A_160#3, %parallel_loop3A_160#7 : vector<16xi32>
    %convert_element_type3A_179 = arith.sitofp %add3A_178 : vector<16xi32> to vector<16xf32>
    %mul3A_180 = arith.constant 6.250000e-02 : f32
    %mul3A_181 = vector.broadcast %mul3A_180 : f32 to vector<16xf32>
    %mul3A_182 = arith.mulf %convert_element_type3A_179, %mul3A_181 : vector<16xf32>
    %swap3A_183 = arith.constant 3 : i32
    %swap3A_184 = arith.index_cast %swap3A_183 : i32 to index
    %swap3A_185 = arith.constant 0 : index
    %swap3A_186 = tpu.vector_load %arg9[%swap3A_184, %swap3A_185] {strides = array<i32>} : memref<4x16xf32, #tpu.memory_space<vmem>>, vector<16xf32>,
    tpu.vector_store %arg9[%swap3A_184, %swap3A_185], %mul3A_182 {strides = array<i32>} : memref<4x16xf32, #tpu.memory_space<vmem>>, vector<16xf32>,
    "tpu.region"() ({
      %run_scoped3A = tpu.sem_alloc : memref<!tpu.dma_semaphore, #tpu.memory_space<semaphore_mem>>
      %dma_start3A_187 = arith.constant 0 : i32
      %dma_start3A_188 = arith.constant 0 : i32
      %dma_start3A_189 = tpu.memref_slice %arg4[%add3A, %dma_start3A_187, %dma_start3A_188] : memref<32x4x16xf32, #tpu.memory_space<hbm>> -> memref<1x4x16xf32, #tpu.memory_space<hbm>>
      %dma_start3A_190 = tpu.memref_squeeze %dma_start3A_189 : memref<1x4x16xf32, #tpu.memory_space<hbm>> -> memref<4x16xf32, #tpu.memory_space<hbm>>
      %dma_start3A_191 = arith.constant 0 : i32
      %dma_start3A_192 = arith.constant 0 : i32
      %dma_start3A_193 = tpu.memref_slice %arg4[%add3A, %dma_start3A_191, %dma_start3A_192] : memref<32x4x16xf32, #tpu.memory_space<hbm>> -> memref<1x4x16xf32, #tpu.memory_space<hbm>>
      %dma_start3A_194 = tpu.memref_squeeze %dma_start3A_193 : memref<1x4x16xf32, #tpu.memory_space<hbm>> -> memref<4x16xf32, #tpu.memory_space<hbm>>
      tpu.enqueue_dma source(%arg9 : memref<4x16xf32, #tpu.memory_space<vmem>>) target(%dma_start3A_194 : memref<4x16xf32, #tpu.memory_space<hbm>>) target_semaphore(%run_scoped3A : memref<!tpu.dma_semaphore, #tpu.memory_space<semaphore_mem>>)
      %dma_wait3A_195 = arith.constant 0 : i32
      %dma_wait3A_196 = arith.constant 0 : i32
      %dma_wait3A_197 = tpu.memref_slice %arg4[%add3A, %dma_wait3A_195, %dma_wait3A_196] : memref<32x4x16xf32, #tpu.memory_space<hbm>> -> memref<1x4x16xf32, #tpu.memory_space<hbm>>
      %dma_wait3A_198 = tpu.memref_squeeze %dma_wait3A_197 : memref<1x4x16xf32, #tpu.memory_space<hbm>> -> memref<4x16xf32, #tpu.memory_space<hbm>>
      %dma_wait3A_199 = arith.constant 0 : i32
      %dma_wait3A_200 = arith.constant 0 : i32
      %dma_wait3A_201 = tpu.memref_slice %arg4[%add3A, %dma_wait3A_199, %dma_wait3A_200] : memref<32x4x16xf32, #tpu.memory_space<hbm>> -> memref<1x4x16xf32, #tpu.memory_space<hbm>>
      %dma_wait3A_202 = tpu.memref_squeeze %dma_wait3A_201 : memref<1x4x16xf32, #tpu.memory_space<hbm>> -> memref<4x16xf32, #tpu.memory_space<hbm>>
      tpu.wait_dma2 semaphore(%run_scoped3A : memref<!tpu.dma_semaphore, #tpu.memory_space<semaphore_mem>>) src(%arg9 : memref<4x16xf32, #tpu.memory_space<vmem>>) dst(%dma_wait3A_202 : memref<4x16xf32, #tpu.memory_space<hbm>>)
      tpu.yield
    }) : () -> ()
    return
  }
}

#map = affine_map<(d0, d1) -> (0, 0, 0)>
#map1 = affine_map<(d0, d1) -> (0)>
module attributes {stable_mosaic.version = 14 : i64} {
  func.func @_combine(%arg0: i32, %arg1: i32, %arg2: memref<32x4x16xf32, #tpu.memory_space<hbm>>, %arg3: memref<1xf32, #tpu.memory_space<hbm>>, %arg4: memref<32x4x16xf32, #tpu.memory_space<vmem>>, %arg5: memref<16xf32, #tpu.memory_space<vmem>>) attributes {dimension_semantics = [#tpu.dimension_semantics<core_parallel>, #tpu.dimension_semantics<subcore_parallel>], iteration_bounds = array<i64: 2, 16>, scalar_prefetch = 0 : i64, scratch_operands = 2 : i64, tpu.core_type = #tpu.core_type<sc_vector_subcore>, window_params = [{transform_indices = #map}, {transform_indices = #map1}]} {
    %mul3A = arith.constant 2 : i32
    %mul3A_0 = arith.muli %arg1, %mul3A : i32
    %add3A = arith.addi %mul3A_0, %arg0 : i32
    %eq3A = arith.constant 0 : i32
    %eq3A_1 = arith.cmpi eq, %add3A, %eq3A : i32
    %convert_element_type3A = arith.extui %eq3A_1 : i1 to i32
    %cond3A = arith.constant 0 : i32
    %cond3A_2 = arith.cmpi ne, %convert_element_type3A, %cond3A : i32
    scf.if %cond3A_2 {
      "tpu.region"() ({
        %run_scoped3A = tpu.sem_alloc : memref<!tpu.dma_semaphore, #tpu.memory_space<semaphore_mem>>
        tpu.enqueue_dma source(%arg2 : memref<32x4x16xf32, #tpu.memory_space<hbm>>) target(%arg4 : memref<32x4x16xf32, #tpu.memory_space<vmem>>) target_semaphore(%run_scoped3A : memref<!tpu.dma_semaphore, #tpu.memory_space<semaphore_mem>>)
        tpu.wait_dma2 semaphore(%run_scoped3A : memref<!tpu.dma_semaphore, #tpu.memory_space<semaphore_mem>>) src(%arg2 : memref<32x4x16xf32, #tpu.memory_space<hbm>>) dst(%arg4 : memref<32x4x16xf32, #tpu.memory_space<vmem>>)
        tpu.yield
      }) : () -> ()
      %broadcast_in_dim3A = arith.constant 0.000000e+00 : f32
      %broadcast_in_dim3A_3 = vector.broadcast %broadcast_in_dim3A : f32 to vector<16xf32>
      %scan3A = arith.constant 0 : i32
      %scan3A_4 = arith.constant 32 : i32
      %scan3A_5 = arith.addi %scan3A, %scan3A_4 : i32
      %scan3A_6 = arith.constant 1 : i32
      %scan3A_7:4 = scf.for %scan3A_40 = %scan3A to %scan3A_5 step %scan3A_6 iter_args(%scan3A_41 = %broadcast_in_dim3A_3, %scan3A_42 = %broadcast_in_dim3A_3, %scan3A_43 = %broadcast_in_dim3A_3, %scan3A_44 = %broadcast_in_dim3A_3) -> (vector<16xf32>, vector<16xf32>, vector<16xf32>, vector<16xf32>)  : i32 {
        %get3A = arith.constant 0 : i32
        %get3A_45 = arith.index_cast %scan3A_40 : i32 to index
        %get3A_46 = arith.index_cast %get3A : i32 to index
        %get3A_47 = arith.constant 0 : index
        %get3A_48 = tpu.vector_load %arg4[%get3A_45, %get3A_46, %get3A_47] {strides = array<i32>} : memref<32x4x16xf32, #tpu.memory_space<vmem>>, vector<16xf32>,
        %add3A_49 = arith.addf %scan3A_41, %get3A_48 : vector<16xf32>
        %get3A_50 = arith.constant 1 : i32
        %get3A_51 = arith.index_cast %scan3A_40 : i32 to index
        %get3A_52 = arith.index_cast %get3A_50 : i32 to index
        %get3A_53 = arith.constant 0 : index
        %get3A_54 = tpu.vector_load %arg4[%get3A_51, %get3A_52, %get3A_53] {strides = array<i32>} : memref<32x4x16xf32, #tpu.memory_space<vmem>>, vector<16xf32>,
        %add3A_55 = arith.addf %scan3A_42, %get3A_54 : vector<16xf32>
        %get3A_56 = arith.constant 2 : i32
        %get3A_57 = arith.index_cast %scan3A_40 : i32 to index
        %get3A_58 = arith.index_cast %get3A_56 : i32 to index
        %get3A_59 = arith.constant 0 : index
        %get3A_60 = tpu.vector_load %arg4[%get3A_57, %get3A_58, %get3A_59] {strides = array<i32>} : memref<32x4x16xf32, #tpu.memory_space<vmem>>, vector<16xf32>,
        %add3A_61 = arith.addf %scan3A_43, %get3A_60 : vector<16xf32>
        %get3A_62 = arith.constant 3 : i32
        %get3A_63 = arith.index_cast %scan3A_40 : i32 to index
        %get3A_64 = arith.index_cast %get3A_62 : i32 to index
        %get3A_65 = arith.constant 0 : index
        %get3A_66 = tpu.vector_load %arg4[%get3A_63, %get3A_64, %get3A_65] {strides = array<i32>} : memref<32x4x16xf32, #tpu.memory_space<vmem>>, vector<16xf32>,
        %add3A_67 = arith.addf %scan3A_44, %get3A_66 : vector<16xf32>
        scf.yield %add3A_49, %add3A_55, %add3A_61, %add3A_67 : vector<16xf32>, vector<16xf32>, vector<16xf32>, vector<16xf32>
      }
      %scan3A_8 = arith.constant 32 : i32
      %reduce_sum3A = arith.constant true
      %reduce_sum3A_9 = vector.broadcast %reduce_sum3A : i1 to vector<16xi1>
      %reduce_sum3A_10 = tpu.scan <sum>, %scan3A_7#0 masked %reduce_sum3A_9 : vector<16xf32>, vector<16xi1> -> vector<16xf32>
      %reduce_sum3A_11 = vector.extract %reduce_sum3A_10[15] : f32 from vector<16xf32>
      %broadcast_in_dim3A_12 = vector.broadcast %reduce_sum3A_11 : f32 to vector<16xf32>
      %reduce_sum3A_13 = arith.constant true
      %reduce_sum3A_14 = vector.broadcast %reduce_sum3A_13 : i1 to vector<16xi1>
      %reduce_sum3A_15 = tpu.scan <sum>, %scan3A_7#1 masked %reduce_sum3A_14 : vector<16xf32>, vector<16xi1> -> vector<16xf32>
      %reduce_sum3A_16 = vector.extract %reduce_sum3A_15[15] : f32 from vector<16xf32>
      %broadcast_in_dim3A_17 = vector.broadcast %reduce_sum3A_16 : f32 to vector<16xf32>
      %reduce_sum3A_18 = arith.constant true
      %reduce_sum3A_19 = vector.broadcast %reduce_sum3A_18 : i1 to vector<16xi1>
      %reduce_sum3A_20 = tpu.scan <sum>, %scan3A_7#2 masked %reduce_sum3A_19 : vector<16xf32>, vector<16xi1> -> vector<16xf32>
      %reduce_sum3A_21 = vector.extract %reduce_sum3A_20[15] : f32 from vector<16xf32>
      %broadcast_in_dim3A_22 = vector.broadcast %reduce_sum3A_21 : f32 to vector<16xf32>
      %reduce_sum3A_23 = arith.constant true
      %reduce_sum3A_24 = vector.broadcast %reduce_sum3A_23 : i1 to vector<16xi1>
      %reduce_sum3A_25 = tpu.scan <sum>, %scan3A_7#3 masked %reduce_sum3A_24 : vector<16xf32>, vector<16xi1> -> vector<16xf32>
      %reduce_sum3A_26 = vector.extract %reduce_sum3A_25[15] : f32 from vector<16xf32>
      %broadcast_in_dim3A_27 = vector.broadcast %reduce_sum3A_26 : f32 to vector<16xf32>
      %max3A = arith.constant 1.000000e+00 : f32
      %max3A_28 = vector.broadcast %max3A : f32 to vector<16xf32>
      %max3A_29 = arith.maximumf %broadcast_in_dim3A_17, %max3A_28 : vector<16xf32>
      %div3A = arith.divf %broadcast_in_dim3A_12, %max3A_29 : vector<16xf32>
      %max3A_30 = arith.constant 1.000000e+00 : f32
      %max3A_31 = vector.broadcast %max3A_30 : f32 to vector<16xf32>
      %max3A_32 = arith.maximumf %broadcast_in_dim3A_27, %max3A_31 : vector<16xf32>
      %div3A_33 = arith.divf %broadcast_in_dim3A_22, %max3A_32 : vector<16xf32>
      %add3A_34 = arith.addf %div3A, %div3A_33 : vector<16xf32>
      %gt3A = arith.constant 0.000000e+00 : f32
      %gt3A_35 = vector.broadcast %gt3A : f32 to vector<16xf32>
      %gt3A_36 = arith.cmpf ogt, %broadcast_in_dim3A_27, %gt3A_35 : vector<16xf32>
      %broadcast_in_dim3A_37 = arith.constant 0.000000e+00 : f32
      %broadcast_in_dim3A_38 = vector.broadcast %broadcast_in_dim3A_37 : f32 to vector<16xf32>
      %select_n3A = arith.select %gt3A_36, %add3A_34, %broadcast_in_dim3A_38 : vector<16xi1>, vector<16xf32>
      %swap3A = arith.constant 0 : index
      %swap3A_39 = tpu.vector_load %arg5[%swap3A] {strides = array<i32>} : memref<16xf32, #tpu.memory_space<vmem>>, vector<16xf32>,
      tpu.vector_store %arg5[%swap3A], %select_n3A {strides = array<i32>} : memref<16xf32, #tpu.memory_space<vmem>>, vector<16xf32>,
      "tpu.region"() ({
        %run_scoped3A = tpu.sem_alloc : memref<!tpu.dma_semaphore, #tpu.memory_space<semaphore_mem>>
        %dma_start3A = arith.constant 0 : i32
        %dma_start3A_40 = tpu.memref_slice %arg5[%dma_start3A] : memref<16xf32, #tpu.memory_space<vmem>> -> memref<1xf32, #tpu.memory_space<vmem>>
        %dma_start3A_41 = arith.constant 0 : i32
        %dma_start3A_42 = tpu.memref_slice %arg5[%dma_start3A_41] : memref<16xf32, #tpu.memory_space<vmem>> -> memref<1xf32, #tpu.memory_space<vmem>>
        tpu.enqueue_dma source(%dma_start3A_42 : memref<1xf32, #tpu.memory_space<vmem>>) target(%arg3 : memref<1xf32, #tpu.memory_space<hbm>>) target_semaphore(%run_scoped3A : memref<!tpu.dma_semaphore, #tpu.memory_space<semaphore_mem>>)
        %dma_wait3A = arith.constant 0 : i32
        %dma_wait3A_43 = tpu.memref_slice %arg5[%dma_wait3A] : memref<16xf32, #tpu.memory_space<vmem>> -> memref<1xf32, #tpu.memory_space<vmem>>
        %dma_wait3A_44 = arith.constant 0 : i32
        %dma_wait3A_45 = tpu.memref_slice %arg5[%dma_wait3A_44] : memref<16xf32, #tpu.memory_space<vmem>> -> memref<1xf32, #tpu.memory_space<vmem>>
        tpu.wait_dma2 semaphore(%run_scoped3A : memref<!tpu.dma_semaphore, #tpu.memory_space<semaphore_mem>>) src(%dma_wait3A_45 : memref<1xf32, #tpu.memory_space<vmem>>) dst(%arg3 : memref<1xf32, #tpu.memory_space<hbm>>)
        tpu.yield
      }) : () -> ()
    } else {
    }
    return
  }
}

</mosaic_0001>

<sc_bundles>
// kernel: kernel.4.cloned.1.call-start
scs
__scs_entry_jumppad:
0x0: {  	(pc) =	sbr.rel $0x88, $3  }
0x1: {  	(tag) =	ssettag $0x0;
	lr =	simm.s32 $0x1  }
0x2: {  	[smem:$0x3F9F] =	sst lr;
	_ =	strace $0xD0000000  }
0x3: {  	_ = 	snop  }
0x4: {  	_ = 	snop  }
0x5: {  	_ = 	snop  }
0x6: {  	_ = 	snop  }
0x7: {  	_ = 	snop  }
__scs_overlays_trampoline_lowered:
0x8: {  	[smem:$0x3FAE] =	sst s0  }
0x9: {  	[smem:$0x3FAF] =	sst s1  }
0xa: {  	[smem:$0x3FB0] =	sst s2  }
0xb: {  	[smem:$0x3FB1] =	sst s3  }
0xc: {  	[smem:$0x3FB2] =	sst s4  }
0xd: {  	[smem:$0x3FB3] =	sst s5  }
0xe: {  	[smem:$0x3FB4] =	sst s6  }
0xf: {  	[smem:$0x3FB5] =	sst s7  }
0x10: {  	[smem:$0x3FB6] =	sst s8  }
0x11: {  	[smem:$0x3FB7] =	sst s9;
	s0 =	simm.s32 @!p0 $0x0  }
0x12: {  	s1 =	sld [smem:$0x3F9D];
	s0 =	simm.s32 @p0 $0x1  }
0x13: {  	[smem:$0x3FB8] =	sst s0;
	s0 =	simm.s32 @!p1 $0x0  }
0x14: {  	s2 =	sld [smem:$0x3F9C];
	s0 =	simm.s32 @p1 $0x1  }
0x15: {  	[smem:$0x3FB9] =	sst s0;
	s0 =	simm.s32 @!p2 $0x0  }
0x16: {  	s3 =	sld [smem:$0x3FDB];
	s0 =	simm.s32 @p2 $0x1  }
0x17: {  	s4 =	simm.s32 $0x1BF5;
	[smem:$0x3FBB] =	sst s0  }
0x18: {  	s0 =	sld [smem:$0x3F9E];
	_ =	swait.ge [sflag:s4], $0x0  }
0x19: {  	s7 =	sld [smem:$0x3F9F]  }
0x1a: {  	s8 =	sadd.s32 $0xFFFFE003, lr  }
0x1b: {  	s9 =	sadd.s32 $0xFFFFFEF7, lr;
	s5 =	simm.s32 $0xFFFFFFFF;
	p2 =	slt.u32 s8, $0xFFFFF086  }
0x1c: {  	p1 =	slt.u32 s9, $0xF7A;
	s5 =	simm.s32 @!p2 $0x0  }
0x1d: {  	s5 =	simm.s32 @p1 $0x1;
	p0 =	seq.s32 s7, s2  }
0x1e: {  	s7 =	smul.u32 @!p0 $0xF7A, s2;
	p2 =	seq.s32 @!p0 s5, $0x0  }
0x1f: {  	s9 =	smul.u32 $0xF7A, s1;
	s8 =	simm.s32 @!p0 $0x1BF5;
	p2 =	por !p2, p0  }
0x20: {  	[sflag:s8] =	ssyncset.s32 @!p0 $0xFFFFF086;
	s6 =	sadd.s32 @!p0 s3, s7;
	s7 =	simm.s32 @!p0 $0x108  }
0x21: {  	s3 =	sadd.s32 s3, s9;
	s6 =	sadd.s32 @!p0 $0x88, s6;
	s7 =	simm.s32 @p2 $0x1082  }
0x22: {  	[simem:s7], [sflag:s8] =	dma.local @!p0 [hbm:s6], $0xF7A  }
0x23: {  	s9 =	sor.u32 $0xD0000000, s2;
	s6 =	simm.s32 $0x108;
	_ =	swait.ge @!p0 [sflag:s8], $0x0  }
0x24: {  	s3 =	sadd.s32 $0x88, s3;
	s6 =	simm.s32 @!p1 $0x1082;
	[sflag:s4] =	ssyncset.s32 $0xFFFFF086  }
0x25: {  	[simem:s6], [sflag:s4] =	dma.local [hbm:s3], $0xF7A  }
0x26: {  	[smem:$0x3F9F] =	sst s1;
	(tag) =	ssettag s2;
	_ =	strace s9  }
0x27: {  	s1 =	sld [smem:$0x3FAF]  }
0x28: {  	s2 =	sld [smem:$0x3FB0]  }
0x29: {  	s4 =	sld [smem:$0x3FB2]  }
0x2a: {  	p0 =	seq.s32 s5, $0x0;
	s5 =	sld [smem:$0x3FB3]  }
0x2b: {  	s6 =	sld [smem:$0x3FB4]  }
0x2c: {  	s7 =	sld [smem:$0x3FB5]  }
0x2d: {  	s3 =	simm.s32 $0x108;
	s8 =	sld [smem:$0x3FB6]  }
0x2e: {  	s3 =	simm.s32 @!p0 $0x1082;
	s9 =	sld [smem:$0x3FB7]  }
0x2f: {  	lr =	sadd.s32 s0, s3;
	s0 =	sld [smem:$0x3FAE]  }
0x30: {  	s3 =	sld [smem:$0x3FB1]  }
0x31: {  	[smem:$0x3FBA] =	sst s10  }
0x32: {  	s10 =	sld [smem:$0x3FB8];
	_ =	sdelay $0x3  }
0x33: {  	p0 =	seq.s32 s10, $0x1;
	s10 =	sld [smem:$0x3FBA];
	_ =	sdelay $0x3  }
0x34: {  	[smem:$0x3FBA] =	sst s10  }
0x35: {  	s10 =	sld [smem:$0x3FB9];
	_ =	sdelay $0x3  }
0x36: {  	p1 =	seq.s32 s10, $0x1;
	s10 =	sld [smem:$0x3FBA];
	_ =	sdelay $0x3  }
0x37: {  	[smem:$0x3FBA] =	sst s10  }
0x38: {  	s10 =	sld [smem:$0x3FBB]  }
0x39: {  	_ = 	snop;
	(pc) =	sbr.ind lr, $3  }
0x3a: {  	_ = 	snop  }
0x3b: {  	_ = 	snop  }
0x3c: {  	p2 =	seq.s32 s10, $0x1;
	s10 =	sld [smem:$0x3FBA]  }
0x3d: {  	_ =	shalt  }
0x3e: {  	_ =	shalt  }
0x3f: {  	_ =	shalt  }
0x40: {  	_ =	shalt  }
0x41: {  	_ =	shalt  }
0x42: {  	_ =	shalt  }
0x43: {  	_ =	shalt  }
0x44: {  	_ =	shalt  }
0x45: {  	_ =	shalt  }
0x46: {  	_ =	shalt  }
0x47: {  	_ =	shalt  }
0x48: {  	_ =	shalt  }
0x49: {  	_ =	shalt  }
0x4a: {  	_ =	shalt  }
0x4b: {  	_ =	shalt  }
0x4c: {  	_ =	shalt  }
0x4d: {  	_ =	shalt  }
0x4e: {  	_ =	shalt  }
0x4f: {  	_ =	shalt  }
0x50: {  	_ =	shalt  }
0x51: {  	_ =	shalt  }
0x52: {  	_ =	shalt  }
0x53: {  	_ =	shalt  }
0x54: {  	_ =	shalt  }
0x55: {  	_ =	shalt  }
0x56: {  	_ =	shalt  }
0x57: {  	_ =	shalt  }
0x58: {  	_ =	shalt  }
0x59: {  	_ =	shalt  }
0x5a: {  	_ =	shalt  }
0x5b: {  	_ =	shalt  }
0x5c: {  	_ =	shalt  }
0x5d: {  	_ =	shalt  }
0x5e: {  	_ =	shalt  }
0x5f: {  	_ =	shalt  }
0x60: {  	_ =	shalt  }
0x61: {  	_ =	shalt  }
0x62: {  	_ =	shalt  }
0x63: {  	_ =	shalt  }
0x64: {  	_ =	shalt  }
0x65: {  	_ =	shalt  }
0x66: {  	_ =	shalt  }
0x67: {  	_ =	shalt  }
0x68: {  	_ =	shalt  }
0x69: {  	_ =	shalt  }
0x6a: {  	_ =	shalt  }
0x6b: {  	_ =	shalt  }
0x6c: {  	_ =	shalt  }
0x6d: {  	_ =	shalt  }
0x6e: {  	_ =	shalt  }
0x6f: {  	_ =	shalt  }
0x70: {  	_ =	shalt  }
0x71: {  	_ =	shalt  }
0x72: {  	_ =	shalt  }
0x73: {  	_ =	shalt  }
0x74: {  	_ =	shalt  }
0x75: {  	_ =	shalt  }
0x76: {  	_ =	shalt  }
0x77: {  	_ =	shalt  }
0x78: {  	_ =	shalt  }
0x79: {  	_ =	shalt  }
0x7a: {  	_ =	shalt  }
0x7b: {  	_ =	shalt  }
0x7c: {  	_ =	shalt  }
0x7d: {  	_ =	shalt  }
0x7e: {  	_ =	shalt  }
0x7f: {  	_ =	shalt  }
0x80: {  	_ =	shalt  }
0x81: {  	_ =	shalt  }
0x82: {  	_ =	shalt  }
0x83: {  	_ =	shalt  }
0x84: {  	_ =	shalt  }
0x85: {  	_ =	shalt  }
0x86: {  	_ =	shalt  }
0x87: {  	_ =	shalt  }
.Lfunc_end0:
.L_simem_size_0:
called_computation_lowered:
.L_overlay_start_0:
0x88: {  	s2 =	sld [smem:$0x3FD9]  }
0x89: {  	s3 =	sld [smem:$0x3FFE];
	_ =	sdelay $0x1  }
0x8a: {  	s1 =	srdreg.scid  }
0x8b: {  	s0 =	sand.u32 $0x1, s1  }
0x8c: {  	s17 =	sshll.u32 s0, $0xA;
	s2 =	sadd.s32 s3, s2  }
0x8d: {  	s2 =	sadd.s32 s2, s17  }
0x8e: {  	[smem:$0x3FC6] =	sst s2  }
0x8f: {  	_ = 	snop  }
0x90: {  	s2 =	sld [smem:$0x3FC9]  }
0x91: {  	s18 =	sld [smem:$0x3FC8];
	(tm) =	ssettm $0x1  }
0x92: {  	s4 =	sld [smem:$0x3FFB];
	_ =	sdelay $0x3  }
0x93: {  	_ =	strace s4  }
0x94: {  	s4 =	sld [smem:$0x3FFC];
	_ =	sdelay $0x3  }
0x95: {  	_ =	strace s4  }
0x96: {  	s4 =	sld [smem:$0x3FFD];
	_ =	sdelay $0x3  }
0x97: {  	_ =	strace s4  }
0x98: {  	_ =	strace $0x8FFFFFFF  }
0x99: {  	s19 =	sld [smem:$0x3FDB];
	_ =	sdelay $0x1  }
0x9a: {  	s5 =	simm.s32 $_scs_section_size  }
0x9b: {  	s6 =	simm.s32 $_size__tile_overlayer_lowered;
	s7 =	simm.s32 $_tile_overlayer_lowered  }
0x9c: {  	s22 =	simm.s32 $0x1BFF;
	s21 =	sshll.u32 s7, $0x1;
	s4 =	sadd.s32 s5, s19  }
0x9d: {  	s8 =	simm.s32 $0x0;
	s20 =	sshll.u32 s6, $0x1;
	s6 =	sadd.s32 s21, s4  }
0x9e: {  	[timem:s8], [sflag:s22] =	dma.local [hbm:s6], s20  }
0x9f: {  	_ =	swait.ge [sflag:s22], s20  }
0xa0: {  	s5 =	ssub.s32 $0x0, s20;
	[sflag:s22] =	ssyncset.done $0x0  }
0xa1: {  	[sflag:s22] =	ssyncadd.s32 s5;
	_ =	sdelay $0x1  }
0xa2: {  	s23 =	simm.s32 $0x1B8B  }
0xa3: {  	_ =	swait.ge [sflag:s23], $0x1  }
0xa4: {  	[sflag:s23] =	ssyncset.done $0x0  }
0xa5: {  	s25 =	simm.s32 $0x1B8E;
	s24 =	sld [smem:$0x3FFE];
	[sflag:s23] =	ssyncadd.s32 $0xFFFFFFFF  }
0xa6: {  	s26 =	simm.s32 $execute0_lowered;
	[smem:$0x3FD2] =	sst s25  }
0xa7: {  	s6 =	sshll.u32 s26, $0x1;
	_ =	strace $0x80000046;
	[dreg:$0x1] =	wrdreg $0xFFFFFFFF  }
0xa8: {  	s28 =	simm.s32 $_size_execute0_lowered;
	s4 =	sadd.s32 s4, s6;
	[dreg:$0x0] =	wrdreg $0x0  }
0xa9: {  	s6 =	sshll.u32 s28, $0x1;
	[dreg:$0x2] =	wrdreg s4  }
0xaa: {  	[dreg:$0x3] =	wrdreg s6  }
0xab: {  	[dreg:$0x4] =	wrdreg $0xC0  }
0xac: {  	_ =	task [dreg:s8], $0x5FFFF  }
0xad: {  	[dreg:$0x1] =	wrdreg $0xFFFFFFFF  }
0xae: {  	[dreg:$0x0] =	wrdreg $0x60  }
0xaf: {  	[dreg:$0x2] =	wrdreg s2  }
0xb0: {  	[dreg:$0x3] =	wrdreg s18  }
0xb1: {  	[dreg:$0x4] =	wrdreg s24  }
0xb2: {  	[dreg:$0x5] =	wrdreg $0x9  }
0xb3: {  	_ =	task.clear_ibuf [dreg:s8], $0x6FFFF;
	_ =	strace $0x90000046  }
0xb4: {  	s29 =	simm.s32 $0x9;
	_ =	strace $0x80000048  }
0xb5: {  	_ =	swait.ge [sflag:s29], $0x1  }
0xb6: {  	[sflag:s29] =	ssyncadd.s32 $0xFFFFFFFF  }
0xb7: {  	_ =	strace $0x90000048  }
0xb8: {  	_ =	sfence  }
0xb9: {  	s30 =	sld [smem:$0x0];
	_ =	sdelay $0x2  }
0xba: {  	s31 =	sshll.u32 s1, $0xD;
	s1 =	sshrl.u32 s1, $0x2  }
0xbb: {  	s3 =	sand.u32 $0x4000, s31;
	s1 =	sadd.s32 s1, s30  }
0xbc: {  	s0 =	sor.u32 s3, s0;
	s1 =	sshll.u32 s1, $0x11  }
0xbd: {  	s0 =	sor.u32 s1, s0  }
0xbe: {  	s0 =	sadd.s32 $0x8F2B, s0  }
0xbf: {  	[sflag:s0] =	ssyncadd.remote.s32 $0x1  }
0xc0: {  	_ =	sfence.sel $0xFFFF  }
0xc1: {  	[dreg:$0x0] =	wrdreg $0xFFFFFFFF;
	(pc) =	sbr.abs _section_cstart, $3  }
0xc2: {  	[dreg:$0x1] =	wrdreg $0xFFFFFFFF  }
0xc3: {  	_ =	task.clear_ibuf [dreg:s8], $0x2FFFF;
	_ =	strace $0x9FFFFFFF  }
0xc4: {  	(tm) =	ssettm $0x7FFFFFFF  }
0xc5: {  	_ =	shalt  }
tec
execute0_lowered:
.L_overlay_start_1:
0x0: {  	(tag) =	ssettag $0x1  }
0x1: {  	s9 =	rddreg [dreg:$0x0]  }
0x2: {  	s10 =	rddreg [dreg:$0x1]  }
0x3: {  	s1 =	srdreg.scid;
	s0 =	stileid.u32  }
0x4: {  	s3 =	rddreg [dreg:$0x2];
	s2 =	simm.s32 $0x0;
	s15 =	simm.s32 $0x8000  }
0x5: {  	s16 =	simm.s32 $0xC000;
	s17 =	simm.s32 $0x10000;
	s18 =	simm.s32 $0x2  }
0x6: {  	s4 =	sand.u32 $0x1, s1;
	s5 =	sshll.u32 s0, $0x1;
	s1 =	rddreg [dreg:$0x3]  }
0x7: {  	s19 =	simm.s32 $0x0;
	[smem:$0x7FF] =	sst s2;
	s5 =	sor.u32 s4, s5  }
0x8: {  	s4 =	ssub.s32 $0x2, s4;
	s6 =	smul.u32 $0x50000, s5;
	s5 =	sshll.u32 s5, $0x6  }
0x9: {  	_ =	strace $0x80000047;
	s30 =	sshrl.u32 s4, $0x1;
	s11 =	sadd.s32 s5, s3  }
0xa: {  	s12 =	ssub.s32 s4, s30;
	s8 =	sshrl.u32 s6, $0x3;
	s11 =	sadd.s32 $0x800, s11  }
0xb: {  	s12 =	smax.u32 s12, $0x1;
	s31 =	sadd.s32 $0x8000, s8;
	s6 =	sadd.s32 $0x8800, s8  }
0xc: {  	s13 =	sadd.s32 $0x9000, s8;
	s14 =	sadd.s32 $0x9800, s8;
	s3 =	sadd.s32 s9, s31  }
0xd: {  	s4 =	sadd.s32 s10, s31;
	s5 =	sadd.s32 s9, s6;
	s6 =	sadd.s32 s10, s6  }
0xe: {  	s7 =	sadd.s32 s9, s13;
	s8 =	sadd.s32 s10, s13;
	s9 =	sadd.s32 s9, s14  }
0xf: {  	s10 =	sadd.s32 s10, s14;
	s13 =	simm.s32 $0x4000;
	s14 =	simm.s32 $0x1  }
.LBB2_1:
0x10: {  	[tilespmem:s2], [sflag:$0x1] =	stream.linear.gather [hbm4b:s3+s2], $0x4000, $0x38;
	[tilespmem:$0x10200] =	vst v63  }
0x11: {  	_ = 	snop  }
0x12: {  	[tilespmem:s13], [sflag:$0x1] =	stream.linear.gather [hbm4b:s4+s2], $0x4000, $0x38;
	[tilespmem:$0x10200] =	vst v63  }
0x13: {  	_ =	swait.ge [sflag:s14], $0x4000  }
0x14: {  	[sflag:s14] =	ssyncset.done $0x0  }
0x15: {  	s20 =	sand.u32 $0x40, s2;
	s21 =	simm.s32 $0x0;
	[sflag:s14] =	ssyncadd.s32 $0xFFFFC000  }
0x16: {  	s22 =	sand.u32 $0x400, s2;
	s23 =	simm.s32 $0x0;
	_ =	swait.ge [sflag:s14], $0x4000  }
0x17: {  	s21 =	sand.u32 $0x3800, s21;
	s20 =	sor.u32 s20, s22;
	[sflag:s14] =	ssyncset.done $0x0  }
0x18: {  	s31 =	sand.u32 $0x380, s23;
	s20 =	sor.u32 s21, s20;
	[sflag:s14] =	ssyncadd.s32 $0xFFFFC000  }
0x19: {  	[tilespmem:s15], [sflag:$0x1] =	stream.linear.gather [hbm4b:s5+s2], $0x4000, $0x38;
	[tilespmem:$0x10200] =	vst v63  }
0x1a: {  	s20 =	sor.u32 s31, s20  }
0x1b: {  	[tilespmem:s16], [sflag:$0x1] =	stream.linear.gather [hbm4b:s6+s2], $0x4000, $0x38;
	[tilespmem:$0x10200] =	vst v63  }
0x1c: {  	v5 =	vld [tilespmem:s20+$0x20];
	_ =	sdelay $0x1  }
0x1d: {  	v3 =	vld [tilespmem:s20+$0x30]  }
0x1e: {  	v4 =	vld [tilespmem:s20+$0x10]  }
0x1f: {  	v2 =	vld [tilespmem:s20+$0x0]  }
0x20: {  	v0 =	vmul.f32 $1.442695020e+00, v5;
	_ =	sdelay $0x1  }
0x21: {  	v1 =	vmul.f32 $1.442695020e+00, v3;
	(erf) = vpow2.f32 v0  }
0x22: {  	v0 =	vmul.f32 $1.442695020e+00, v4  }
0x23: {  	(erf) = vpow2.f32 v1;
	v1 =	vmul.f32 $1.442695020e+00, v2  }
0x24: {  	v11 =	vld [tilespmem:s20+$0x4010];
	(erf) = vpow2.f32 v0  }
0x25: {  	v6 =	vld [tilespmem:s20+$0x4030];
	(erf) = vpow2.f32 v1  }
0x26: {  	v21 =	vld [tilespmem:s20+$0x4020];
	_ =	sdelay $0x3  }
0x27: {  	vm0 =	vlt.f32 v11, $8.000000110e-01;
	v3 =	vmul.f32 v6, v3;
	vm1 =	vgt.f32 v6, $0.0e+00;
	v7 =	vpop (erf)  }
0x28: {  	vm2 =	vlt.f32 v6, $8.000000110e-01;
	vm3 =	vge.f32 v21, $1.000000000e+00;
	v7 =	vadd.f32 $1.000000000e+00, v7  }
0x29: {  	vm4 =	vge.f32 v11, $1.000000000e+00;
	vm5 =	vlt.f32 v21, $8.000000110e-01;
	vm6 =	vgt.f32 v21, $0.0e+00;
	v8 =	vpop (erf)  }
0x2a: {  	vm1 =	vmand vm1, vm2;
	v8 =	vadd.f32 $1.000000000e+00, v8;
	v9 =	vpop (erf);
	v10 =	vadd.s32 $0x400000, v7  }
0x2b: {  	v9 =	vadd.f32 $1.000000000e+00, v9;
	v14 =	vpop (erf);
	v12 =	vshra.s32 v10, $0x17;
	v10 =	vand.u32 $0xFF800000, v10  }
0x2c: {  	v13 =	vadd.s32 $0x400000, v8;
	v15 =	vadd.f32 $1.000000000e+00, v14;
	v10 =	vsub.s32 v7, v10  }
0x2d: {  	v16 =	vand.u32 $0xFF800000, v13;
	v7 =	vcvt.s32.f32 v12;
	v13 =	vshra.s32 v13, $0x17  }
0x2e: {  	v14 =	vadd.s32 $0x3F800000, v10;
	v8 =	vsub.s32 v8, v16;
	v10 =	vadd.s32 $0x400000, v9  }
0x2f: {  	v12 =	vadd.s32 $0x400000, v15;
	v13 =	vcvt.s32.f32 v13;
	v8 =	vadd.s32 $0x3F800000, v8  }
0x30: {  	v16 =	vand.u32 $0xFF800000, v12;
	v18 =	vand.u32 $0xFF800000, v10;
	v12 =	vshra.s32 v12, $0x17  }
0x31: {  	v17 =	vmul.f32 $1.752788130e-01, v8;
	v15 =	vsub.s32 v15, v16;
	v9 =	vsub.s32 v9, v18  }
0x32: {  	v16 =	vadd.s32 $0x3F800000, v15;
	v19 =	vadd.s32 $0x3F800000, v9;
	v9 =	vmul.f32 $1.752788130e-01, v14  }
0x33: {  	v20 =	vmul.f32 $6.931471820e-01, v13;
	v15 =	vsub.f32 $1.044154640e+00, v17;
	v13 =	vmul.f32 $1.752788130e-01, v16  }
0x34: {  	v10 =	vshra.s32 v10, $0x17;
	v22 =	vcvt.s32.f32 v12;
	v9 =	vsub.f32 $1.044154640e+00, v9  }
0x35: {  	v18 =	vmul.f32 $1.752788130e-01, v19;
	v15 =	vmul.f32 v8, v15;
	v13 =	vsub.f32 $1.044154640e+00, v13  }
0x36: {  	vm2 =	vge.f32 v6, $1.000000000e+00;
	v17 =	vcvt.s32.f32 v10;
	v9 =	vmul.f32 v14, v9  }
0x37: {  	v10 =	vadd.f32 $-2.587013010e+00, v15;
	v12 =	vmul.f32 v16, v13;
	v13 =	vsub.f32 $1.044154640e+00, v18  }
0x38: {  	vm5 =	vmand vm6, vm5;
	v4 =	vmul.f32 v11, v4;
	v9 =	vadd.f32 $-2.587013010e+00, v9  }
0x39: {  	v10 =	vmul.f32 v8, v10;
	v12 =	vadd.f32 $-2.587013010e+00, v12;
	v18 =	vmul.f32 v19, v13  }
0x3a: {  	v0 =	vimm.f32 $0.0e+00;
	v15 =	vmul.f32 v21, v5;
	v6 =	vmul.f32 v14, v9  }
0x3b: {  	v5 =	vadd.f32 $3.742640730e+00, v10;
	v10 =	vmul.f32 v16, v12;
	v12 =	vadd.f32 $-2.587013010e+00, v18  }
0x3c: {  	v1 =	vimm.s32 $0x0;
	v13 =	vmpcnt.ones.xlane vm1;
	v18 =	vadd.f32 $3.742640730e+00, v6  }
0x3d: {  	v5 =	vmul.f32 v8, v5;
	v8 =	vadd.f32 $3.742640730e+00, v10;
	v9 =	vmul.f32 v19, v12  }
0x3e: {  	v21 =	vld [tilespmem:s20+$0x4000];
	v6 =	vimm.s32 $0x0;
	v10 =	vimm.f32 $0.0e+00;
	v12 =	vimm.f32 $0.0e+00  }
0x3f: {  	v24 =	vadd.f32 $-9.005413060e+01, v5;
	v23 =	vmul.f32 v16, v8;
	v16 =	vadd.f32 $3.742640730e+00, v9  }
0x40: {  	s24 =	simm.s32 $0x1;
	s21 =	simm.s32 $0x200;
	s20 =	simm.s32 $0x40;
	v5 =	vimm.f32 $0.0e+00;
	v8 =	vimm.s32 $0x0;
	v9 =	vimm.s32 $0x0  }
.LBB2_2:
0x41: {  	s22 =	sand.u32 $0x40, s20  }
0x42: {  	s23 =	sshll.u32 s24, $0x6;
	s25 =	sand.u32 $0x400, s21;
	v22 =	vmul.f32 $6.931471820e-01, v22;
	vm7 =	vgt.f32 v11, $0.0e+00;
	v11 =	vadd.f32 v24, v20;
	s26 =	smov.u32 s24  }
0x43: {  	s23 =	sand.u32 $0x3800, s23;
	s26 =	sshll.u32 s24, $0x5;
	s22 =	sor.u32 s22, s25;
	v20 =	vadd.f32 $-9.005413060e+01, v23;
	vm6 =	vgt.f32 v21, $0.0e+00;
	vm8 =	vlt.f32 v21, $8.000000110e-01  }
0x44: {  	v23 =	vmul.f32 v21, v2;
	v2 =	vmul.f32 v19, v16;
	s25 =	sand.u32 $0x380, s26;
	s23 =	sor.u32 s23, s22;
	s22 =	sadd.s32 $0x1, s24;
	vm6 =	vmand vm6, vm8  }
0x45: {  	p0 =	sne.s32 s24, $0xFF;
	v3 =	vsub.f32 v11, v3;
	s23 =	sor.u32 s25, s23;
	v19 =	vadd.f32 v20, v22;
	v20 =	vmpcnt.ones.xlane vm6  }
0x46: {  	v11 =	vmul.f32 $6.931471820e-01, v17;
	v17 =	vmpcnt.ones.xlane vm5;
	v2 =	vadd.f32 $-9.005413060e+01, v2;
	v16 =	vld [tilespmem:s23+$0x20]  }
0x47: {  	v14 =	vmul.f32 v14, v18;
	v22 =	vld [tilespmem:s23+$0x30];
	v1 =	vadd.s32 v1, v20;
	v20 =	vnsel vm2, $0x0, v3  }
0x48: {  	vm8 =	vge.f32 v21, $1.000000000e+00;
	v11 =	vadd.f32 v2, v11;
	v18 =	vld [tilespmem:s23+$0x4030];
	v1 =	vadd.s32 v17, v1  }
0x49: {  	v21 =	vmpcnt.ones.xlane vm8;
	v17 =	vld [tilespmem:s23+$0x10]  }
0x4a: {  	v3 =	vnsel vm1, $0x0, v3;
	v4 =	vsub.f32 v11, v4;
	v11 =	vadd.f32 $-9.005413060e+01, v14;
	v2 =	vld [tilespmem:s23+$0x0]  }
0x4b: {  	v7 =	vmul.f32 $6.931471820e-01, v7;
	vm0 =	vmand vm7, vm0;
	v14 =	vmul.f32 $1.442695020e+00, v16  }
0x4c: {  	v25 =	vnsel vm0, $0x0, v4;
	v4 =	vnsel vm4, $0x0, v4;
	v24 =	vmul.f32 $1.442695020e+00, v22  }
0x4d: {  	v7 =	vadd.f32 v11, v7;
	(erf) = vpow2.f32 v14;
	v14 =	vsub.f32 v19, v23  }
0x4e: {  	v0 =	vadd.f32 v4, v0;
	v23 =	vmpcnt.ones.xlane vm0;
	v11 =	vld [tilespmem:s23+$0x4010];
	v19 =	vmul.f32 $1.442695020e+00, v17  }
0x4f: {  	v7 =	vsub.f32 v7, v15;
	v4 =	vmul.f32 $1.442695020e+00, v2;
	(erf) = vpow2.f32 v24  }
0x50: {  	v5 =	vadd.f32 v25, v5;
	v15 =	vnsel vm6, $0x0, v14;
	(erf) = vpow2.f32 v19  }
0x51: {  	v0 =	vadd.f32 v20, v0;
	v24 =	vnsel vm5, $0x0, v7;
	v7 =	vnsel vm3, $0x0, v7  }
0x52: {  	v14 =	vnsel vm8, $0x0, v14;
	v19 =	vmpcnt.ones.xlane vm3;
	(erf) = vpow2.f32 v4  }
0x53: {  	v6 =	vadd.s32 v6, v21;
	v5 =	vadd.f32 v3, v5;
	v4 =	vmul.f32 v11, v17  }
0x54: {  	v8 =	vadd.s32 v8, v23;
	v6 =	vadd.s32 v19, v6;
	vm0 =	vlt.f32 v11, $8.000000110e-01  }
0x55: {  	vm1 =	vgt.f32 v18, $0.0e+00;
	v3 =	vmul.f32 v18, v22;
	v8 =	vadd.s32 v13, v8  }
0x56: {  	v20 =	vmpcnt.ones.xlane vm4;
	vm3 =	vlt.f32 v18, $8.000000110e-01;
	v10 =	vadd.f32 v14, v10;
	v13 =	vpop (erf)  }
0x57: {  	vm1 =	vmand vm1, vm3;
	v17 =	vmpcnt.ones.xlane vm2;
	v13 =	vadd.f32 $1.000000000e+00, v13  }
0x58: {  	v12 =	vadd.f32 v15, v12;
	v9 =	vadd.s32 v9, v20;
	v10 =	vadd.f32 v7, v10;
	v19 =	vpop (erf)  }
0x59: {  	v9 =	vadd.s32 v17, v9;
	v7 =	vadd.s32 $0x400000, v13;
	v15 =	vadd.f32 $1.000000000e+00, v19;
	v14 =	vpop (erf)  }
0x5a: {  	v17 =	vadd.f32 $1.000000000e+00, v14;
	v20 =	vshra.s32 v7, $0x17;
	v7 =	vand.u32 $0xFF800000, v7  }
0x5b: {  	v13 =	vsub.s32 v13, v7;
	v7 =	vcvt.s32.f32 v20;
	v19 =	vadd.s32 $0x400000, v15;
	v14 =	vpop (erf)  }
0x5c: {  	v20 =	vadd.f32 $1.000000000e+00, v14;
	v14 =	vadd.s32 $0x3F800000, v13;
	v13 =	vand.u32 $0xFF800000, v19  }
0x5d: {  	v21 =	vadd.s32 $0x400000, v17;
	v19 =	vshra.s32 v19, $0x17;
	v13 =	vsub.s32 v15, v13  }
0x5e: {  	v22 =	vand.u32 $0xFF800000, v21;
	v15 =	vadd.s32 $0x400000, v20;
	v23 =	vadd.s32 $0x3F800000, v13  }
0x5f: {  	v19 =	vcvt.s32.f32 v19;
	v13 =	vand.u32 $0xFF800000, v15;
	v25 =	vmul.f32 $1.752788130e-01, v23  }
0x60: {  	v17 =	vsub.s32 v17, v22;
	v15 =	vshra.s32 v15, $0x17;
	v13 =	vsub.s32 v20, v13  }
0x61: {  	v20 =	vmul.f32 $6.931471820e-01, v19;
	v26 =	vadd.s32 $0x3F800000, v13;
	v13 =	vsub.f32 $1.044154640e+00, v25  }
0x62: {  	v21 =	vshra.s32 v21, $0x17;
	v19 =	vadd.s32 $0x3F800000, v17;
	v22 =	vmul.f32 $1.752788130e-01, v26;
	v25 =	vld [tilespmem:s23+$0x4020]  }
0x63: {  	v12 =	vadd.f32 v24, v12;
	v27 =	vmul.f32 $1.752788130e-01, v14;
	v13 =	vmul.f32 v23, v13  }
0x64: {  	v17 =	vcvt.s32.f32 v21;
	v28 =	vmul.f32 $1.752788130e-01, v19;
	v24 =	vsub.f32 $1.044154640e+00, v22  }
0x65: {  	v22 =	vcvt.s32.f32 v15;
	v15 =	vsub.f32 $1.044154640e+00, v27;
	v13 =	vadd.f32 $-2.587013010e+00, v13  }
0x66: {  	v21 =	vmul.f32 v26, v24;
	v24 =	vsub.f32 $1.044154640e+00, v28  }
0x67: {  	v15 =	vmul.f32 v14, v15;
	vm3 =	vge.f32 v25, $1.000000000e+00;
	v27 =	vmul.f32 v23, v13  }
0x68: {  	v13 =	vmpcnt.ones.xlane vm1;
	v21 =	vadd.f32 $-2.587013010e+00, v21;
	v24 =	vmul.f32 v19, v24  }
0x69: {  	v28 =	vadd.f32 $-2.587013010e+00, v15;
	v15 =	vmul.f32 v25, v16;
	v16 =	vadd.f32 $3.742640730e+00, v27  }
.Ltmp0:
0x6a: {  	vm2 =	vge.f32 v18, $1.000000000e+00;
	v27 =	vmul.f32 v26, v21;
	v24 =	vadd.f32 $-2.587013010e+00, v24;
	(pc) =	sbr.rel @p0 .LBB2_2-.Ltmp0, $4  }
0x6b: {  	vm4 =	vge.f32 v11, $1.000000000e+00;
	v18 =	vmul.f32 v14, v28;
	v21 =	vld [tilespmem:s23+$0x4000];
	v16 =	vmul.f32 v23, v16  }
0x6c: {  	vm5 =	vlt.f32 v25, $8.000000110e-01;
	v23 =	vadd.f32 $3.742640730e+00, v27;
	v27 =	vmul.f32 v19, v24  }
0x6d: {  	vm6 =	vgt.f32 v25, $0.0e+00;
	v18 =	vadd.f32 $3.742640730e+00, v18;
	v24 =	vadd.f32 $-9.005413060e+01, v16  }
0x6e: {  	s20 =	sadd.s32 $0x40, s20;
	s21 =	sadd.s32 $0x200, s21;
	s24 =	smov.u32 s22;
	vm5 =	vmand vm6, vm5;
	v23 =	vmul.f32 v26, v23;
	v16 =	vadd.f32 $3.742640730e+00, v27  }
0x6f: {  	_ =	swait.ge [sflag:s14], $0x4000  }
0x70: {  	[sflag:s14] =	ssyncset.done $0x0  }
0x71: {  	[sflag:s14] =	ssyncadd.s32 $0xFFFFC000  }
0x72: {  	_ =	swait.ge [sflag:s14], $0x4000  }
0x73: {  	[sflag:s14] =	ssyncset.done $0x0  }
0x74: {  	s20 =	simm.s32 $0x0;
	[sflag:s14] =	ssyncadd.s32 $0xFFFFC000  }
0x75: {  	[tilespmem:s20], [sflag:$0x1] =	stream.linear.gather [hbm4b:s7+s20], $0x4000, $0x38;
	[tilespmem:$0x10200] =	vst v63  }
0x76: {  	_ = 	snop  }
0x77: {  	[tilespmem:s13], [sflag:$0x1] =	stream.linear.gather [hbm4b:s8+s20], $0x4000, $0x38;
	[tilespmem:$0x10200] =	vst v63  }
0x78: {  	v22 =	vmul.f32 $6.931471820e-01, v22;
	vm7 =	vgt.f32 v11, $0.0e+00;
	s22 =	simm.s32 $0x0;
	s21 =	sand.u32 $0x40, s20;
	s20 =	sand.u32 $0x400, s20  }
0x79: {  	v11 =	vadd.f32 v24, v20;
	s23 =	simm.s32 $0x0;
	v17 =	vmul.f32 $6.931471820e-01, v17;
	v16 =	vmul.f32 v19, v16;
	s22 =	sand.u32 $0x3800, s22;
	s20 =	sor.u32 s21, s20  }
0x7a: {  	v14 =	vmul.f32 v14, v18;
	vm6 =	vgt.f32 v21, $0.0e+00;
	vm8 =	vlt.f32 v21, $8.000000110e-01;
	s31 =	sand.u32 $0x380, s23;
	s20 =	sor.u32 s22, s20  }
0x7b: {  	v19 =	vadd.f32 $-9.005413060e+01, v23;
	vm6 =	vmand vm6, vm8;
	v16 =	vadd.f32 $-9.005413060e+01, v16;
	s20 =	sor.u32 s31, s20  }
0x7c: {  	v2 =	vmul.f32 v21, v2;
	vm15 =	vge.f32 v21, $1.000000000e+00;
	v20 =	vmpcnt.ones.xlane vm6;
	v23 =	vld [tilespmem:s20+$0x8020]  }
0x7d: {  	v11 =	vsub.f32 v11, v3;
	v3 =	vmpcnt.ones.xlane vm5;
	v16 =	vadd.f32 v16, v17;
	v17 =	vld [tilespmem:s20+$0x8030]  }
0x7e: {  	vm0 =	vmand vm7, vm0;
	v19 =	vadd.f32 v19, v22;
	v1 =	vadd.s32 v1, v20;
	v20 =	vld [tilespmem:s20+$0x8010]  }
0x7f: {  	v18 =	vnsel vm2, $0x0, v11;
	v3 =	vadd.s32 v3, v1;
	v1 =	vmpcnt.ones.xlane vm15  }
0x80: {  	v4 =	vsub.f32 v16, v4;
	v16 =	vnsel vm1, $0x0, v11;
	v11 =	vmul.f32 $6.931471820e-01, v7;
	v7 =	vld [tilespmem:s20+$0x8000]  }
0x81: {  	v14 =	vadd.f32 $-9.005413060e+01, v14;
	v2 =	vsub.f32 v19, v2;
	v22 =	vmul.f32 $1.442695020e+00, v23  }
0x82: {  	v1 =	vadd.s32 v6, v1;
	v21 =	vnsel vm0, $0x0, v4;
	v24 =	vmul.f32 $1.442695020e+00, v17  }
0x83: {  	v4 =	vnsel vm4, $0x0, v4;
	v19 =	vmul.f32 $1.442695020e+00, v20;
	(erf) = vpow2.f32 v22  }
0x84: {  	v11 =	vadd.f32 v14, v11;
	v14 =	vmpcnt.ones.xlane vm0;
	(erf) = vpow2.f32 v24  }
0x85: {  	v0 =	vadd.f32 v4, v0;
	v22 =	vmul.f32 $1.442695020e+00, v7;
	(erf) = vpow2.f32 v19  }
0x86: {  	v4 =	vsub.f32 v11, v15;
	v15 =	vnsel vm6, $0x0, v2;
	v8 =	vadd.s32 v8, v14  }
0x87: {  	v14 =	vmpcnt.ones.xlane vm2;
	v12 =	vadd.f32 v15, v12;
	(erf) = vpow2.f32 v22  }
0x88: {  	v19 =	vadd.f32 v21, v5;
	v5 =	vadd.f32 v18, v0;
	v0 =	vnsel vm15, $0x0, v2  }
0x89: {  	v11 =	vld [tilespmem:s20+$0xC010];
	v2 =	vmpcnt.ones.xlane vm3;
	v0 =	vadd.f32 v0, v10;
	v10 =	vmpcnt.ones.xlane vm4  }
0x8a: {  	v21 =	vnsel vm5, $0x0, v4;
	v4 =	vnsel vm3, $0x0, v4;
	v6 =	vadd.f32 v16, v19;
	v16 =	vld [tilespmem:s20+$0xC030]  }
0x8b: {  	v1 =	vadd.s32 v2, v1;
	v2 =	vadd.s32 v13, v8;
	v8 =	vadd.s32 v9, v10  }
0x8c: {  	v4 =	vadd.f32 v4, v0;
	v0 =	vadd.s32 v14, v8;
	v8 =	vadd.f32 v21, v12;
	v12 =	vpop (erf)  }
0x8d: {  	v12 =	vadd.f32 $1.000000000e+00, v12;
	v13 =	vpop (erf)  }
0x8e: {  	vm0 =	vlt.f32 v11, $8.000000110e-01;
	v9 =	vmul.f32 v11, v20;
	v13 =	vadd.f32 $1.000000000e+00, v13;
	v14 =	vpop (erf)  }
0x8f: {  	v10 =	vmul.f32 v16, v17;
	v15 =	vadd.s32 $0x400000, v12;
	v17 =	vadd.f32 $1.000000000e+00, v14  }
0x90: {  	v19 =	vpop (erf);
	v14 =	vshra.s32 v15, $0x17;
	v15 =	vand.u32 $0xFF800000, v15;
	v18 =	vadd.s32 $0x400000, v13  }
0x91: {  	v19 =	vadd.f32 $1.000000000e+00, v19;
	v15 =	vsub.s32 v12, v15;
	v20 =	vand.u32 $0xFF800000, v18  }
0x92: {  	v12 =	vcvt.s32.f32 v14;
	v14 =	vadd.s32 $0x3F800000, v15;
	v13 =	vsub.s32 v13, v20  }
0x93: {  	v15 =	vadd.s32 $0x400000, v17;
	v20 =	vadd.s32 $0x400000, v19;
	v21 =	vadd.s32 $0x3F800000, v13  }
0x94: {  	v13 =	vshra.s32 v18, $0x17;
	v18 =	vand.u32 $0xFF800000, v20;
	v22 =	vmul.f32 $1.752788130e-01, v21  }
0x95: {  	v24 =	vand.u32 $0xFF800000, v15;
	v13 =	vcvt.s32.f32 v13;
	v18 =	vsub.s32 v19, v18  }
0x96: {  	v25 =	vshra.s32 v20, $0x17;
	v26 =	vadd.s32 $0x3F800000, v18;
	v18 =	vsub.f32 $1.044154640e+00, v22  }
0x97: {  	v17 =	vsub.s32 v17, v24;
	v20 =	vmul.f32 $6.931471820e-01, v13;
	v13 =	vmul.f32 $1.752788130e-01, v26  }
0x98: {  	v19 =	vadd.s32 $0x3F800000, v17;
	v17 =	vmul.f32 $1.752788130e-01, v14;
	v22 =	vmul.f32 v21, v18  }
0x99: {  	v15 =	vshra.s32 v15, $0x17;
	v27 =	vmul.f32 $1.752788130e-01, v19;
	v13 =	vsub.f32 $1.044154640e+00, v13  }
0x9a: {  	v24 =	vld [tilespmem:s20+$0xC020];
	v18 =	vcvt.s32.f32 v15;
	v15 =	vsub.f32 $1.044154640e+00, v17;
	v17 =	vadd.f32 $-2.587013010e+00, v22  }
0x9b: {  	vm1 =	vgt.f32 v16, $0.0e+00;
	vm2 =	vlt.f32 v16, $8.000000110e-01;
	v22 =	vcvt.s32.f32 v25  }
0x9c: {  	v13 =	vmul.f32 v26, v13;
	v25 =	vsub.f32 $1.044154640e+00, v27;
	v17 =	vmul.f32 v21, v17  }
0x9d: {  	vm1 =	vmand vm1, vm2;
	vm2 =	vge.f32 v16, $1.000000000e+00;
	v15 =	vmul.f32 v14, v15  }
0x9e: {  	v27 =	vadd.f32 $-2.587013010e+00, v13;
	v25 =	vmul.f32 v19, v25;
	v17 =	vadd.f32 $3.742640730e+00, v17  }
0x9f: {  	vm3 =	vge.f32 v24, $1.000000000e+00;
	v28 =	vadd.f32 $-2.587013010e+00, v15;
	v15 =	vmul.f32 v24, v23  }
0xa0: {  	v23 =	vmul.f32 v26, v27;
	v25 =	vadd.f32 $-2.587013010e+00, v25;
	v21 =	vmul.f32 v21, v17  }
0xa1: {  	vm5 =	vlt.f32 v24, $8.000000110e-01;
	vm6 =	vgt.f32 v24, $0.0e+00;
	v16 =	vmul.f32 v14, v28  }
0xa2: {  	v23 =	vadd.f32 $3.742640730e+00, v23;
	v25 =	vmul.f32 v19, v25;
	v24 =	vadd.f32 $-9.005413060e+01, v21;
	v21 =	vld [tilespmem:s20+$0xC000]  }
0xa3: {  	vm4 =	vge.f32 v11, $1.000000000e+00;
	vm5 =	vmand vm6, vm5;
	v13 =	vmpcnt.ones.xlane vm1  }
0xa4: {  	s24 =	simm.s32 $0x1;
	s21 =	simm.s32 $0x200;
	v17 =	vadd.f32 $3.742640730e+00, v16;
	v23 =	vmul.f32 v26, v23;
	v16 =	vadd.f32 $3.742640730e+00, v25;
	s20 =	simm.s32 $0x40  }
.LBB2_4:
0xa5: {  	s22 =	sand.u32 $0x40, s20  }
0xa6: {  	s23 =	sshll.u32 s24, $0x6;
	s25 =	sand.u32 $0x400, s21;
	v22 =	vmul.f32 $6.931471820e-01, v22;
	vm7 =	vgt.f32 v11, $0.0e+00;
	v11 =	vadd.f32 v24, v20;
	s26 =	smov.u32 s24  }
0xa7: {  	s23 =	sand.u32 $0x3800, s23;
	s26 =	sshll.u32 s24, $0x5;
	s22 =	sor.u32 s22, s25;
	v20 =	vadd.f32 $-9.005413060e+01, v23;
	vm6 =	vgt.f32 v21, $0.0e+00;
	vm8 =	vlt.f32 v21, $8.000000110e-01  }
0xa8: {  	v23 =	vmul.f32 v21, v7;
	v7 =	vmul.f32 v19, v16;
	s25 =	sand.u32 $0x380, s26;
	s23 =	sor.u32 s23, s22;
	s22 =	sadd.s32 $0x1, s24;
	vm6 =	vmand vm6, vm8  }
0xa9: {  	p0 =	sne.s32 s24, $0xFF;
	v10 =	vsub.f32 v11, v10;
	s23 =	sor.u32 s25, s23;
	v19 =	vadd.f32 v20, v22;
	v20 =	vmpcnt.ones.xlane vm6  }
0xaa: {  	v11 =	vmul.f32 $6.931471820e-01, v18;
	v18 =	vmpcnt.ones.xlane vm5;
	v7 =	vadd.f32 $-9.005413060e+01, v7;
	v16 =	vld [tilespmem:s23+$0x8020]  }
0xab: {  	v14 =	vmul.f32 v14, v17;
	v22 =	vld [tilespmem:s23+$0x8030];
	v3 =	vadd.s32 v3, v20;
	v20 =	vnsel vm2, $0x0, v10  }
0xac: {  	vm8 =	vge.f32 v21, $1.000000000e+00;
	v11 =	vadd.f32 v7, v11;
	v17 =	vld [tilespmem:s23+$0xC030];
	v3 =	vadd.s32 v18, v3  }
0xad: {  	v21 =	vmpcnt.ones.xlane vm8;
	v18 =	vld [tilespmem:s23+$0x8010]  }
0xae: {  	v10 =	vnsel vm1, $0x0, v10;
	v9 =	vsub.f32 v11, v9;
	v11 =	vadd.f32 $-9.005413060e+01, v14;
	v7 =	vld [tilespmem:s23+$0x8000]  }
0xaf: {  	v12 =	vmul.f32 $6.931471820e-01, v12;
	vm0 =	vmand vm7, vm0;
	v14 =	vmul.f32 $1.442695020e+00, v16  }
0xb0: {  	v25 =	vnsel vm0, $0x0, v9;
	v9 =	vnsel vm4, $0x0, v9;
	v24 =	vmul.f32 $1.442695020e+00, v22  }
0xb1: {  	v12 =	vadd.f32 v11, v12;
	(erf) = vpow2.f32 v14;
	v14 =	vsub.f32 v19, v23  }
0xb2: {  	v5 =	vadd.f32 v9, v5;
	v23 =	vmpcnt.ones.xlane vm0;
	v11 =	vld [tilespmem:s23+$0xC010];
	v19 =	vmul.f32 $1.442695020e+00, v18  }
0xb3: {  	v12 =	vsub.f32 v12, v15;
	v9 =	vmul.f32 $1.442695020e+00, v7;
	(erf) = vpow2.f32 v24  }
0xb4: {  	v6 =	vadd.f32 v25, v6;
	v15 =	vnsel vm6, $0x0, v14;
	(erf) = vpow2.f32 v19  }
0xb5: {  	v5 =	vadd.f32 v20, v5;
	v24 =	vnsel vm5, $0x0, v12;
	v12 =	vnsel vm3, $0x0, v12  }
0xb6: {  	v14 =	vnsel vm8, $0x0, v14;
	v19 =	vmpcnt.ones.xlane vm3;
	(erf) = vpow2.f32 v9  }
0xb7: {  	v1 =	vadd.s32 v1, v21;
	v6 =	vadd.f32 v10, v6;
	v9 =	vmul.f32 v11, v18  }
0xb8: {  	v2 =	vadd.s32 v2, v23;
	v1 =	vadd.s32 v19, v1;
	vm0 =	vlt.f32 v11, $8.000000110e-01  }
0xb9: {  	vm1 =	vgt.f32 v17, $0.0e+00;
	v10 =	vmul.f32 v17, v22;
	v2 =	vadd.s32 v13, v2  }
0xba: {  	v20 =	vmpcnt.ones.xlane vm4;
	vm3 =	vlt.f32 v17, $8.000000110e-01;
	v4 =	vadd.f32 v14, v4;
	v13 =	vpop (erf)  }
0xbb: {  	vm1 =	vmand vm1, vm3;
	v18 =	vmpcnt.ones.xlane vm2;
	v13 =	vadd.f32 $1.000000000e+00, v13  }
0xbc: {  	v8 =	vadd.f32 v15, v8;
	v0 =	vadd.s32 v0, v20;
	v4 =	vadd.f32 v12, v4;
	v19 =	vpop (erf)  }
0xbd: {  	v0 =	vadd.s32 v18, v0;
	v12 =	vadd.s32 $0x400000, v13;
	v15 =	vadd.f32 $1.000000000e+00, v19;
	v14 =	vpop (erf)  }
0xbe: {  	v18 =	vadd.f32 $1.000000000e+00, v14;
	v20 =	vshra.s32 v12, $0x17;
	v12 =	vand.u32 $0xFF800000, v12  }
0xbf: {  	v13 =	vsub.s32 v13, v12;
	v12 =	vcvt.s32.f32 v20;
	v19 =	vadd.s32 $0x400000, v15;
	v14 =	vpop (erf)  }
0xc0: {  	v20 =	vadd.f32 $1.000000000e+00, v14;
	v14 =	vadd.s32 $0x3F800000, v13;
	v13 =	vand.u32 $0xFF800000, v19  }
0xc1: {  	v21 =	vadd.s32 $0x400000, v18;
	v19 =	vshra.s32 v19, $0x17;
	v13 =	vsub.s32 v15, v13  }
0xc2: {  	v22 =	vand.u32 $0xFF800000, v21;
	v15 =	vadd.s32 $0x400000, v20;
	v23 =	vadd.s32 $0x3F800000, v13  }
0xc3: {  	v19 =	vcvt.s32.f32 v19;
	v13 =	vand.u32 $0xFF800000, v15;
	v25 =	vmul.f32 $1.752788130e-01, v23  }
0xc4: {  	v18 =	vsub.s32 v18, v22;
	v15 =	vshra.s32 v15, $0x17;
	v13 =	vsub.s32 v20, v13  }
0xc5: {  	v20 =	vmul.f32 $6.931471820e-01, v19;
	v26 =	vadd.s32 $0x3F800000, v13;
	v13 =	vsub.f32 $1.044154640e+00, v25  }
0xc6: {  	v21 =	vshra.s32 v21, $0x17;
	v19 =	vadd.s32 $0x3F800000, v18;
	v22 =	vmul.f32 $1.752788130e-01, v26;
	v25 =	vld [tilespmem:s23+$0xC020]  }
0xc7: {  	v8 =	vadd.f32 v24, v8;
	v27 =	vmul.f32 $1.752788130e-01, v14;
	v13 =	vmul.f32 v23, v13  }
0xc8: {  	v18 =	vcvt.s32.f32 v21;
	v28 =	vmul.f32 $1.752788130e-01, v19;
	v24 =	vsub.f32 $1.044154640e+00, v22  }
0xc9: {  	v22 =	vcvt.s32.f32 v15;
	v15 =	vsub.f32 $1.044154640e+00, v27;
	v13 =	vadd.f32 $-2.587013010e+00, v13  }
0xca: {  	v21 =	vmul.f32 v26, v24;
	v24 =	vsub.f32 $1.044154640e+00, v28  }
0xcb: {  	v15 =	vmul.f32 v14, v15;
	vm3 =	vge.f32 v25, $1.000000000e+00;
	v27 =	vmul.f32 v23, v13  }
0xcc: {  	v13 =	vmpcnt.ones.xlane vm1;
	v21 =	vadd.f32 $-2.587013010e+00, v21;
	v24 =	vmul.f32 v19, v24  }
0xcd: {  	v28 =	vadd.f32 $-2.587013010e+00, v15;
	v15 =	vmul.f32 v25, v16;
	v16 =	vadd.f32 $3.742640730e+00, v27  }
.Ltmp1:
0xce: {  	vm2 =	vge.f32 v17, $1.000000000e+00;
	v27 =	vmul.f32 v26, v21;
	v24 =	vadd.f32 $-2.587013010e+00, v24;
	(pc) =	sbr.rel @p0 .LBB2_4-.Ltmp1, $4  }
0xcf: {  	vm4 =	vge.f32 v11, $1.000000000e+00;
	v17 =	vmul.f32 v14, v28;
	v21 =	vld [tilespmem:s23+$0xC000];
	v16 =	vmul.f32 v23, v16  }
0xd0: {  	vm5 =	vlt.f32 v25, $8.000000110e-01;
	v23 =	vadd.f32 $3.742640730e+00, v27;
	v27 =	vmul.f32 v19, v24  }
0xd1: {  	vm6 =	vgt.f32 v25, $0.0e+00;
	v17 =	vadd.f32 $3.742640730e+00, v17;
	v24 =	vadd.f32 $-9.005413060e+01, v16  }
0xd2: {  	s20 =	sadd.s32 $0x40, s20;
	s21 =	sadd.s32 $0x200, s21;
	s24 =	smov.u32 s22;
	vm5 =	vmand vm6, vm5;
	v23 =	vmul.f32 v26, v23;
	v16 =	vadd.f32 $3.742640730e+00, v27  }
0xd3: {  	_ =	swait.ge [sflag:s14], $0x4000  }
0xd4: {  	[sflag:s14] =	ssyncset.done $0x0  }
0xd5: {  	[sflag:s14] =	ssyncadd.s32 $0xFFFFC000  }
0xd6: {  	_ =	swait.ge [sflag:s14], $0x4000  }
0xd7: {  	[sflag:s14] =	ssyncset.done $0x0  }
0xd8: {  	s20 =	simm.s32 $0x0;
	[sflag:s14] =	ssyncadd.s32 $0xFFFFC000  }
0xd9: {  	[tilespmem:s15], [sflag:$0x1] =	stream.linear.gather [hbm4b:s9+s20], $0x4000, $0x38;
	[tilespmem:$0x10200] =	vst v63  }
0xda: {  	_ = 	snop  }
0xdb: {  	[tilespmem:s16], [sflag:$0x1] =	stream.linear.gather [hbm4b:s10+s20], $0x4000, $0x38;
	[tilespmem:$0x10200] =	vst v63  }
0xdc: {  	s22 =	simm.s32 $0x0;
	s21 =	sand.u32 $0x40, s20;
	s20 =	sand.u32 $0x400, s20  }
0xdd: {  	vm7 =	vgt.f32 v11, $0.0e+00;
	s23 =	simm.s32 $0x0;
	vm6 =	vgt.f32 v21, $0.0e+00;
	vm8 =	vlt.f32 v21, $8.000000110e-01;
	s22 =	sand.u32 $0x3800, s22;
	s20 =	sor.u32 s21, s20  }
0xde: {  	v11 =	vadd.f32 v24, v20;
	v16 =	vmul.f32 v19, v16;
	s31 =	sand.u32 $0x380, s23;
	vm6 =	vmand vm6, vm8;
	s20 =	sor.u32 s22, s20  }
0xdf: {  	v18 =	vmul.f32 $6.931471820e-01, v18;
	v19 =	vadd.f32 $-9.005413060e+01, v23;
	v20 =	vmpcnt.ones.xlane vm6;
	s20 =	sor.u32 s31, s20  }
0xe0: {  	v10 =	vsub.f32 v11, v10;
	v11 =	vmpcnt.ones.xlane vm5;
	v16 =	vadd.f32 $-9.005413060e+01, v16;
	v23 =	vld [tilespmem:s20+$0x20]  }
0xe1: {  	v22 =	vmul.f32 $6.931471820e-01, v22;
	v14 =	vmul.f32 v14, v17;
	v3 =	vadd.s32 v3, v20;
	v17 =	vld [tilespmem:s20+$0x30]  }
0xe2: {  	v7 =	vmul.f32 v21, v7;
	v16 =	vadd.f32 v16, v18;
	v3 =	vadd.s32 v11, v3;
	v11 =	vld [tilespmem:s20+$0x10]  }
0xe3: {  	vm15 =	vge.f32 v21, $1.000000000e+00;
	vm0 =	vmand vm7, vm0;
	v14 =	vadd.f32 $-9.005413060e+01, v14  }
0xe4: {  	v19 =	vadd.f32 v19, v22;
	v21 =	vnsel vm1, $0x0, v10;
	v16 =	vsub.f32 v16, v9;
	v9 =	vld [tilespmem:s20+$0x0]  }
0xe5: {  	v18 =	vnsel vm2, $0x0, v10;
	v10 =	vmul.f32 $6.931471820e-01, v12;
	v22 =	vmul.f32 $1.442695020e+00, v23  }
0xe6: {  	v20 =	vmpcnt.ones.xlane vm15;
	v7 =	vsub.f32 v19, v7;
	v24 =	vmul.f32 $1.442695020e+00, v17  }
0xe7: {  	v10 =	vadd.f32 v14, v10;
	v19 =	vmul.f32 $1.442695020e+00, v11;
	(erf) = vpow2.f32 v22  }
0xe8: {  	v12 =	vnsel vm0, $0x0, v16;
	v16 =	vnsel vm4, $0x0, v16;
	(erf) = vpow2.f32 v24  }
0xe9: {  	v5 =	vadd.f32 v16, v5;
	v16 =	vmul.f32 $1.442695020e+00, v9;
	(erf) = vpow2.f32 v19  }
0xea: {  	v14 =	vmpcnt.ones.xlane vm0;
	v10 =	vsub.f32 v10, v15;
	v6 =	vadd.f32 v12, v6  }
0xeb: {  	v15 =	vnsel vm6, $0x0, v7;
	v7 =	vnsel vm15, $0x0, v7;
	(erf) = vpow2.f32 v16  }
0xec: {  	v1 =	vadd.s32 v1, v20;
	v4 =	vadd.f32 v7, v4;
	v6 =	vadd.f32 v21, v6;
	v21 =	vld [tilespmem:s20+$0x4030]  }
0xed: {  	v7 =	vmpcnt.ones.xlane vm4;
	v12 =	vnsel vm5, $0x0, v10;
	v19 =	vnsel vm3, $0x0, v10;
	v10 =	vld [tilespmem:s20+$0x4010]  }
0xee: {  	v2 =	vadd.s32 v2, v14;
	v14 =	vmpcnt.ones.xlane vm2;
	v8 =	vadd.f32 v15, v8  }
0xef: {  	v2 =	vadd.s32 v13, v2;
	v5 =	vadd.f32 v18, v5;
	v0 =	vadd.s32 v0, v7  }
0xf0: {  	v7 =	vadd.f32 v12, v8;
	v0 =	vadd.s32 v14, v0;
	v16 =	vmpcnt.ones.xlane vm3;
	v12 =	vpop (erf)  }
0xf1: {  	vm1 =	vgt.f32 v21, $0.0e+00;
	v4 =	vadd.f32 v19, v4;
	v12 =	vadd.f32 $1.000000000e+00, v12;
	v13 =	vpop (erf)  }
0xf2: {  	v1 =	vadd.s32 v16, v1;
	v8 =	vmul.f32 v10, v11;
	v13 =	vadd.f32 $1.000000000e+00, v13;
	v14 =	vpop (erf)  }
0xf3: {  	v11 =	vmul.f32 v21, v17;
	v15 =	vadd.s32 $0x400000, v12;
	v16 =	vadd.f32 $1.000000000e+00, v14  }
0xf4: {  	v18 =	vpop (erf);
	v14 =	vshra.s32 v15, $0x17;
	v15 =	vand.u32 $0xFF800000, v15;
	v17 =	vadd.s32 $0x400000, v13  }
0xf5: {  	v18 =	vadd.f32 $1.000000000e+00, v18;
	v15 =	vsub.s32 v12, v15;
	v19 =	vand.u32 $0xFF800000, v17  }
0xf6: {  	v12 =	vcvt.s32.f32 v14;
	v14 =	vadd.s32 $0x3F800000, v15;
	v13 =	vsub.s32 v13, v19  }
0xf7: {  	v15 =	vadd.s32 $0x400000, v16;
	v19 =	vadd.s32 $0x400000, v18;
	v24 =	vadd.s32 $0x3F800000, v13  }
0xf8: {  	v13 =	vshra.s32 v17, $0x17;
	v17 =	vand.u32 $0xFF800000, v19;
	v22 =	vand.u32 $0xFF800000, v15  }
0xf9: {  	v25 =	vshra.s32 v19, $0x17;
	v20 =	vmul.f32 $1.752788130e-01, v24;
	v17 =	vsub.s32 v18, v17  }
0xfa: {  	v27 =	vld [tilespmem:s20+$0x4020];
	v13 =	vcvt.s32.f32 v13;
	v16 =	vsub.s32 v16, v22;
	v26 =	vadd.s32 $0x3F800000, v17  }
0xfb: {  	v19 =	vadd.s32 $0x3F800000, v16;
	v16 =	vmul.f32 $1.752788130e-01, v14;
	v17 =	vsub.f32 $1.044154640e+00, v20  }
0xfc: {  	v15 =	vshra.s32 v15, $0x17;
	v20 =	vmul.f32 $6.931471820e-01, v13;
	v13 =	vmul.f32 $1.752788130e-01, v26  }
0xfd: {  	vm2 =	vlt.f32 v21, $8.000000110e-01;
	v18 =	vcvt.s32.f32 v15;
	v17 =	vmul.f32 v24, v17  }
0xfe: {  	v28 =	vmul.f32 $1.752788130e-01, v19;
	v15 =	vsub.f32 $1.044154640e+00, v16;
	v13 =	vsub.f32 $1.044154640e+00, v13  }
0xff: {  	vm5 =	vlt.f32 v27, $8.000000110e-01;
	vm6 =	vgt.f32 v27, $0.0e+00;
	v16 =	vadd.f32 $-2.587013010e+00, v17  }
0x100: {  	v15 =	vmul.f32 v14, v15;
	v13 =	vmul.f32 v26, v13;
	v17 =	vsub.f32 $1.044154640e+00, v28  }
0x101: {  	vm1 =	vmand vm1, vm2;
	v22 =	vcvt.s32.f32 v25;
	v16 =	vmul.f32 v24, v16  }
0x102: {  	v63 =	vadd.f32 $-2.587013010e+00, v15;
	v25 =	vadd.f32 $-2.587013010e+00, v13;
	v17 =	vmul.f32 v19, v17  }
0x103: {  	vm2 =	vge.f32 v21, $1.000000000e+00;
	v15 =	vmul.f32 v27, v23;
	v16 =	vadd.f32 $3.742640730e+00, v16  }
0x104: {  	v21 =	vmul.f32 v14, v63;
	v23 =	vmul.f32 v26, v25;
	v17 =	vadd.f32 $-2.587013010e+00, v17  }
0x105: {  	vm5 =	vmand vm6, vm5;
	vm3 =	vge.f32 v27, $1.000000000e+00;
	v16 =	vmul.f32 v24, v16  }
0x106: {  	v23 =	vadd.f32 $3.742640730e+00, v23;
	v25 =	vmul.f32 v19, v17;
	v17 =	vadd.f32 $3.742640730e+00, v21;
	v21 =	vld [tilespmem:s20+$0x4000]  }
0x107: {  	vm0 =	vlt.f32 v10, $8.000000110e-01;
	vm4 =	vge.f32 v10, $1.000000000e+00;
	v13 =	vmpcnt.ones.xlane vm1  }
0x108: {  	s24 =	simm.s32 $0x1;
	s21 =	simm.s32 $0x200;
	s20 =	simm.s32 $0x40;
	v24 =	vadd.f32 $-9.005413060e+01, v16;
	v23 =	vmul.f32 v26, v23;
	v16 =	vadd.f32 $3.742640730e+00, v25  }
.LBB2_6:
0x109: {  	s22 =	sand.u32 $0x40, s20  }
0x10a: {  	s23 =	sshll.u32 s24, $0x6;
	s25 =	sand.u32 $0x400, s21;
	v22 =	vmul.f32 $6.931471820e-01, v22;
	vm7 =	vgt.f32 v10, $0.0e+00;
	v10 =	vadd.f32 v24, v20;
	s26 =	smov.u32 s24  }
0x10b: {  	s23 =	sand.u32 $0x3800, s23;
	s26 =	sshll.u32 s24, $0x5;
	s22 =	sor.u32 s22, s25;
	v20 =	vadd.f32 $-9.005413060e+01, v23;
	vm6 =	vgt.f32 v21, $0.0e+00;
	vm8 =	vlt.f32 v21, $8.000000110e-01  }
0x10c: {  	v23 =	vmul.f32 v21, v9;
	v9 =	vmul.f32 v19, v16;
	s25 =	sand.u32 $0x380, s26;
	s23 =	sor.u32 s23, s22;
	s22 =	sadd.s32 $0x1, s24;
	vm6 =	vmand vm6, vm8  }
0x10d: {  	p0 =	sne.s32 s24, $0xFF;
	v10 =	vsub.f32 v10, v11;
	s23 =	sor.u32 s25, s23;
	v19 =	vadd.f32 v20, v22;
	v20 =	vmpcnt.ones.xlane vm6  }
0x10e: {  	v11 =	vmul.f32 $6.931471820e-01, v18;
	v18 =	vmpcnt.ones.xlane vm5;
	v9 =	vadd.f32 $-9.005413060e+01, v9;
	v16 =	vld [tilespmem:s23+$0x20]  }
0x10f: {  	v14 =	vmul.f32 v14, v17;
	v22 =	vld [tilespmem:s23+$0x30];
	v3 =	vadd.s32 v3, v20;
	v20 =	vnsel vm2, $0x0, v10  }
0x110: {  	vm8 =	vge.f32 v21, $1.000000000e+00;
	v11 =	vadd.f32 v9, v11;
	v17 =	vld [tilespmem:s23+$0x4030];
	v3 =	vadd.s32 v18, v3  }
0x111: {  	v21 =	vmpcnt.ones.xlane vm8;
	v18 =	vld [tilespmem:s23+$0x10]  }
0x112: {  	v8 =	vsub.f32 v11, v8;
	v11 =	vadd.f32 $-9.005413060e+01, v14;
	v14 =	vnsel vm1, $0x0, v10;
	v9 =	vld [tilespmem:s23+$0x0]  }
0x113: {  	v12 =	vmul.f32 $6.931471820e-01, v12;
	vm0 =	vmand vm7, vm0;
	v10 =	vmul.f32 $1.442695020e+00, v16  }
0x114: {  	v25 =	vnsel vm0, $0x0, v8;
	v8 =	vnsel vm4, $0x0, v8;
	v24 =	vmul.f32 $1.442695020e+00, v22  }
0x115: {  	v19 =	vsub.f32 v19, v23;
	v11 =	vadd.f32 v11, v12;
	(erf) = vpow2.f32 v10  }
0x116: {  	v23 =	vmpcnt.ones.xlane vm0;
	v5 =	vadd.f32 v8, v5;
	v10 =	vld [tilespmem:s23+$0x4010];
	v12 =	vmul.f32 $1.442695020e+00, v18  }
0x117: {  	v11 =	vsub.f32 v11, v15;
	v8 =	vmul.f32 $1.442695020e+00, v9;
	(erf) = vpow2.f32 v24  }
0x118: {  	v6 =	vadd.f32 v25, v6;
	(erf) = vpow2.f32 v12;
	v12 =	vnsel vm6, $0x0, v19  }
0x119: {  	v5 =	vadd.f32 v20, v5;
	v15 =	vnsel vm5, $0x0, v11;
	v24 =	vnsel vm3, $0x0, v11  }
0x11a: {  	v11 =	vmpcnt.ones.xlane vm3;
	v19 =	vnsel vm8, $0x0, v19;
	(erf) = vpow2.f32 v8  }
0x11b: {  	v1 =	vadd.s32 v1, v21;
	v6 =	vadd.f32 v14, v6;
	v8 =	vmul.f32 v10, v18  }
0x11c: {  	v2 =	vadd.s32 v2, v23;
	v1 =	vadd.s32 v11, v1;
	vm0 =	vlt.f32 v10, $8.000000110e-01  }
0x11d: {  	v2 =	vadd.s32 v13, v2;
	vm1 =	vgt.f32 v17, $0.0e+00;
	v11 =	vmul.f32 v17, v22  }
0x11e: {  	v20 =	vmpcnt.ones.xlane vm4;
	vm3 =	vlt.f32 v17, $8.000000110e-01;
	v4 =	vadd.f32 v19, v4;
	v13 =	vpop (erf)  }
0x11f: {  	vm1 =	vmand vm1, vm3;
	v18 =	vmpcnt.ones.xlane vm2;
	v13 =	vadd.f32 $1.000000000e+00, v13  }
0x120: {  	v0 =	vadd.s32 v0, v20;
	v7 =	vadd.f32 v12, v7;
	v4 =	vadd.f32 v24, v4;
	v19 =	vpop (erf)  }
0x121: {  	v0 =	vadd.s32 v18, v0;
	v12 =	vadd.s32 $0x400000, v13;
	v19 =	vadd.f32 $1.000000000e+00, v19;
	v14 =	vpop (erf)  }
0x122: {  	v18 =	vadd.f32 $1.000000000e+00, v14;
	v21 =	vshra.s32 v12, $0x17;
	v12 =	vand.u32 $0xFF800000, v12  }
0x123: {  	v13 =	vsub.s32 v13, v12;
	v12 =	vcvt.s32.f32 v21;
	v20 =	vadd.s32 $0x400000, v19;
	v14 =	vpop (erf)  }
0x124: {  	v21 =	vadd.f32 $1.000000000e+00, v14;
	v14 =	vadd.s32 $0x3F800000, v13;
	v13 =	vand.u32 $0xFF800000, v20  }
0x125: {  	v22 =	vadd.s32 $0x400000, v18;
	v20 =	vshra.s32 v20, $0x17;
	v13 =	vsub.s32 v19, v13  }
0x126: {  	v23 =	vand.u32 $0xFF800000, v22;
	v19 =	vadd.s32 $0x400000, v21;
	v24 =	vadd.s32 $0x3F800000, v13  }
0x127: {  	v20 =	vcvt.s32.f32 v20;
	v13 =	vand.u32 $0xFF800000, v19;
	v25 =	vmul.f32 $1.752788130e-01, v24  }
0x128: {  	v18 =	vsub.s32 v18, v23;
	v26 =	vshra.s32 v19, $0x17;
	v13 =	vsub.s32 v21, v13  }
0x129: {  	v20 =	vmul.f32 $6.931471820e-01, v20;
	v23 =	vadd.s32 $0x3F800000, v13;
	v13 =	vsub.f32 $1.044154640e+00, v25  }
0x12a: {  	v22 =	vshra.s32 v22, $0x17;
	v19 =	vadd.s32 $0x3F800000, v18;
	v21 =	vmul.f32 $1.752788130e-01, v23;
	v25 =	vld [tilespmem:s23+$0x4020]  }
0x12b: {  	v7 =	vadd.f32 v15, v7;
	v27 =	vmul.f32 $1.752788130e-01, v14;
	v13 =	vmul.f32 v24, v13  }
0x12c: {  	v18 =	vcvt.s32.f32 v22;
	v15 =	vsub.f32 $1.044154640e+00, v21;
	v21 =	vmul.f32 $1.752788130e-01, v19  }
0x12d: {  	v22 =	vcvt.s32.f32 v26;
	v26 =	vsub.f32 $1.044154640e+00, v27;
	v13 =	vadd.f32 $-2.587013010e+00, v13  }
0x12e: {  	v15 =	vmul.f32 v23, v15;
	v21 =	vsub.f32 $1.044154640e+00, v21  }
0x12f: {  	v26 =	vmul.f32 v14, v26;
	vm3 =	vge.f32 v25, $1.000000000e+00;
	v27 =	vmul.f32 v24, v13  }
0x130: {  	v13 =	vmpcnt.ones.xlane vm1;
	v28 =	vadd.f32 $-2.587013010e+00, v15;
	v21 =	vmul.f32 v19, v21  }
0x131: {  	v26 =	vadd.f32 $-2.587013010e+00, v26;
	v15 =	vmul.f32 v25, v16;
	v16 =	vadd.f32 $3.742640730e+00, v27  }
.Ltmp2:
0x132: {  	vm2 =	vge.f32 v17, $1.000000000e+00;
	v27 =	vmul.f32 v23, v28;
	v28 =	vadd.f32 $-2.587013010e+00, v21;
	(pc) =	sbr.rel @p0 .LBB2_6-.Ltmp2, $4  }
0x133: {  	vm4 =	vge.f32 v10, $1.000000000e+00;
	v17 =	vmul.f32 v14, v26;
	v21 =	vld [tilespmem:s23+$0x4000];
	v16 =	vmul.f32 v24, v16  }
0x134: {  	vm5 =	vlt.f32 v25, $8.000000110e-01;
	v26 =	vadd.f32 $3.742640730e+00, v27;
	v27 =	vmul.f32 v19, v28  }
0x135: {  	vm6 =	vgt.f32 v25, $0.0e+00;
	v17 =	vadd.f32 $3.742640730e+00, v17;
	v24 =	vadd.f32 $-9.005413060e+01, v16  }
0x136: {  	s20 =	sadd.s32 $0x40, s20;
	s21 =	sadd.s32 $0x200, s21;
	s24 =	smov.u32 s22;
	vm5 =	vmand vm6, vm5;
	v23 =	vmul.f32 v23, v26;
	v16 =	vadd.f32 $3.742640730e+00, v27  }
0x137: {  	_ =	swait.ge [sflag:s14], $0x4000;
	s20 =	simm.s32 $0x0  }
0x138: {  	s22 =	simm.s32 $0x0;
	s23 =	simm.s32 $0x0;
	[sflag:s14] =	ssyncset.done $0x0  }
0x139: {  	s21 =	sand.u32 $0x40, s20;
	s20 =	sand.u32 $0x400, s20;
	[sflag:s14] =	ssyncadd.s32 $0xFFFFC000  }
0x13a: {  	v22 =	vmul.f32 $6.931471820e-01, v22;
	vm7 =	vgt.f32 v10, $0.0e+00;
	v10 =	vadd.f32 v24, v20;
	s22 =	sand.u32 $0x3800, s22;
	s20 =	sor.u32 s21, s20;
	_ =	swait.ge [sflag:s14], $0x4000  }
0x13b: {  	vm6 =	vgt.f32 v21, $0.0e+00;
	vm8 =	vlt.f32 v21, $8.000000110e-01;
	v16 =	vmul.f32 v19, v16;
	s31 =	sand.u32 $0x380, s23;
	s20 =	sor.u32 s22, s20;
	[sflag:s14] =	ssyncset.done $0x0  }
0x13c: {  	v18 =	vmul.f32 $6.931471820e-01, v18;
	v14 =	vmul.f32 v14, v17;
	vm6 =	vmand vm6, vm8;
	s20 =	sor.u32 s31, s20;
	[sflag:s14] =	ssyncadd.s32 $0xFFFFC000  }
0x13d: {  	v19 =	vadd.f32 $-9.005413060e+01, v23;
	v20 =	vmpcnt.ones.xlane vm6;
	v16 =	vadd.f32 $-9.005413060e+01, v16;
	v23 =	vld [tilespmem:s20+$0x8020]  }
0x13e: {  	v9 =	vmul.f32 v21, v9;
	v10 =	vsub.f32 v10, v11;
	v11 =	vmpcnt.ones.xlane vm5  }
0x13f: {  	vm15 =	vge.f32 v21, $1.000000000e+00;
	v3 =	vadd.s32 v3, v20;
	v16 =	vadd.f32 v16, v18;
	v17 =	vld [tilespmem:s20+$0x8030]  }
0x140: {  	v14 =	vadd.f32 $-9.005413060e+01, v14;
	v21 =	vnsel vm1, $0x0, v10;
	v3 =	vadd.s32 v11, v3;
	v11 =	vld [tilespmem:s20+$0x8010]  }
0x141: {  	v18 =	vnsel vm2, $0x0, v10;
	v10 =	vmul.f32 $6.931471820e-01, v12;
	v16 =	vsub.f32 v16, v8;
	v8 =	vld [tilespmem:s20+$0x8000]  }
0x142: {  	vm0 =	vmand vm7, vm0;
	v19 =	vadd.f32 v19, v22;
	v22 =	vmul.f32 $1.442695020e+00, v23  }
0x143: {  	v20 =	vmpcnt.ones.xlane vm15;
	v10 =	vadd.f32 v14, v10;
	v14 =	vmpcnt.ones.xlane vm0  }
0x144: {  	v9 =	vsub.f32 v19, v9;
	v24 =	vmul.f32 $1.442695020e+00, v17;
	(erf) = vpow2.f32 v22  }
0x145: {  	v12 =	vnsel vm0, $0x0, v16;
	v16 =	vnsel vm4, $0x0, v16;
	v19 =	vmul.f32 $1.442695020e+00, v11  }
0x146: {  	v5 =	vadd.f32 v16, v5;
	v16 =	vmul.f32 $1.442695020e+00, v8;
	(erf) = vpow2.f32 v24  }
0x147: {  	v27 =	vld [tilespmem:s20+$0xC020];
	v1 =	vadd.s32 v1, v20;
	v10 =	vsub.f32 v10, v15;
	(erf) = vpow2.f32 v19  }
0x148: {  	v15 =	vnsel vm6, $0x0, v9;
	v9 =	vnsel vm15, $0x0, v9;
	(erf) = vpow2.f32 v16  }
0x149: {  	v2 =	vadd.s32 v2, v14;
	v14 =	vmpcnt.ones.xlane vm2;
	v6 =	vadd.f32 v12, v6  }
0x14a: {  	v4 =	vadd.f32 v9, v4;
	v12 =	vnsel vm5, $0x0, v10;
	v19 =	vnsel vm3, $0x0, v10;
	v10 =	vld [tilespmem:s20+$0xC010]  }
0x14b: {  	v9 =	vmpcnt.ones.xlane vm4;
	v7 =	vadd.f32 v15, v7;
	v6 =	vadd.f32 v21, v6;
	v21 =	vld [tilespmem:s20+$0xC030]  }
0x14c: {  	v2 =	vadd.s32 v13, v2;
	vm5 =	vlt.f32 v27, $8.000000110e-01;
	vm6 =	vgt.f32 v27, $0.0e+00  }
0x14d: {  	v0 =	vadd.s32 v0, v9;
	v7 =	vadd.f32 v12, v7;
	v16 =	vmpcnt.ones.xlane vm3;
	v12 =	vpop (erf)  }
0x14e: {  	v5 =	vadd.f32 v18, v5;
	v0 =	vadd.s32 v14, v0;
	v12 =	vadd.f32 $1.000000000e+00, v12  }
0x14f: {  	v4 =	vadd.f32 v19, v4;
	v1 =	vadd.s32 v16, v1;
	v9 =	vmul.f32 v10, v11;
	v13 =	vpop (erf)  }
0x150: {  	v11 =	vmul.f32 v21, v17;
	v13 =	vadd.f32 $1.000000000e+00, v13;
	v14 =	vpop (erf);
	v15 =	vadd.s32 $0x400000, v12  }
0x151: {  	v16 =	vadd.f32 $1.000000000e+00, v14;
	v18 =	vpop (erf);
	v14 =	vshra.s32 v15, $0x17;
	v15 =	vand.u32 $0xFF800000, v15  }
0x152: {  	v17 =	vadd.s32 $0x400000, v13;
	v18 =	vadd.f32 $1.000000000e+00, v18;
	v15 =	vsub.s32 v12, v15  }
0x153: {  	v19 =	vand.u32 $0xFF800000, v17;
	v12 =	vcvt.s32.f32 v14;
	v14 =	vadd.s32 $0x3F800000, v15  }
0x154: {  	v13 =	vsub.s32 v13, v19;
	v15 =	vadd.s32 $0x400000, v16;
	v19 =	vadd.s32 $0x400000, v18  }
0x155: {  	v24 =	vadd.s32 $0x3F800000, v13;
	v13 =	vshra.s32 v17, $0x17;
	v17 =	vand.u32 $0xFF800000, v19  }
0x156: {  	v22 =	vand.u32 $0xFF800000, v15;
	v20 =	vmul.f32 $1.752788130e-01, v24;
	v17 =	vsub.s32 v18, v17  }
0x157: {  	v13 =	vcvt.s32.f32 v13;
	v16 =	vsub.s32 v16, v22;
	v26 =	vadd.s32 $0x3F800000, v17  }
0x158: {  	v18 =	vadd.s32 $0x3F800000, v16;
	v16 =	vmul.f32 $1.752788130e-01, v14;
	v17 =	vsub.f32 $1.044154640e+00, v20  }
0x159: {  	v15 =	vshra.s32 v15, $0x17;
	v20 =	vmul.f32 $6.931471820e-01, v13;
	v13 =	vmul.f32 $1.752788130e-01, v26  }
0x15a: {  	v25 =	vshra.s32 v19, $0x17;
	v19 =	vcvt.s32.f32 v15;
	v17 =	vmul.f32 v24, v17  }
0x15b: {  	v28 =	vmul.f32 $1.752788130e-01, v18;
	v15 =	vsub.f32 $1.044154640e+00, v16;
	v13 =	vsub.f32 $1.044154640e+00, v13  }
0x15c: {  	vm1 =	vgt.f32 v21, $0.0e+00;
	vm2 =	vlt.f32 v21, $8.000000110e-01;
	v16 =	vadd.f32 $-2.587013010e+00, v17  }
0x15d: {  	v15 =	vmul.f32 v14, v15;
	v13 =	vmul.f32 v26, v13;
	v17 =	vsub.f32 $1.044154640e+00, v28  }
0x15e: {  	vm1 =	vmand vm1, vm2;
	v22 =	vcvt.s32.f32 v25;
	v16 =	vmul.f32 v24, v16  }
0x15f: {  	v63 =	vadd.f32 $-2.587013010e+00, v15;
	v25 =	vadd.f32 $-2.587013010e+00, v13;
	v17 =	vmul.f32 v18, v17  }
0x160: {  	vm2 =	vge.f32 v21, $1.000000000e+00;
	v15 =	vmul.f32 v27, v23;
	v16 =	vadd.f32 $3.742640730e+00, v16  }
0x161: {  	v21 =	vmul.f32 v14, v63;
	v23 =	vmul.f32 v26, v25;
	v17 =	vadd.f32 $-2.587013010e+00, v17  }
0x162: {  	vm5 =	vmand vm6, vm5;
	vm3 =	vge.f32 v27, $1.000000000e+00;
	v16 =	vmul.f32 v24, v16  }
0x163: {  	v23 =	vadd.f32 $3.742640730e+00, v23;
	v25 =	vmul.f32 v18, v17;
	v17 =	vadd.f32 $3.742640730e+00, v21;
	v21 =	vld [tilespmem:s20+$0xC000]  }
0x164: {  	vm0 =	vlt.f32 v10, $8.000000110e-01;
	vm4 =	vge.f32 v10, $1.000000000e+00;
	v13 =	vmpcnt.ones.xlane vm1  }
0x165: {  	s24 =	simm.s32 $0x1;
	s21 =	simm.s32 $0x200;
	s20 =	simm.s32 $0x40;
	v24 =	vadd.f32 $-9.005413060e+01, v16;
	v23 =	vmul.f32 v26, v23;
	v16 =	vadd.f32 $3.742640730e+00, v25  }
.LBB2_8:
0x166: {  	s22 =	sand.u32 $0x40, s20  }
0x167: {  	s23 =	sshll.u32 s24, $0x6;
	s25 =	sand.u32 $0x400, s21;
	v22 =	vmul.f32 $6.931471820e-01, v22;
	vm7 =	vgt.f32 v10, $0.0e+00;
	v10 =	vadd.f32 v24, v20;
	s26 =	smov.u32 s24  }
0x168: {  	s23 =	sand.u32 $0x3800, s23;
	s26 =	sshll.u32 s24, $0x5;
	s22 =	sor.u32 s22, s25;
	v20 =	vadd.f32 $-9.005413060e+01, v23;
	vm6 =	vgt.f32 v21, $0.0e+00;
	vm8 =	vlt.f32 v21, $8.000000110e-01  }
0x169: {  	v23 =	vmul.f32 v21, v8;
	v8 =	vmul.f32 v18, v16;
	s25 =	sand.u32 $0x380, s26;
	s23 =	sor.u32 s23, s22;
	s22 =	sadd.s32 $0x1, s24;
	vm6 =	vmand vm6, vm8  }
0x16a: {  	p0 =	sne.s32 s24, $0xFF;
	v10 =	vsub.f32 v10, v11;
	s23 =	sor.u32 s25, s23;
	v18 =	vadd.f32 v20, v22;
	v20 =	vmpcnt.ones.xlane vm6  }
0x16b: {  	v11 =	vmul.f32 $6.931471820e-01, v19;
	v19 =	vmpcnt.ones.xlane vm5;
	v8 =	vadd.f32 $-9.005413060e+01, v8;
	v16 =	vld [tilespmem:s23+$0x8020]  }
0x16c: {  	v14 =	vmul.f32 v14, v17;
	v22 =	vld [tilespmem:s23+$0x8030];
	v3 =	vadd.s32 v3, v20;
	v20 =	vnsel vm2, $0x0, v10  }
0x16d: {  	vm8 =	vge.f32 v21, $1.000000000e+00;
	v11 =	vadd.f32 v8, v11;
	v17 =	vld [tilespmem:s23+$0xC030];
	v3 =	vadd.s32 v19, v3  }
0x16e: {  	v21 =	vmpcnt.ones.xlane vm8;
	v19 =	vld [tilespmem:s23+$0x8010]  }
0x16f: {  	v9 =	vsub.f32 v11, v9;
	v11 =	vadd.f32 $-9.005413060e+01, v14;
	v14 =	vnsel vm1, $0x0, v10;
	v8 =	vld [tilespmem:s23+$0x8000]  }
0x170: {  	v12 =	vmul.f32 $6.931471820e-01, v12;
	vm0 =	vmand vm7, vm0;
	v10 =	vmul.f32 $1.442695020e+00, v16  }
0x171: {  	v25 =	vnsel vm0, $0x0, v9;
	v9 =	vnsel vm4, $0x0, v9;
	v24 =	vmul.f32 $1.442695020e+00, v22  }
0x172: {  	v18 =	vsub.f32 v18, v23;
	v11 =	vadd.f32 v11, v12;
	(erf) = vpow2.f32 v10  }
0x173: {  	v23 =	vmpcnt.ones.xlane vm0;
	v5 =	vadd.f32 v9, v5;
	v10 =	vld [tilespmem:s23+$0xC010];
	v12 =	vmul.f32 $1.442695020e+00, v19  }
0x174: {  	v11 =	vsub.f32 v11, v15;
	v9 =	vmul.f32 $1.442695020e+00, v8;
	(erf) = vpow2.f32 v24  }
0x175: {  	v6 =	vadd.f32 v25, v6;
	(erf) = vpow2.f32 v12;
	v12 =	vnsel vm6, $0x0, v18  }
0x176: {  	v5 =	vadd.f32 v20, v5;
	v15 =	vnsel vm5, $0x0, v11;
	v24 =	vnsel vm3, $0x0, v11  }
0x177: {  	v11 =	vmpcnt.ones.xlane vm3;
	v18 =	vnsel vm8, $0x0, v18;
	(erf) = vpow2.f32 v9  }
0x178: {  	v1 =	vadd.s32 v1, v21;
	v6 =	vadd.f32 v14, v6;
	v9 =	vmul.f32 v10, v19  }
0x179: {  	v2 =	vadd.s32 v2, v23;
	v1 =	vadd.s32 v11, v1;
	vm0 =	vlt.f32 v10, $8.000000110e-01  }
0x17a: {  	v2 =	vadd.s32 v13, v2;
	vm1 =	vgt.f32 v17, $0.0e+00;
	v11 =	vmul.f32 v17, v22  }
0x17b: {  	v20 =	vmpcnt.ones.xlane vm4;
	vm3 =	vlt.f32 v17, $8.000000110e-01;
	v4 =	vadd.f32 v18, v4;
	v13 =	vpop (erf)  }
0x17c: {  	vm1 =	vmand vm1, vm3;
	v18 =	vmpcnt.ones.xlane vm2;
	v13 =	vadd.f32 $1.000000000e+00, v13  }
0x17d: {  	v0 =	vadd.s32 v0, v20;
	v7 =	vadd.f32 v12, v7;
	v4 =	vadd.f32 v24, v4;
	v19 =	vpop (erf)  }
0x17e: {  	v0 =	vadd.s32 v18, v0;
	v12 =	vadd.s32 $0x400000, v13;
	v19 =	vadd.f32 $1.000000000e+00, v19;
	v14 =	vpop (erf)  }
0x17f: {  	v18 =	vadd.f32 $1.000000000e+00, v14;
	v21 =	vshra.s32 v12, $0x17;
	v12 =	vand.u32 $0xFF800000, v12  }
0x180: {  	v13 =	vsub.s32 v13, v12;
	v12 =	vcvt.s32.f32 v21;
	v20 =	vadd.s32 $0x400000, v19;
	v14 =	vpop (erf)  }
0x181: {  	v21 =	vadd.f32 $1.000000000e+00, v14;
	v14 =	vadd.s32 $0x3F800000, v13;
	v13 =	vand.u32 $0xFF800000, v20  }
0x182: {  	v22 =	vadd.s32 $0x400000, v18;
	v20 =	vshra.s32 v20, $0x17;
	v13 =	vsub.s32 v19, v13  }
0x183: {  	v23 =	vand.u32 $0xFF800000, v22;
	v19 =	vadd.s32 $0x400000, v21;
	v24 =	vadd.s32 $0x3F800000, v13  }
0x184: {  	v20 =	vcvt.s32.f32 v20;
	v13 =	vand.u32 $0xFF800000, v19;
	v25 =	vmul.f32 $1.752788130e-01, v24  }
0x185: {  	v18 =	vsub.s32 v18, v23;
	v26 =	vshra.s32 v19, $0x17;
	v13 =	vsub.s32 v21, v13  }
0x186: {  	v20 =	vmul.f32 $6.931471820e-01, v20;
	v23 =	vadd.s32 $0x3F800000, v13;
	v13 =	vsub.f32 $1.044154640e+00, v25  }
0x187: {  	v18 =	vadd.s32 $0x3F800000, v18;
	v21 =	vshra.s32 v22, $0x17;
	v19 =	vmul.f32 $1.752788130e-01, v23;
	v25 =	vld [tilespmem:s23+$0xC020]  }
0x188: {  	v7 =	vadd.f32 v15, v7;
	v27 =	vmul.f32 $1.752788130e-01, v14;
	v13 =	vmul.f32 v24, v13  }
0x189: {  	v28 =	vmul.f32 $1.752788130e-01, v18;
	v15 =	vsub.f32 $1.044154640e+00, v19;
	v19 =	vcvt.s32.f32 v21  }
0x18a: {  	v22 =	vcvt.s32.f32 v26;
	v21 =	vsub.f32 $1.044154640e+00, v27;
	v13 =	vadd.f32 $-2.587013010e+00, v13  }
0x18b: {  	v26 =	vsub.f32 $1.044154640e+00, v28;
	v15 =	vmul.f32 v23, v15  }
0x18c: {  	v21 =	vmul.f32 v14, v21;
	vm3 =	vge.f32 v25, $1.000000000e+00;
	v27 =	vmul.f32 v24, v13  }
0x18d: {  	v26 =	vmul.f32 v18, v26;
	v13 =	vmpcnt.ones.xlane vm1;
	v28 =	vadd.f32 $-2.587013010e+00, v15  }
0x18e: {  	v29 =	vadd.f32 $-2.587013010e+00, v21;
	v15 =	vmul.f32 v25, v16;
	v16 =	vadd.f32 $3.742640730e+00, v27  }
.Ltmp3:
0x18f: {  	vm2 =	vge.f32 v17, $1.000000000e+00;
	v26 =	vadd.f32 $-2.587013010e+00, v26;
	v27 =	vmul.f32 v23, v28;
	(pc) =	sbr.rel @p0 .LBB2_8-.Ltmp3, $4  }
0x190: {  	vm4 =	vge.f32 v10, $1.000000000e+00;
	v17 =	vmul.f32 v14, v29;
	v21 =	vld [tilespmem:s23+$0xC000];
	v16 =	vmul.f32 v24, v16  }
0x191: {  	vm5 =	vlt.f32 v25, $8.000000110e-01;
	v26 =	vmul.f32 v18, v26;
	v27 =	vadd.f32 $3.742640730e+00, v27  }
0x192: {  	vm6 =	vgt.f32 v25, $0.0e+00;
	v17 =	vadd.f32 $3.742640730e+00, v17;
	v24 =	vadd.f32 $-9.005413060e+01, v16  }
0x193: {  	s20 =	sadd.s32 $0x40, s20;
	s21 =	sadd.s32 $0x200, s21;
	s24 =	smov.u32 s22;
	vm5 =	vmand vm6, vm5;
	v16 =	vadd.f32 $3.742640730e+00, v26;
	v23 =	vmul.f32 v23, v27  }
0x194: {  	v22 =	vmul.f32 $6.931471820e-01, v22  }
0x195: {  	v19 =	vmul.f32 $6.931471820e-01, v19;
	v14 =	vmul.f32 v14, v17  }
0x196: {  	vm6 =	vgt.f32 v10, $0.0e+00;
	v49 =	vmpcnt.ones.xlane vm5;
	v12 =	vmul.f32 $6.931471820e-01, v12  }
0x197: {  	v45 =	vadd.f32 v24, v20;
	v57 =	vmpcnt.ones.xlane vm3;
	v58 =	vmpcnt.ones.xlane vm4  }
0x198: {  	v59 =	vmpcnt.ones.xlane vm2;
	v46 =	vadd.f32 $-9.005413060e+01, v23;
	vm7 =	vgt.f32 v21, $0.0e+00  }
0x199: {  	vm8 =	vlt.f32 v21, $8.000000110e-01;
	v16 =	vmul.f32 v18, v16;
	v8 =	vmul.f32 v21, v8  }
0x19a: {  	vm15 =	vge.f32 v21, $1.000000000e+00;
	vm0 =	vmand vm6, vm0;
	vm7 =	vmand vm7, vm8  }
0x19b: {  	v10 =	vsub.f32 v45, v11;
	v14 =	vadd.f32 $-9.005413060e+01, v14;
	v52 =	vmpcnt.ones.xlane vm15  }
0x19c: {  	v54 =	vmpcnt.ones.xlane vm0;
	v0 =	vadd.s32 v0, v58;
	v47 =	vadd.f32 v46, v22  }
0x19d: {  	v16 =	vadd.f32 $-9.005413060e+01, v16;
	v48 =	vmpcnt.ones.xlane vm7;
	v0 =	vadd.s32 v59, v0  }
0x19e: {  	v50 =	vnsel vm2, $0x0, v10;
	v51 =	vadd.f32 v14, v12;
	v10 =	vnsel vm1, $0x0, v10  }
0x19f: {  	v1 =	vadd.s32 v1, v52;
	v2 =	vadd.s32 v2, v54;
	v16 =	vadd.f32 v16, v19  }
0x1a0: {  	v3 =	vadd.s32 v3, v48;
	v8 =	vsub.f32 v47, v8;
	v2 =	vadd.s32 v13, v2  }
0x1a1: {  	v1 =	vadd.s32 v57, v1;
	v3 =	vadd.s32 v49, v3;
	v11 =	vsub.f32 v51, v15  }
0x1a2: {  	v0 =	vadd.s32 v1, v0;
	v9 =	vsub.f32 v16, v9;
	v55 =	vnsel vm7, $0x0, v8  }
0x1a3: {  	v8 =	vnsel vm15, $0x0, v8;
	v2 =	vadd.s32 v3, v2;
	v0 =	vcvt.s32.f32 v0  }
0x1a4: {  	v56 =	vnsel vm5, $0x0, v11;
	v53 =	vnsel vm4, $0x0, v9;
	v9 =	vnsel vm0, $0x0, v9  }
0x1a5: {  	v11 =	vnsel vm3, $0x0, v11;
	v7 =	vadd.f32 v55, v7;
	v6 =	vadd.f32 v9, v6  }
0x1a6: {  	v4 =	vadd.f32 v8, v4;
	v2 =	vcvt.s32.f32 v2;
	v5 =	vadd.f32 v53, v5  }
0x1a7: {  	v0 =	vmul.f32 $6.250000000e-02, v0;
	v7 =	vadd.f32 v56, v7;
	v6 =	vadd.f32 v10, v6  }
0x1a8: {  	v60 =	vadd.f32 v11, v4;
	v62 =	vmul.f32 $6.250000000e-02, v2;
	v5 =	vadd.f32 v50, v5  }
0x1a9: {  	[tilespmem:$0x10180] =	vst v0;
	v61 =	vadd.f32 v6, v7  }
0x1aa: {  	s19 =	sadd.s32 $0x1, s19;
	[tilespmem:$0x10080] =	vst v62;
	v63 =	vadd.f32 v5, v60  }
0x1ab: {  	p0 =	sne.s32 s19, s12;
	[tilespmem:$0x10000] =	vst v61  }
.Ltmp4:
0x1ac: {  	[tilespmem:$0x10100] =	vst v63;
	(pc) =	sbr.rel @p0 .LBB2_1-.Ltmp4, $4  }
0x1ad: {  	[hbm4b:s11+s2] =	stream.linear.scatter [tilespmem:s17], [sflag:$0x2], $0x200, $0x38;
	[tilespmem:$0x10200] =	vst v63  }
0x1ae: {  	_ =	swait.ge [sflag:s18], $0x200  }
0x1af: {  	[sflag:s18] =	ssyncset.done $0x0  }
0x1b0: {  	[sflag:s18] =	ssyncadd.s32 $0xFFFFFE00  }
0x1b1: {  	_ =	sfence.sel $0x180000  }
0x1b2: {  	[bflag:$0x0] =	sbarrier.arrive $0xFFFF  }
0x1b3: {  	p0 =	sne.s32 s0, $0x0;
	_ =	strace $0x90000047  }
0x1b4: {  	s0 =	sadd.s32 @!p0 $0x100000, s1;
	[bflag:$0x2] =	sbarrier.arrive $0xFFFF  }
0x1b5: {  	[sflag:s0] =	ssyncadd.tile.s32 @!p0 $0x1;
	_ =	shalt  }
.Lfunc_end2:
_tile_overlayer_lowered:
.L_overlay_start_2:
0x1b6: {  	(tag) =	ssettag $0x2  }
0x1b7: {  	s0 =	rddreg [dreg:$0x0];
	s2 =	stileid.u32  }
0x1b8: {  	s1 =	rddreg [dreg:$0x1];
	p0 =	sne.s32 s2, $0x0  }
0x1b9: {  	s3 =	rddreg [dreg:$0x2];
	[bflag:$0x3] =	sbarrier.arrive $0xFFFF;
	s2 =	simm.s32 @!p0 $0x1C02  }
0x1ba: {  	[timem:s3], [sflag:s2] =	dma.local @!p0 [hbm:s0], s1  }
0x1bb: {  	s0 =	simm.s32 @!p0 $0x2  }
0x1bc: {  	_ =	swait.ge @!p0 [sflag:s0], s1  }
0x1bd: {  	s1 =	ssub.s32 @!p0 $0x0, s1;
	[sflag:s0] =	ssyncset.done @!p0 $0x0  }
0x1be: {  	[sflag:s0] =	ssyncadd.s32 @!p0 s1  }
0x1bf: {  	[bflag:$0x3] =	sbarrier.arrive $0xFFFF  }
0x1c0: {  	_ =	shalt  }

// kernel: kernel.7.cloned.1.call-start
scs
__scs_entry_jumppad:
0x0: {  	(pc) =	sbr.rel $0x88, $3  }
0x1: {  	(tag) =	ssettag $0x0;
	lr =	simm.s32 $0x1  }
0x2: {  	[smem:$0x3F9F] =	sst lr;
	_ =	strace $0xD0000000  }
0x3: {  	_ = 	snop  }
0x4: {  	_ = 	snop  }
0x5: {  	_ = 	snop  }
0x6: {  	_ = 	snop  }
0x7: {  	_ = 	snop  }
__scs_overlays_trampoline_lowered:
0x8: {  	[smem:$0x3FAE] =	sst s0  }
0x9: {  	[smem:$0x3FAF] =	sst s1  }
0xa: {  	[smem:$0x3FB0] =	sst s2  }
0xb: {  	[smem:$0x3FB1] =	sst s3  }
0xc: {  	[smem:$0x3FB2] =	sst s4  }
0xd: {  	[smem:$0x3FB3] =	sst s5  }
0xe: {  	[smem:$0x3FB4] =	sst s6  }
0xf: {  	[smem:$0x3FB5] =	sst s7  }
0x10: {  	[smem:$0x3FB6] =	sst s8  }
0x11: {  	[smem:$0x3FB7] =	sst s9;
	s0 =	simm.s32 @!p0 $0x0  }
0x12: {  	s1 =	sld [smem:$0x3F9D];
	s0 =	simm.s32 @p0 $0x1  }
0x13: {  	[smem:$0x3FB8] =	sst s0;
	s0 =	simm.s32 @!p1 $0x0  }
0x14: {  	s2 =	sld [smem:$0x3F9C];
	s0 =	simm.s32 @p1 $0x1  }
0x15: {  	[smem:$0x3FB9] =	sst s0;
	s0 =	simm.s32 @!p2 $0x0  }
0x16: {  	s3 =	sld [smem:$0x3FDB];
	s0 =	simm.s32 @p2 $0x1  }
0x17: {  	s4 =	simm.s32 $0x1BF5;
	[smem:$0x3FBB] =	sst s0  }
0x18: {  	s0 =	sld [smem:$0x3F9E];
	_ =	swait.ge [sflag:s4], $0x0  }
0x19: {  	s7 =	sld [smem:$0x3F9F]  }
0x1a: {  	s8 =	sadd.s32 $0xFFFFE003, lr  }
0x1b: {  	s9 =	sadd.s32 $0xFFFFFEF7, lr;
	s5 =	simm.s32 $0xFFFFFFFF;
	p2 =	slt.u32 s8, $0xFFFFF086  }
0x1c: {  	p1 =	slt.u32 s9, $0xF7A;
	s5 =	simm.s32 @!p2 $0x0  }
0x1d: {  	s5 =	simm.s32 @p1 $0x1;
	p0 =	seq.s32 s7, s2  }
0x1e: {  	s7 =	smul.u32 @!p0 $0xF7A, s2;
	p2 =	seq.s32 @!p0 s5, $0x0  }
0x1f: {  	s9 =	smul.u32 $0xF7A, s1;
	s8 =	simm.s32 @!p0 $0x1BF5;
	p2 =	por !p2, p0  }
0x20: {  	[sflag:s8] =	ssyncset.s32 @!p0 $0xFFFFF086;
	s6 =	sadd.s32 @!p0 s3, s7;
	s7 =	simm.s32 @!p0 $0x108  }
0x21: {  	s3 =	sadd.s32 s3, s9;
	s6 =	sadd.s32 @!p0 $0x88, s6;
	s7 =	simm.s32 @p2 $0x1082  }
0x22: {  	[simem:s7], [sflag:s8] =	dma.local @!p0 [hbm:s6], $0xF7A  }
0x23: {  	s9 =	sor.u32 $0xD0000000, s2;
	s6 =	simm.s32 $0x108;
	_ =	swait.ge @!p0 [sflag:s8], $0x0  }
0x24: {  	s3 =	sadd.s32 $0x88, s3;
	s6 =	simm.s32 @!p1 $0x1082;
	[sflag:s4] =	ssyncset.s32 $0xFFFFF086  }
0x25: {  	[simem:s6], [sflag:s4] =	dma.local [hbm:s3], $0xF7A  }
0x26: {  	[smem:$0x3F9F] =	sst s1;
	(tag) =	ssettag s2;
	_ =	strace s9  }
0x27: {  	s1 =	sld [smem:$0x3FAF]  }
0x28: {  	s2 =	sld [smem:$0x3FB0]  }
0x29: {  	s4 =	sld [smem:$0x3FB2]  }
0x2a: {  	p0 =	seq.s32 s5, $0x0;
	s5 =	sld [smem:$0x3FB3]  }
0x2b: {  	s6 =	sld [smem:$0x3FB4]  }
0x2c: {  	s7 =	sld [smem:$0x3FB5]  }
0x2d: {  	s3 =	simm.s32 $0x108;
	s8 =	sld [smem:$0x3FB6]  }
0x2e: {  	s3 =	simm.s32 @!p0 $0x1082;
	s9 =	sld [smem:$0x3FB7]  }
0x2f: {  	lr =	sadd.s32 s0, s3;
	s0 =	sld [smem:$0x3FAE]  }
0x30: {  	s3 =	sld [smem:$0x3FB1]  }
0x31: {  	[smem:$0x3FBA] =	sst s10  }
0x32: {  	s10 =	sld [smem:$0x3FB8];
	_ =	sdelay $0x3  }
0x33: {  	p0 =	seq.s32 s10, $0x1;
	s10 =	sld [smem:$0x3FBA];
	_ =	sdelay $0x3  }
0x34: {  	[smem:$0x3FBA] =	sst s10  }
0x35: {  	s10 =	sld [smem:$0x3FB9];
	_ =	sdelay $0x3  }
0x36: {  	p1 =	seq.s32 s10, $0x1;
	s10 =	sld [smem:$0x3FBA];
	_ =	sdelay $0x3  }
0x37: {  	[smem:$0x3FBA] =	sst s10  }
0x38: {  	s10 =	sld [smem:$0x3FBB]  }
0x39: {  	_ = 	snop;
	(pc) =	sbr.ind lr, $3  }
0x3a: {  	_ = 	snop  }
0x3b: {  	_ = 	snop  }
0x3c: {  	p2 =	seq.s32 s10, $0x1;
	s10 =	sld [smem:$0x3FBA]  }
0x3d: {  	_ =	shalt  }
0x3e: {  	_ =	shalt  }
0x3f: {  	_ =	shalt  }
0x40: {  	_ =	shalt  }
0x41: {  	_ =	shalt  }
0x42: {  	_ =	shalt  }
0x43: {  	_ =	shalt  }
0x44: {  	_ =	shalt  }
0x45: {  	_ =	shalt  }
0x46: {  	_ =	shalt  }
0x47: {  	_ =	shalt  }
0x48: {  	_ =	shalt  }
0x49: {  	_ =	shalt  }
0x4a: {  	_ =	shalt  }
0x4b: {  	_ =	shalt  }
0x4c: {  	_ =	shalt  }
0x4d: {  	_ =	shalt  }
0x4e: {  	_ =	shalt  }
0x4f: {  	_ =	shalt  }
0x50: {  	_ =	shalt  }
0x51: {  	_ =	shalt  }
0x52: {  	_ =	shalt  }
0x53: {  	_ =	shalt  }
0x54: {  	_ =	shalt  }
0x55: {  	_ =	shalt  }
0x56: {  	_ =	shalt  }
0x57: {  	_ =	shalt  }
0x58: {  	_ =	shalt  }
0x59: {  	_ =	shalt  }
0x5a: {  	_ =	shalt  }
0x5b: {  	_ =	shalt  }
0x5c: {  	_ =	shalt  }
0x5d: {  	_ =	shalt  }
0x5e: {  	_ =	shalt  }
0x5f: {  	_ =	shalt  }
0x60: {  	_ =	shalt  }
0x61: {  	_ =	shalt  }
0x62: {  	_ =	shalt  }
0x63: {  	_ =	shalt  }
0x64: {  	_ =	shalt  }
0x65: {  	_ =	shalt  }
0x66: {  	_ =	shalt  }
0x67: {  	_ =	shalt  }
0x68: {  	_ =	shalt  }
0x69: {  	_ =	shalt  }
0x6a: {  	_ =	shalt  }
0x6b: {  	_ =	shalt  }
0x6c: {  	_ =	shalt  }
0x6d: {  	_ =	shalt  }
0x6e: {  	_ =	shalt  }
0x6f: {  	_ =	shalt  }
0x70: {  	_ =	shalt  }
0x71: {  	_ =	shalt  }
0x72: {  	_ =	shalt  }
0x73: {  	_ =	shalt  }
0x74: {  	_ =	shalt  }
0x75: {  	_ =	shalt  }
0x76: {  	_ =	shalt  }
0x77: {  	_ =	shalt  }
0x78: {  	_ =	shalt  }
0x79: {  	_ =	shalt  }
0x7a: {  	_ =	shalt  }
0x7b: {  	_ =	shalt  }
0x7c: {  	_ =	shalt  }
0x7d: {  	_ =	shalt  }
0x7e: {  	_ =	shalt  }
0x7f: {  	_ =	shalt  }
0x80: {  	_ =	shalt  }
0x81: {  	_ =	shalt  }
0x82: {  	_ =	shalt  }
0x83: {  	_ =	shalt  }
0x84: {  	_ =	shalt  }
0x85: {  	_ =	shalt  }
0x86: {  	_ =	shalt  }
0x87: {  	_ =	shalt  }
.Lfunc_end0:
.L_simem_size_0:
called_computation.1_lowered:
.L_overlay_start_0:
0x88: {  	s2 =	sld [smem:$0x3FD9]  }
0x89: {  	s3 =	sld [smem:$0x3FFE];
	_ =	sdelay $0x1  }
0x8a: {  	s1 =	srdreg.scid  }
0x8b: {  	s0 =	sand.u32 $0x1, s1  }
0x8c: {  	s17 =	sshll.u32 s0, $0xA;
	s2 =	sadd.s32 s3, s2  }
0x8d: {  	s2 =	sadd.s32 s2, s17  }
0x8e: {  	[smem:$0x3FC6] =	sst s2  }
0x8f: {  	_ = 	snop  }
0x90: {  	s2 =	sld [smem:$0x3FD0];
	(tm) =	ssettm $0x1  }
0x91: {  	s18 =	sld [smem:$0x3FFB];
	_ =	sdelay $0x3  }
0x92: {  	_ =	strace s18  }
0x93: {  	s3 =	sld [smem:$0x3FFC];
	_ =	sdelay $0x3  }
0x94: {  	_ =	strace s3  }
0x95: {  	s3 =	sld [smem:$0x3FFD];
	_ =	sdelay $0x3  }
0x96: {  	_ =	strace s3  }
0x97: {  	_ =	strace $0x8FFFFFFF  }
0x98: {  	s19 =	sld [smem:$0x3FDB];
	_ =	sdelay $0x1  }
0x99: {  	s4 =	simm.s32 $_scs_section_size  }
0x9a: {  	s5 =	simm.s32 $_size__tile_overlayer_lowered;
	s6 =	simm.s32 $_tile_overlayer_lowered  }
0x9b: {  	s22 =	simm.s32 $0x1BFF;
	s21 =	sshll.u32 s6, $0x1;
	s3 =	sadd.s32 s4, s19  }
0x9c: {  	s7 =	simm.s32 $0x0;
	s20 =	sshll.u32 s5, $0x1;
	s5 =	sadd.s32 s21, s3  }
0x9d: {  	[timem:s7], [sflag:s22] =	dma.local [hbm:s5], s20  }
0x9e: {  	_ =	swait.ge [sflag:s22], s20  }
0x9f: {  	s4 =	ssub.s32 $0x0, s20;
	[sflag:s22] =	ssyncset.done $0x0  }
0xa0: {  	[sflag:s22] =	ssyncadd.s32 s4;
	_ =	sdelay $0x1  }
0xa1: {  	s23 =	simm.s32 $0x1B8B  }
0xa2: {  	_ =	swait.ge [sflag:s23], $0x1  }
0xa3: {  	[sflag:s23] =	ssyncset.done $0x0  }
0xa4: {  	s25 =	simm.s32 $0x1B8E;
	s24 =	sld [smem:$0x3FFE];
	[sflag:s23] =	ssyncadd.s32 $0xFFFFFFFF  }
0xa5: {  	s26 =	simm.s32 $execute0_lowered;
	[smem:$0x3FD2] =	sst s25  }
0xa6: {  	s5 =	sshll.u32 s26, $0x1;
	_ =	strace $0x80000049;
	[dreg:$0x1] =	wrdreg $0xFFFFFFFF  }
0xa7: {  	s28 =	simm.s32 $_size_execute0_lowered;
	s3 =	sadd.s32 s3, s5;
	[dreg:$0x0] =	wrdreg $0x0  }
0xa8: {  	s5 =	sshll.u32 s28, $0x1;
	[dreg:$0x2] =	wrdreg s3  }
0xa9: {  	[dreg:$0x3] =	wrdreg s5  }
0xaa: {  	[dreg:$0x4] =	wrdreg $0xC0  }
0xab: {  	_ =	task [dreg:s7], $0x5FFFF  }
0xac: {  	[dreg:$0x1] =	wrdreg $0xFFFFFFFF  }
0xad: {  	[dreg:$0x0] =	wrdreg $0x60  }
0xae: {  	[dreg:$0x2] =	wrdreg s24  }
0xaf: {  	[dreg:$0x3] =	wrdreg s2  }
0xb0: {  	[dreg:$0x4] =	wrdreg $0x9  }
0xb1: {  	_ =	task.clear_ibuf [dreg:s7], $0x5FFFF;
	_ =	strace $0x90000049  }
0xb2: {  	s29 =	simm.s32 $0x9;
	_ =	strace $0x8000004B  }
0xb3: {  	_ =	swait.ge [sflag:s29], $0x1  }
0xb4: {  	[sflag:s29] =	ssyncadd.s32 $0xFFFFFFFF  }
0xb5: {  	_ =	strace $0x9000004B  }
0xb6: {  	_ =	sfence  }
0xb7: {  	s30 =	sld [smem:$0x0];
	_ =	sdelay $0x2  }
0xb8: {  	s31 =	sshll.u32 s1, $0xD;
	s1 =	sshrl.u32 s1, $0x2  }
0xb9: {  	s3 =	sand.u32 $0x4000, s31;
	s1 =	sadd.s32 s1, s30  }
0xba: {  	s0 =	sor.u32 s3, s0;
	s1 =	sshll.u32 s1, $0x11  }
0xbb: {  	s0 =	sor.u32 s1, s0  }
0xbc: {  	s0 =	sadd.s32 $0x8F2B, s0  }
0xbd: {  	[sflag:s0] =	ssyncadd.remote.s32 $0x1  }
0xbe: {  	_ =	sfence.sel $0xFFFF  }
0xbf: {  	[dreg:$0x0] =	wrdreg $0xFFFFFFFF;
	(pc) =	sbr.abs _section_cstart, $3  }
0xc0: {  	[dreg:$0x1] =	wrdreg $0xFFFFFFFF  }
0xc1: {  	_ =	task.clear_ibuf [dreg:s7], $0x2FFFF;
	_ =	strace $0x9FFFFFFF  }
0xc2: {  	(tm) =	ssettm $0x7FFFFFFF  }
0xc3: {  	_ =	shalt  }
tec
execute0_lowered:
.L_overlay_start_1:
0x0: {  	(tag) =	ssettag $0x1  }
0x1: {  	s0 =	srdreg.scid  }
0x2: {  	s4 =	sand.u32 $0x1, s0;
	s0 =	stileid.u32  }
0x3: {  	s5 =	sshll.u32 s0, $0x1;
	s6 =	ssub.s32 $0x0, s4  }
0x4: {  	p0 =	sne.s32 s5, s6  }
.Ltmp0:
0x5: {  	_ = 	snop;
	(pc) =	sbr.rel @p0 .LBB2_5-.Ltmp0, $4  }
0x6: {  	_ = 	snop  }
0x7: {  	s3 =	rddreg [dreg:$0x0]  }
0x8: {  	s2 =	rddreg [dreg:$0x1]  }
0x9: {  	s1 =	rddreg [dreg:$0x2];
	_ =	strace $0x8000004A  }
0xa: {  	s4 =	ssub.s32 $0x2, s4  }
0xb: {  	s3 =	sadd.s32 $0x800, s3;
	s5 =	sshrl.u32 s4, $0x1  }
0xc: {  	s6 =	simm.s32 $0x1;
	s7 =	simm.s32 $0x4000;
	s4 =	ssub.s32 s4, s5  }
0xd: {  	s8 =	simm.s32 $0x0;
	s5 =	simm.s32 $0x0;
	s4 =	smax.u32 s4, $0x1  }
.LBB2_2:
0xe: {  	[tilespmem:s5], [sflag:$0x1] =	stream.linear.gather [hbm4b:s3+s5], $0x4000, $0x38;
	[tilespmem:$0x4080] =	vst v63  }
0xf: {  	_ =	swait.ge [sflag:s6], $0x4000  }
0x10: {  	[sflag:s6] =	ssyncset.done $0x0  }
0x11: {  	s10 =	simm.s32 $0x0;
	[sflag:s6] =	ssyncadd.s32 $0xFFFFC000  }
0x12: {  	v1 =	vld [tilespmem:s10+$0x180]  }
0x13: {  	v2 =	vld [tilespmem:s10+$0x0]  }
0x14: {  	v0 =	vimm.f32 $0.0e+00;
	v3 =	vld [tilespmem:s10+$0x80]  }
0x15: {  	s9 =	simm.s32 $0x800;
	v5 =	vimm.f32 $0.0e+00;
	v6 =	vimm.f32 $0.0e+00;
	v7 =	vimm.f32 $0.0e+00;
	v4 =	vld [tilespmem:s10+$0x100]  }
.LBB2_3:
0x16: {  	p0 =	sne.s32 s9, $0xF800  }
.Ltmp1:
0x17: {  	s10 =	sshra.s32 s9, $0x2;
	s9 =	sadd.s32 $0x800, s9;
	v0 =	vadd.f32 v1, v0;
	(pc) =	sbr.rel @p0 .LBB2_3-.Ltmp1, $4  }
0x18: {  	v1 =	vld [tilespmem:s10+$0x180];
	v5 =	vadd.f32 v2, v5  }
0x19: {  	v2 =	vld [tilespmem:s10+$0x0];
	v6 =	vadd.f32 v3, v6  }
0x1a: {  	v3 =	vld [tilespmem:s10+$0x80];
	v7 =	vadd.f32 v4, v7  }
0x1b: {  	v4 =	vld [tilespmem:s10+$0x100]  }
0x1c: {  	_ =	sdelay $0x1  }
0x1d: {  	v2 =	vadd.f32 v2, v5  }
0x1e: {  	v3 =	vadd.f32 v3, v6  }
0x1f: {  	v4 =	vadd.f32 v4, v7;
	(xrf2) =	vadd.scan.msk.f32 $0xffff, v2  }
0x20: {  	v0 =	vadd.f32 v1, v0;
	(xrf2) =	vadd.scan.msk.f32 $0xffff, v3  }
0x21: {  	(xrf2) =	vadd.scan.msk.f32 $0xffff, v4  }
0x22: {  	(xrf2) =	vadd.scan.msk.f32 $0xffff, v0;
	_ =	sdelay $0x6  }
0x23: {  	v56, _, _ =	vpop (xrf2)  }
0x24: {  	v57, _, _ =	vpop (xrf2)  }
0x25: {  	v58, _, _ =	vpop (xrf2)  }
0x26: {  	v1 =	vmax.f32 v57, $1.000000000e+00;
	v59, _, _ =	vpop (xrf2)  }
0x27: {  	v1 =	vbroadcast v1, $0xF;
	v3 =	vbroadcast v59, $0xF;
	_ =	sdelay $0x1  }
0x28: {  	(erf) = vrcp.f32 v1;
	v60 =	vmax.f32 v3, $1.000000000e+00  }
0x29: {  	(erf) = vrcp.f32 v60;
	_ =	sdelay $0x7  }
0x2a: {  	v0 =	vbroadcast v56, $0xF;
	v2 =	vbroadcast v58, $0xF;
	v61 =	vpop (erf)  }
0x2b: {  	v62 =	vpop (erf)  }
0x2c: {  	v0 =	vmul.f32 v61, v0;
	v63 =	vmul.f32 v62, v2;
	_ =	sdelay $0x1  }
0x2d: {  	v0 =	vadd.f32 v63, v0  }
0x2e: {  	s8 =	sadd.s32 $0x1, s8;
	vm0 =	vgt.f32 v3, $0.0e+00  }
0x2f: {  	p0 =	sne.s32 s8, s4;
	v0 =	vnsel vm0, $0x0, v0  }
.Ltmp2:
0x30: {  	[tilespmem:$0x4000] =	vst v0;
	(pc) =	sbr.rel @p0 .LBB2_2-.Ltmp2, $4  }
0x31: {  	[hbm4b:s2+s5] =	stream.linear.scatter [tilespmem:s7], [sflag:$0x1], $0x1, $0x38;
	[tilespmem:$0x4080] =	vst v63  }
0x32: {  	_ =	swait.ge [sflag:s6], $0x1  }
0x33: {  	[sflag:s6] =	ssyncset.done $0x0  }
0x34: {  	[sflag:s6] =	ssyncadd.s32 $0xFFFFFFFF  }
.LBB2_5:
0x35: {  	_ =	sfence.sel $0x180000  }
0x36: {  	[bflag:$0x0] =	sbarrier.arrive $0xFFFF  }
0x37: {  	p0 =	sne.s32 s0, $0x0;
	_ =	strace $0x9000004A  }
0x38: {  	s0 =	sadd.s32 @!p0 $0x100000, s1;
	[bflag:$0x2] =	sbarrier.arrive $0xFFFF  }
0x39: {  	[sflag:s0] =	ssyncadd.tile.s32 @!p0 $0x1;
	_ =	shalt  }
.Lfunc_end2:
_tile_overlayer_lowered:
.L_overlay_start_2:
0x3a: {  	(tag) =	ssettag $0x2  }
0x3b: {  	s0 =	rddreg [dreg:$0x0];
	s2 =	stileid.u32  }
0x3c: {  	s1 =	rddreg [dreg:$0x1];
	p0 =	sne.s32 s2, $0x0  }
0x3d: {  	s3 =	rddreg [dreg:$0x2];
	[bflag:$0x3] =	sbarrier.arrive $0xFFFF;
	s2 =	simm.s32 @!p0 $0x1C01  }
0x3e: {  	[timem:s3], [sflag:s2] =	dma.local @!p0 [hbm:s0], s1  }
0x3f: {  	s0 =	simm.s32 @!p0 $0x1  }
0x40: {  	_ =	swait.ge @!p0 [sflag:s0], s1  }
0x41: {  	s1 =	ssub.s32 @!p0 $0x0, s1;
	[sflag:s0] =	ssyncset.done @!p0 $0x0  }
0x42: {  	[sflag:s0] =	ssyncadd.s32 @!p0 s1  }
0x43: {  	[bflag:$0x3] =	sbarrier.arrive $0xFFFF  }
0x44: {  	_ =	shalt  }

</sc_bundles>
